<compile_context>
chip_gen: v7x
topology: tpu7x:2x2x1
jax: 0.10.2.dev20260603
libtpu: 0.0.44.dev20260713+nightly
codegen_flags: <defaults>
</compile_context>

<pallas_src>
import jax
import jax.numpy as jnp
from jax import lax
from jax.experimental import pallas as pl
from jax.experimental.pallas import tpu as pltpu

_TC_PARAMS = pltpu.CompilerParams(vmem_limit_bytes=4 * 1024 * 1024)

BR = 8
BE = 512
BA = 128
NSPEC_MAX = 128


def _edge_body(psx, psy, psz, pdx, pdy, pdz, sx, sy, sz, bb, cell9, out):
  b = bb[...]
  c9 = cell9[...]
  s0, s1, s2 = sx[...], sy[...], sz[...]
  zeros = jnp.zeros_like(s0)
  C = [zeros] * 9
  for k in range(32):
    m = (b == k).astype(jnp.float32)
    for j in range(9):
      C[j] = C[j] + m * c9[j, k]
  sv0 = s0 * C[0] + s1 * C[3] + s2 * C[6]
  sv1 = s0 * C[1] + s1 * C[4] + s2 * C[7]
  sv2 = s0 * C[2] + s1 * C[5] + s2 * C[8]
  vx = pdx[...] - psx[...] + sv0
  vy = pdy[...] - psy[...] + sv1
  vz = pdz[...] - psz[...] + sv2
  out[...] = jnp.sqrt(vx * vx + vy * vy + vz * vz + 1e-12)


def _lut_body(emb_ref, w_ref, e0_ref, o_ref):
  o_ref[...] = e0_ref[...] + jnp.sum(
      emb_ref[...] * w_ref[...], axis=1, keepdims=True)


def _combine_body(a_ref, nbr_ref, lut_ref, o_ref):
  a = a_ref[...]
  lutv = lut_ref[...]
  acc = jnp.zeros_like(nbr_ref[...])
  for k in range(NSPEC_MAX):
    acc = acc + (a == k).astype(jnp.float32) * lutv[0, k]
  o_ref[...] = acc + 0.01 * nbr_ref[...]


def kernel(pos, A, batch, edge_src, edge_dst, edge_shifts, cell, atom_emb,
           w_out, e0_lut):
  N = pos.shape[0]
  E = edge_src.shape[0]
  S, D = atom_emb.shape
  f32 = jnp.float32

  ps = jnp.take(pos, edge_src, axis=0)
  pd = jnp.take(pos, edge_dst, axis=0)
  b_e = jnp.take(batch, edge_src, axis=0)

  RE = E // BE
  def cols2(x):
    return x.reshape(RE, BE)
  psx, psy, psz = (cols2(ps[:, i]) for i in range(3))
  pdx, pdy, pdz = (cols2(pd[:, i]) for i in range(3))
  sx, sy, sz = (cols2(edge_shifts[:, i]) for i in range(3))
  bb = cols2(b_e)
  cell9 = cell.reshape(cell.shape[0], 9).T

  eb = pl.BlockSpec((BR, BE), lambda i: (i, 0))
  r2d = pl.pallas_call(
      _edge_body,
      grid=(-(-RE // BR),),
      in_specs=[eb] * 10 + [pl.BlockSpec((9, 32), lambda i: (0, 0))],
      out_specs=eb,
      out_shape=jax.ShapeDtypeStruct((RE, BE), f32),
      compiler_params=_TC_PARAMS,
  )(psx, psy, psz, pdx, pdy, pdz, sx, sy, sz, bb, cell9)

  nbr = jax.ops.segment_sum(r2d.reshape(-1), edge_src, num_segments=N)

  SP = NSPEC_MAX
  emb_pad = jnp.pad(atom_emb, ((0, SP - S), (0, 0)))
  e0_pad = jnp.pad(e0_lut, (0, SP - S))[:, None]
  lut2 = pl.pallas_call(
      _lut_body,
      out_shape=jax.ShapeDtypeStruct((SP, 1), f32),
      compiler_params=_TC_PARAMS,
  )(emb_pad, w_out[None, :], e0_pad)
  lutrow = lut2.reshape(1, SP)

  NP = -(-N // BA) * BA
  RA = NP // BA
  A_pad = jnp.pad(A, (0, NP - N)).reshape(RA, BA)
  nbr_pad = jnp.pad(nbr, (0, NP - N)).reshape(RA, BA)
  ab = pl.BlockSpec((BR, BA), lambda i: (i, 0))
  out2 = pl.pallas_call(
      _combine_body,
      grid=(-(-RA // BR),),
      in_specs=[ab, ab, pl.BlockSpec((1, SP), lambda i: (0, 0))],
      out_specs=ab,
      out_shape=jax.ShapeDtypeStruct((RA, BA), f32),
      compiler_params=_TC_PARAMS,
  )(A_pad, nbr_pad, lutrow)
  return out2.reshape(-1)[:N]

# --- scband reference (transcript-rebuilt; emitter-appended) ---
"""Pipeline reference for scband-e0-wrapped-model-27754078667291 (READ-ONLY COPY).

The authoritative reference and input builder live on the scoring server;
editing this copy changes nothing except your own understanding.
"""

import jax, jax.numpy as jnp
import numpy as np

N = 100000
E = 1600000
NSPEC = 119
D = 128
B = 32


def setup_inputs(seed: int = 0) -> dict:
    key = jax.random.key(seed)
    ks = jax.random.split(key, 10)
    pos = jax.random.normal(ks[0], (N, 3), dtype=jnp.float32) * 5.0
    A = jax.random.randint(ks[1], (N,), 0, NSPEC)
    batch = jnp.sort(jax.random.randint(ks[2], (N,), 0, B))
    edge_src = jax.random.randint(ks[3], (E,), 0, N)
    edge_dst = jax.random.randint(ks[4], (E,), 0, N)
    edge_shifts = jax.random.normal(ks[5], (E, 3), dtype=jnp.float32)
    cell = jax.random.normal(ks[6], (B, 3, 3), dtype=jnp.float32)
    # learned parameters of the (surrogate) wrapped per-atom energy model
    atom_emb = jax.random.normal(ks[7], (NSPEC, D), dtype=jnp.float32) * 0.1
    w_out = jax.random.normal(ks[8], (D,), dtype=jnp.float32) * 0.1
    # E0 lookup table registered as a buffer on the wrapper
    e0_lut = jax.random.normal(ks[9], (NSPEC,), dtype=jnp.float32)
    return {
        'pos': pos, 'A': A, 'batch': batch,
        'edge_src': edge_src, 'edge_dst': edge_dst,
        'edge_shifts': edge_shifts, 'cell': cell,
        'atom_emb': atom_emb, 'w_out': w_out, 'e0_lut': e0_lut,
    }


def _inner_model(pos, A, batch, edge_src, edge_dst, edge_shifts, cell, atom_emb, w_out):
    # per-edge periodic shift: shifts @ cell[structure(src)]
    cell_e = jnp.take(cell, jnp.take(batch, edge_src, axis=0), axis=0)  # [E,3,3]
    shift_vec = jnp.einsum('ei,eij->ej', edge_shifts, cell_e)          # [E,3]
    edge_vec = jnp.take(pos, edge_dst, axis=0) - jnp.take(pos, edge_src, axis=0) + shift_vec
    r = jnp.sqrt(jnp.sum(edge_vec * edge_vec, axis=-1) + 1e-12)        # [E]
    nbr = jax.ops.segment_sum(r, edge_src, num_segments=N)             # [N] scatter-add
    feat = jnp.take(atom_emb, A, axis=0)                               # [N,D] embedding gather
    per_atom = feat @ w_out + 0.01 * nbr                               # [N] per-atom energies
    return per_atom


def reference(pos, A, batch, edge_src, edge_dst, edge_shifts, cell, atom_emb, w_out, e0_lut):
    out = _inner_model(pos, A, batch, edge_src, edge_dst, edge_shifts, cell, atom_emb, w_out)
    # _E0WrappedModel: add E0(Z) via index_select on the lookup table
    e0 = jnp.take(e0_lut, A, axis=0)
    if out.ndim == 2:
        e0 = e0[:, None]
    return out + e0.astype(out.dtype)

if __name__ == "__main__":
    import jax
    _d = setup_inputs()
    print(jax.jit(kernel)(*tuple(_d.values())))

</pallas_src>

<mosaic_0001>
module attributes {stable_mosaic.version = 14 : i64} {
  func.func @_edge_body(%arg0: i32, %arg1: memref<8x512xf32, #tpu.memory_space<vmem>>, %arg2: memref<8x512xf32, #tpu.memory_space<vmem>>, %arg3: memref<8x512xf32, #tpu.memory_space<vmem>>, %arg4: memref<8x512xf32, #tpu.memory_space<vmem>>, %arg5: memref<8x512xf32, #tpu.memory_space<vmem>>, %arg6: memref<8x512xf32, #tpu.memory_space<vmem>>, %arg7: memref<8x512xf32, #tpu.memory_space<vmem>>, %arg8: memref<8x512xf32, #tpu.memory_space<vmem>>, %arg9: memref<8x512xf32, #tpu.memory_space<vmem>>, %arg10: memref<8x512xi32, #tpu.memory_space<vmem>>, %arg11: memref<9x32xf32, #tpu.memory_space<vmem>>, %arg12: memref<8x512xf32, #tpu.memory_space<vmem>>) attributes {dimension_semantics = [#tpu.dimension_semantics<arbitrary>], iteration_bounds = array<i64: 391>, scalar_prefetch = 0 : i64, scratch_operands = 0 : i64, tpu.core_type = #tpu.core_type<tc>, window_params = [{transform_indices = @transform_0, window_bounds = array<i64: 8, 512>}, {transform_indices = @transform_1, window_bounds = array<i64: 8, 512>}, {transform_indices = @transform_2, window_bounds = array<i64: 8, 512>}, {transform_indices = @transform_3, window_bounds = array<i64: 8, 512>}, {transform_indices = @transform_4, window_bounds = array<i64: 8, 512>}, {transform_indices = @transform_5, window_bounds = array<i64: 8, 512>}, {transform_indices = @transform_6, window_bounds = array<i64: 8, 512>}, {transform_indices = @transform_7, window_bounds = array<i64: 8, 512>}, {transform_indices = @transform_8, window_bounds = array<i64: 8, 512>}, {transform_indices = @transform_9, window_bounds = array<i64: 8, 512>}, {pipeline_mode = #tpu.pipeline_mode<synchronous>, transform_indices = @transform_10, window_bounds = array<i64: 9, 32>}, {transform_indices = @transform_11, window_bounds = array<i64: 8, 512>}]} {
    %get3A = arith.constant 0 : index
    %get3A_0 = arith.constant 0 : index
    %get3A_1 = vector.load %arg10[%get3A, %get3A_0] : memref<8x512xi32, #tpu.memory_space<vmem>>, vector<8x512xi32>
    %get3A_2 = arith.constant 0 : index
    %get3A_3 = arith.constant 0 : index
    %get3A_4 = vector.load %arg11[%get3A_2, %get3A_3] : memref<9x32xf32, #tpu.memory_space<vmem>>, vector<9x32xf32>
    %get3A_5 = arith.constant 0 : index
    %get3A_6 = arith.constant 0 : index
    %get3A_7 = vector.load %arg7[%get3A_5, %get3A_6] : memref<8x512xf32, #tpu.memory_space<vmem>>, vector<8x512xf32>
    %get3A_8 = arith.constant 0 : index
    %get3A_9 = arith.constant 0 : index
    %get3A_10 = vector.load %arg8[%get3A_8, %get3A_9] : memref<8x512xf32, #tpu.memory_space<vmem>>, vector<8x512xf32>
    %get3A_11 = arith.constant 0 : index
    %get3A_12 = arith.constant 0 : index
    %get3A_13 = vector.load %arg9[%get3A_11, %get3A_12] : memref<8x512xf32, #tpu.memory_space<vmem>>, vector<8x512xf32>
    %broadcast_in_dim3A = arith.constant 0.000000e+00 : f32
    %broadcast_in_dim3A_14 = vector.broadcast %broadcast_in_dim3A : f32 to vector<8x512xf32>
    %eq3A = arith.constant 0 : i32
    %eq3A_15 = vector.broadcast %eq3A : i32 to vector<8x512xi32>
    %eq3A_16 = arith.cmpi eq, %get3A_1, %eq3A_15 : vector<8x512xi32>
    %convert_element_type3A = arith.extui %eq3A_16 : vector<8x512xi1> to vector<8x512xi32>
    %convert_element_type3A_17 = arith.sitofp %convert_element_type3A : vector<8x512xi32> to vector<8x512xf32>
    %slice3A = vector.extract_strided_slice %get3A_4 {offsets = [0, 0], sizes = [1, 1], strides = [1, 1]} : vector<9x32xf32> to vector<1x1xf32>
    %squeeze3A = vector.extract %slice3A[0, 0] : f32 from vector<1x1xf32>
    %mul3A = vector.broadcast %squeeze3A : f32 to vector<8x512xf32>
    %mul3A_18 = arith.mulf %convert_element_type3A_17, %mul3A : vector<8x512xf32>
    %add3A = arith.addf %broadcast_in_dim3A_14, %mul3A_18 : vector<8x512xf32>
    %slice3A_19 = vector.extract_strided_slice %get3A_4 {offsets = [1, 0], sizes = [1, 1], strides = [1, 1]} : vector<9x32xf32> to vector<1x1xf32>
    %squeeze3A_20 = vector.extract %slice3A_19[0, 0] : f32 from vector<1x1xf32>
    %mul3A_21 = vector.broadcast %squeeze3A_20 : f32 to vector<8x512xf32>
    %mul3A_22 = arith.mulf %convert_element_type3A_17, %mul3A_21 : vector<8x512xf32>
    %add3A_23 = arith.addf %broadcast_in_dim3A_14, %mul3A_22 : vector<8x512xf32>
    %slice3A_24 = vector.extract_strided_slice %get3A_4 {offsets = [2, 0], sizes = [1, 1], strides = [1, 1]} : vector<9x32xf32> to vector<1x1xf32>
    %squeeze3A_25 = vector.extract %slice3A_24[0, 0] : f32 from vector<1x1xf32>
    %mul3A_26 = vector.broadcast %squeeze3A_25 : f32 to vector<8x512xf32>
    %mul3A_27 = arith.mulf %convert_element_type3A_17, %mul3A_26 : vector<8x512xf32>
    %add3A_28 = arith.addf %broadcast_in_dim3A_14, %mul3A_27 : vector<8x512xf32>
    %slice3A_29 = vector.extract_strided_slice %get3A_4 {offsets = [3, 0], sizes = [1, 1], strides = [1, 1]} : vector<9x32xf32> to vector<1x1xf32>
    %squeeze3A_30 = vector.extract %slice3A_29[0, 0] : f32 from vector<1x1xf32>
    %mul3A_31 = vector.broadcast %squeeze3A_30 : f32 to vector<8x512xf32>
    %mul3A_32 = arith.mulf %convert_element_type3A_17, %mul3A_31 : vector<8x512xf32>
    %add3A_33 = arith.addf %broadcast_in_dim3A_14, %mul3A_32 : vector<8x512xf32>
    %slice3A_34 = vector.extract_strided_slice %get3A_4 {offsets = [4, 0], sizes = [1, 1], strides = [1, 1]} : vector<9x32xf32> to vector<1x1xf32>
    %squeeze3A_35 = vector.extract %slice3A_34[0, 0] : f32 from vector<1x1xf32>
    %mul3A_36 = vector.broadcast %squeeze3A_35 : f32 to vector<8x512xf32>
    %mul3A_37 = arith.mulf %convert_element_type3A_17, %mul3A_36 : vector<8x512xf32>
    %add3A_38 = arith.addf %broadcast_in_dim3A_14, %mul3A_37 : vector<8x512xf32>
    %slice3A_39 = vector.extract_strided_slice %get3A_4 {offsets = [5, 0], sizes = [1, 1], strides = [1, 1]} : vector<9x32xf32> to vector<1x1xf32>
    %squeeze3A_40 = vector.extract %slice3A_39[0, 0] : f32 from vector<1x1xf32>
    %mul3A_41 = vector.broadcast %squeeze3A_40 : f32 to vector<8x512xf32>
    %mul3A_42 = arith.mulf %convert_element_type3A_17, %mul3A_41 : vector<8x512xf32>
    %add3A_43 = arith.addf %broadcast_in_dim3A_14, %mul3A_42 : vector<8x512xf32>
    %slice3A_44 = vector.extract_strided_slice %get3A_4 {offsets = [6, 0], sizes = [1, 1], strides = [1, 1]} : vector<9x32xf32> to vector<1x1xf32>
    %squeeze3A_45 = vector.extract %slice3A_44[0, 0] : f32 from vector<1x1xf32>
    %mul3A_46 = vector.broadcast %squeeze3A_45 : f32 to vector<8x512xf32>
    %mul3A_47 = arith.mulf %convert_element_type3A_17, %mul3A_46 : vector<8x512xf32>
    %add3A_48 = arith.addf %broadcast_in_dim3A_14, %mul3A_47 : vector<8x512xf32>
    %slice3A_49 = vector.extract_strided_slice %get3A_4 {offsets = [7, 0], sizes = [1, 1], strides = [1, 1]} : vector<9x32xf32> to vector<1x1xf32>
    %squeeze3A_50 = vector.extract %slice3A_49[0, 0] : f32 from vector<1x1xf32>
    %mul3A_51 = vector.broadcast %squeeze3A_50 : f32 to vector<8x512xf32>
    %mul3A_52 = arith.mulf %convert_element_type3A_17, %mul3A_51 : vector<8x512xf32>
    %add3A_53 = arith.addf %broadcast_in_dim3A_14, %mul3A_52 : vector<8x512xf32>
    %slice3A_54 = vector.extract_strided_slice %get3A_4 {offsets = [8, 0], sizes = [1, 1], strides = [1, 1]} : vector<9x32xf32> to vector<1x1xf32>
    %squeeze3A_55 = vector.extract %slice3A_54[0, 0] : f32 from vector<1x1xf32>
    %mul3A_56 = vector.broadcast %squeeze3A_55 : f32 to vector<8x512xf32>
    %mul3A_57 = arith.mulf %convert_element_type3A_17, %mul3A_56 : vector<8x512xf32>
    %add3A_58 = arith.addf %broadcast_in_dim3A_14, %mul3A_57 : vector<8x512xf32>
    %eq3A_59 = arith.constant 1 : i32
    %eq3A_60 = vector.broadcast %eq3A_59 : i32 to vector<8x512xi32>
    %eq3A_61 = arith.cmpi eq, %get3A_1, %eq3A_60 : vector<8x512xi32>
    %convert_element_type3A_62 = arith.extui %eq3A_61 : vector<8x512xi1> to vector<8x512xi32>
    %convert_element_type3A_63 = arith.sitofp %convert_element_type3A_62 : vector<8x512xi32> to vector<8x512xf32>
    %slice3A_64 = vector.extract_strided_slice %get3A_4 {offsets = [0, 1], sizes = [1, 1], strides = [1, 1]} : vector<9x32xf32> to vector<1x1xf32>
    %squeeze3A_65 = vector.extract %slice3A_64[0, 0] : f32 from vector<1x1xf32>
    %mul3A_66 = vector.broadcast %squeeze3A_65 : f32 to vector<8x512xf32>
    %mul3A_67 = arith.mulf %convert_element_type3A_63, %mul3A_66 : vector<8x512xf32>
    %add3A_68 = arith.addf %add3A, %mul3A_67 : vector<8x512xf32>
    %slice3A_69 = vector.extract_strided_slice %get3A_4 {offsets = [1, 1], sizes = [1, 1], strides = [1, 1]} : vector<9x32xf32> to vector<1x1xf32>
    %squeeze3A_70 = vector.extract %slice3A_69[0, 0] : f32 from vector<1x1xf32>
    %mul3A_71 = vector.broadcast %squeeze3A_70 : f32 to vector<8x512xf32>
    %mul3A_72 = arith.mulf %convert_element_type3A_63, %mul3A_71 : vector<8x512xf32>
    %add3A_73 = arith.addf %add3A_23, %mul3A_72 : vector<8x512xf32>
    %slice3A_74 = vector.extract_strided_slice %get3A_4 {offsets = [2, 1], sizes = [1, 1], strides = [1, 1]} : vector<9x32xf32> to vector<1x1xf32>
    %squeeze3A_75 = vector.extract %slice3A_74[0, 0] : f32 from vector<1x1xf32>
    %mul3A_76 = vector.broadcast %squeeze3A_75 : f32 to vector<8x512xf32>
    %mul3A_77 = arith.mulf %convert_element_type3A_63, %mul3A_76 : vector<8x512xf32>
    %add3A_78 = arith.addf %add3A_28, %mul3A_77 : vector<8x512xf32>
    %slice3A_79 = vector.extract_strided_slice %get3A_4 {offsets = [3, 1], sizes = [1, 1], strides = [1, 1]} : vector<9x32xf32> to vector<1x1xf32>
    %squeeze3A_80 = vector.extract %slice3A_79[0, 0] : f32 from vector<1x1xf32>
    %mul3A_81 = vector.broadcast %squeeze3A_80 : f32 to vector<8x512xf32>
    %mul3A_82 = arith.mulf %convert_element_type3A_63, %mul3A_81 : vector<8x512xf32>
    %add3A_83 = arith.addf %add3A_33, %mul3A_82 : vector<8x512xf32>
    %slice3A_84 = vector.extract_strided_slice %get3A_4 {offsets = [4, 1], sizes = [1, 1], strides = [1, 1]} : vector<9x32xf32> to vector<1x1xf32>
    %squeeze3A_85 = vector.extract %slice3A_84[0, 0] : f32 from vector<1x1xf32>
    %mul3A_86 = vector.broadcast %squeeze3A_85 : f32 to vector<8x512xf32>
    %mul3A_87 = arith.mulf %convert_element_type3A_63, %mul3A_86 : vector<8x512xf32>
    %add3A_88 = arith.addf %add3A_38, %mul3A_87 : vector<8x512xf32>
    %slice3A_89 = vector.extract_strided_slice %get3A_4 {offsets = [5, 1], sizes = [1, 1], strides = [1, 1]} : vector<9x32xf32> to vector<1x1xf32>
    %squeeze3A_90 = vector.extract %slice3A_89[0, 0] : f32 from vector<1x1xf32>
    %mul3A_91 = vector.broadcast %squeeze3A_90 : f32 to vector<8x512xf32>
    %mul3A_92 = arith.mulf %convert_element_type3A_63, %mul3A_91 : vector<8x512xf32>
    %add3A_93 = arith.addf %add3A_43, %mul3A_92 : vector<8x512xf32>
    %slice3A_94 = vector.extract_strided_slice %get3A_4 {offsets = [6, 1], sizes = [1, 1], strides = [1, 1]} : vector<9x32xf32> to vector<1x1xf32>
    %squeeze3A_95 = vector.extract %slice3A_94[0, 0] : f32 from vector<1x1xf32>
    %mul3A_96 = vector.broadcast %squeeze3A_95 : f32 to vector<8x512xf32>
    %mul3A_97 = arith.mulf %convert_element_type3A_63, %mul3A_96 : vector<8x512xf32>
    %add3A_98 = arith.addf %add3A_48, %mul3A_97 : vector<8x512xf32>
    %slice3A_99 = vector.extract_strided_slice %get3A_4 {offsets = [7, 1], sizes = [1, 1], strides = [1, 1]} : vector<9x32xf32> to vector<1x1xf32>
    %squeeze3A_100 = vector.extract %slice3A_99[0, 0] : f32 from vector<1x1xf32>
    %mul3A_101 = vector.broadcast %squeeze3A_100 : f32 to vector<8x512xf32>
    %mul3A_102 = arith.mulf %convert_element_type3A_63, %mul3A_101 : vector<8x512xf32>
    %add3A_103 = arith.addf %add3A_53, %mul3A_102 : vector<8x512xf32>
    %slice3A_104 = vector.extract_strided_slice %get3A_4 {offsets = [8, 1], sizes = [1, 1], strides = [1, 1]} : vector<9x32xf32> to vector<1x1xf32>
    %squeeze3A_105 = vector.extract %slice3A_104[0, 0] : f32 from vector<1x1xf32>
    %mul3A_106 = vector.broadcast %squeeze3A_105 : f32 to vector<8x512xf32>
    %mul3A_107 = arith.mulf %convert_element_type3A_63, %mul3A_106 : vector<8x512xf32>
    %add3A_108 = arith.addf %add3A_58, %mul3A_107 : vector<8x512xf32>
    %eq3A_109 = arith.constant 2 : i32
    %eq3A_110 = vector.broadcast %eq3A_109 : i32 to vector<8x512xi32>
    %eq3A_111 = arith.cmpi eq, %get3A_1, %eq3A_110 : vector<8x512xi32>
    %convert_element_type3A_112 = arith.extui %eq3A_111 : vector<8x512xi1> to vector<8x512xi32>
    %convert_element_type3A_113 = arith.sitofp %convert_element_type3A_112 : vector<8x512xi32> to vector<8x512xf32>
    %slice3A_114 = vector.extract_strided_slice %get3A_4 {offsets = [0, 2], sizes = [1, 1], strides = [1, 1]} : vector<9x32xf32> to vector<1x1xf32>
    %squeeze3A_115 = vector.extract %slice3A_114[0, 0] : f32 from vector<1x1xf32>
    %mul3A_116 = vector.broadcast %squeeze3A_115 : f32 to vector<8x512xf32>
    %mul3A_117 = arith.mulf %convert_element_type3A_113, %mul3A_116 : vector<8x512xf32>
    %add3A_118 = arith.addf %add3A_68, %mul3A_117 : vector<8x512xf32>
    %slice3A_119 = vector.extract_strided_slice %get3A_4 {offsets = [1, 2], sizes = [1, 1], strides = [1, 1]} : vector<9x32xf32> to vector<1x1xf32>
    %squeeze3A_120 = vector.extract %slice3A_119[0, 0] : f32 from vector<1x1xf32>
    %mul3A_121 = vector.broadcast %squeeze3A_120 : f32 to vector<8x512xf32>
    %mul3A_122 = arith.mulf %convert_element_type3A_113, %mul3A_121 : vector<8x512xf32>
    %add3A_123 = arith.addf %add3A_73, %mul3A_122 : vector<8x512xf32>
    %slice3A_124 = vector.extract_strided_slice %get3A_4 {offsets = [2, 2], sizes = [1, 1], strides = [1, 1]} : vector<9x32xf32> to vector<1x1xf32>
    %squeeze3A_125 = vector.extract %slice3A_124[0, 0] : f32 from vector<1x1xf32>
    %mul3A_126 = vector.broadcast %squeeze3A_125 : f32 to vector<8x512xf32>
    %mul3A_127 = arith.mulf %convert_element_type3A_113, %mul3A_126 : vector<8x512xf32>
    %add3A_128 = arith.addf %add3A_78, %mul3A_127 : vector<8x512xf32>
    %slice3A_129 = vector.extract_strided_slice %get3A_4 {offsets = [3, 2], sizes = [1, 1], strides = [1, 1]} : vector<9x32xf32> to vector<1x1xf32>
    %squeeze3A_130 = vector.extract %slice3A_129[0, 0] : f32 from vector<1x1xf32>
    %mul3A_131 = vector.broadcast %squeeze3A_130 : f32 to vector<8x512xf32>
    %mul3A_132 = arith.mulf %convert_element_type3A_113, %mul3A_131 : vector<8x512xf32>
    %add3A_133 = arith.addf %add3A_83, %mul3A_132 : vector<8x512xf32>
    %slice3A_134 = vector.extract_strided_slice %get3A_4 {offsets = [4, 2], sizes = [1, 1], strides = [1, 1]} : vector<9x32xf32> to vector<1x1xf32>
    %squeeze3A_135 = vector.extract %slice3A_134[0, 0] : f32 from vector<1x1xf32>
    %mul3A_136 = vector.broadcast %squeeze3A_135 : f32 to vector<8x512xf32>
    %mul3A_137 = arith.mulf %convert_element_type3A_113, %mul3A_136 : vector<8x512xf32>
    %add3A_138 = arith.addf %add3A_88, %mul3A_137 : vector<8x512xf32>
    %slice3A_139 = vector.extract_strided_slice %get3A_4 {offsets = [5, 2], sizes = [1, 1], strides = [1, 1]} : vector<9x32xf32> to vector<1x1xf32>
    %squeeze3A_140 = vector.extract %slice3A_139[0, 0] : f32 from vector<1x1xf32>
    %mul3A_141 = vector.broadcast %squeeze3A_140 : f32 to vector<8x512xf32>
    %mul3A_142 = arith.mulf %convert_element_type3A_113, %mul3A_141 : vector<8x512xf32>
    %add3A_143 = arith.addf %add3A_93, %mul3A_142 : vector<8x512xf32>
    %slice3A_144 = vector.extract_strided_slice %get3A_4 {offsets = [6, 2], sizes = [1, 1], strides = [1, 1]} : vector<9x32xf32> to vector<1x1xf32>
    %squeeze3A_145 = vector.extract %slice3A_144[0, 0] : f32 from vector<1x1xf32>
    %mul3A_146 = vector.broadcast %squeeze3A_145 : f32 to vector<8x512xf32>
    %mul3A_147 = arith.mulf %convert_element_type3A_113, %mul3A_146 : vector<8x512xf32>
    %add3A_148 = arith.addf %add3A_98, %mul3A_147 : vector<8x512xf32>
    %slice3A_149 = vector.extract_strided_slice %get3A_4 {offsets = [7, 2], sizes = [1, 1], strides = [1, 1]} : vector<9x32xf32> to vector<1x1xf32>
    %squeeze3A_150 = vector.extract %slice3A_149[0, 0] : f32 from vector<1x1xf32>
    %mul3A_151 = vector.broadcast %squeeze3A_150 : f32 to vector<8x512xf32>
    %mul3A_152 = arith.mulf %convert_element_type3A_113, %mul3A_151 : vector<8x512xf32>
    %add3A_153 = arith.addf %add3A_103, %mul3A_152 : vector<8x512xf32>
    %slice3A_154 = vector.extract_strided_slice %get3A_4 {offsets = [8, 2], sizes = [1, 1], strides = [1, 1]} : vector<9x32xf32> to vector<1x1xf32>
    %squeeze3A_155 = vector.extract %slice3A_154[0, 0] : f32 from vector<1x1xf32>
    %mul3A_156 = vector.broadcast %squeeze3A_155 : f32 to vector<8x512xf32>
    %mul3A_157 = arith.mulf %convert_element_type3A_113, %mul3A_156 : vector<8x512xf32>
    %add3A_158 = arith.addf %add3A_108, %mul3A_157 : vector<8x512xf32>
    %eq3A_159 = arith.constant 3 : i32
    %eq3A_160 = vector.broadcast %eq3A_159 : i32 to vector<8x512xi32>
    %eq3A_161 = arith.cmpi eq, %get3A_1, %eq3A_160 : vector<8x512xi32>
    %convert_element_type3A_162 = arith.extui %eq3A_161 : vector<8x512xi1> to vector<8x512xi32>
    %convert_element_type3A_163 = arith.sitofp %convert_element_type3A_162 : vector<8x512xi32> to vector<8x512xf32>
    %slice3A_164 = vector.extract_strided_slice %get3A_4 {offsets = [0, 3], sizes = [1, 1], strides = [1, 1]} : vector<9x32xf32> to vector<1x1xf32>
    %squeeze3A_165 = vector.extract %slice3A_164[0, 0] : f32 from vector<1x1xf32>
    %mul3A_166 = vector.broadcast %squeeze3A_165 : f32 to vector<8x512xf32>
    %mul3A_167 = arith.mulf %convert_element_type3A_163, %mul3A_166 : vector<8x512xf32>
    %add3A_168 = arith.addf %add3A_118, %mul3A_167 : vector<8x512xf32>
    %slice3A_169 = vector.extract_strided_slice %get3A_4 {offsets = [1, 3], sizes = [1, 1], strides = [1, 1]} : vector<9x32xf32> to vector<1x1xf32>
    %squeeze3A_170 = vector.extract %slice3A_169[0, 0] : f32 from vector<1x1xf32>
    %mul3A_171 = vector.broadcast %squeeze3A_170 : f32 to vector<8x512xf32>
    %mul3A_172 = arith.mulf %convert_element_type3A_163, %mul3A_171 : vector<8x512xf32>
    %add3A_173 = arith.addf %add3A_123, %mul3A_172 : vector<8x512xf32>
    %slice3A_174 = vector.extract_strided_slice %get3A_4 {offsets = [2, 3], sizes = [1, 1], strides = [1, 1]} : vector<9x32xf32> to vector<1x1xf32>
    %squeeze3A_175 = vector.extract %slice3A_174[0, 0] : f32 from vector<1x1xf32>
    %mul3A_176 = vector.broadcast %squeeze3A_175 : f32 to vector<8x512xf32>
    %mul3A_177 = arith.mulf %convert_element_type3A_163, %mul3A_176 : vector<8x512xf32>
    %add3A_178 = arith.addf %add3A_128, %mul3A_177 : vector<8x512xf32>
    %slice3A_179 = vector.extract_strided_slice %get3A_4 {offsets = [3, 3], sizes = [1, 1], strides = [1, 1]} : vector<9x32xf32> to vector<1x1xf32>
    %squeeze3A_180 = vector.extract %slice3A_179[0, 0] : f32 from vector<1x1xf32>
    %mul3A_181 = vector.broadcast %squeeze3A_180 : f32 to vector<8x512xf32>
    %mul3A_182 = arith.mulf %convert_element_type3A_163, %mul3A_181 : vector<8x512xf32>
    %add3A_183 = arith.addf %add3A_133, %mul3A_182 : vector<8x512xf32>
    %slice3A_184 = vector.extract_strided_slice %get3A_4 {offsets = [4, 3], sizes = [1, 1], strides = [1, 1]} : vector<9x32xf32> to vector<1x1xf32>
    %squeeze3A_185 = vector.extract %slice3A_184[0, 0] : f32 from vector<1x1xf32>
    %mul3A_186 = vector.broadcast %squeeze3A_185 : f32 to vector<8x512xf32>
    %mul3A_187 = arith.mulf %convert_element_type3A_163, %mul3A_186 : vector<8x512xf32>
    %add3A_188 = arith.addf %add3A_138, %mul3A_187 : vector<8x512xf32>
    %slice3A_189 = vector.extract_strided_slice %get3A_4 {offsets = [5, 3], sizes = [1, 1], strides = [1, 1]} : vector<9x32xf32> to vector<1x1xf32>
    %squeeze3A_190 = vector.extract %slice3A_189[0, 0] : f32 from vector<1x1xf32>
    %mul3A_191 = vector.broadcast %squeeze3A_190 : f32 to vector<8x512xf32>
    %mul3A_192 = arith.mulf %convert_element_type3A_163, %mul3A_191 : vector<8x512xf32>
    %add3A_193 = arith.addf %add3A_143, %mul3A_192 : vector<8x512xf32>
    %slice3A_194 = vector.extract_strided_slice %get3A_4 {offsets = [6, 3], sizes = [1, 1], strides = [1, 1]} : vector<9x32xf32> to vector<1x1xf32>
    %squeeze3A_195 = vector.extract %slice3A_194[0, 0] : f32 from vector<1x1xf32>
    %mul3A_196 = vector.broadcast %squeeze3A_195 : f32 to vector<8x512xf32>
    %mul3A_197 = arith.mulf %convert_element_type3A_163, %mul3A_196 : vector<8x512xf32>
    %add3A_198 = arith.addf %add3A_148, %mul3A_197 : vector<8x512xf32>
    %slice3A_199 = vector.extract_strided_slice %get3A_4 {offsets = [7, 3], sizes = [1, 1], strides = [1, 1]} : vector<9x32xf32> to vector<1x1xf32>
    %squeeze3A_200 = vector.extract %slice3A_199[0, 0] : f32 from vector<1x1xf32>
    %mul3A_201 = vector.broadcast %squeeze3A_200 : f32 to vector<8x512xf32>
    %mul3A_202 = arith.mulf %convert_element_type3A_163, %mul3A_201 : vector<8x512xf32>
    %add3A_203 = arith.addf %add3A_153, %mul3A_202 : vector<8x512xf32>
    %slice3A_204 = vector.extract_strided_slice %get3A_4 {offsets = [8, 3], sizes = [1, 1], strides = [1, 1]} : vector<9x32xf32> to vector<1x1xf32>
    %squeeze3A_205 = vector.extract %slice3A_204[0, 0] : f32 from vector<1x1xf32>
    %mul3A_206 = vector.broadcast %squeeze3A_205 : f32 to vector<8x512xf32>
    %mul3A_207 = arith.mulf %convert_element_type3A_163, %mul3A_206 : vector<8x512xf32>
    %add3A_208 = arith.addf %add3A_158, %mul3A_207 : vector<8x512xf32>
    %eq3A_209 = arith.constant 4 : i32
    %eq3A_210 = vector.broadcast %eq3A_209 : i32 to vector<8x512xi32>
    %eq3A_211 = arith.cmpi eq, %get3A_1, %eq3A_210 : vector<8x512xi32>
    %convert_element_type3A_212 = arith.extui %eq3A_211 : vector<8x512xi1> to vector<8x512xi32>
    %convert_element_type3A_213 = arith.sitofp %convert_element_type3A_212 : vector<8x512xi32> to vector<8x512xf32>
    %slice3A_214 = vector.extract_strided_slice %get3A_4 {offsets = [0, 4], sizes = [1, 1], strides = [1, 1]} : vector<9x32xf32> to vector<1x1xf32>
    %squeeze3A_215 = vector.extract %slice3A_214[0, 0] : f32 from vector<1x1xf32>
    %mul3A_216 = vector.broadcast %squeeze3A_215 : f32 to vector<8x512xf32>
    %mul3A_217 = arith.mulf %convert_element_type3A_213, %mul3A_216 : vector<8x512xf32>
    %add3A_218 = arith.addf %add3A_168, %mul3A_217 : vector<8x512xf32>
    %slice3A_219 = vector.extract_strided_slice %get3A_4 {offsets = [1, 4], sizes = [1, 1], strides = [1, 1]} : vector<9x32xf32> to vector<1x1xf32>
    %squeeze3A_220 = vector.extract %slice3A_219[0, 0] : f32 from vector<1x1xf32>
    %mul3A_221 = vector.broadcast %squeeze3A_220 : f32 to vector<8x512xf32>
    %mul3A_222 = arith.mulf %convert_element_type3A_213, %mul3A_221 : vector<8x512xf32>
    %add3A_223 = arith.addf %add3A_173, %mul3A_222 : vector<8x512xf32>
    %slice3A_224 = vector.extract_strided_slice %get3A_4 {offsets = [2, 4], sizes = [1, 1], strides = [1, 1]} : vector<9x32xf32> to vector<1x1xf32>
    %squeeze3A_225 = vector.extract %slice3A_224[0, 0] : f32 from vector<1x1xf32>
    %mul3A_226 = vector.broadcast %squeeze3A_225 : f32 to vector<8x512xf32>
    %mul3A_227 = arith.mulf %convert_element_type3A_213, %mul3A_226 : vector<8x512xf32>
    %add3A_228 = arith.addf %add3A_178, %mul3A_227 : vector<8x512xf32>
    %slice3A_229 = vector.extract_strided_slice %get3A_4 {offsets = [3, 4], sizes = [1, 1], strides = [1, 1]} : vector<9x32xf32> to vector<1x1xf32>
    %squeeze3A_230 = vector.extract %slice3A_229[0, 0] : f32 from vector<1x1xf32>
    %mul3A_231 = vector.broadcast %squeeze3A_230 : f32 to vector<8x512xf32>
    %mul3A_232 = arith.mulf %convert_element_type3A_213, %mul3A_231 : vector<8x512xf32>
    %add3A_233 = arith.addf %add3A_183, %mul3A_232 : vector<8x512xf32>
    %slice3A_234 = vector.extract_strided_slice %get3A_4 {offsets = [4, 4], sizes = [1, 1], strides = [1, 1]} : vector<9x32xf32> to vector<1x1xf32>
    %squeeze3A_235 = vector.extract %slice3A_234[0, 0] : f32 from vector<1x1xf32>
    %mul3A_236 = vector.broadcast %squeeze3A_235 : f32 to vector<8x512xf32>
    %mul3A_237 = arith.mulf %convert_element_type3A_213, %mul3A_236 : vector<8x512xf32>
    %add3A_238 = arith.addf %add3A_188, %mul3A_237 : vector<8x512xf32>
    %slice3A_239 = vector.extract_strided_slice %get3A_4 {offsets = [5, 4], sizes = [1, 1], strides = [1, 1]} : vector<9x32xf32> to vector<1x1xf32>
    %squeeze3A_240 = vector.extract %slice3A_239[0, 0] : f32 from vector<1x1xf32>
    %mul3A_241 = vector.broadcast %squeeze3A_240 : f32 to vector<8x512xf32>
    %mul3A_242 = arith.mulf %convert_element_type3A_213, %mul3A_241 : vector<8x512xf32>
    %add3A_243 = arith.addf %add3A_193, %mul3A_242 : vector<8x512xf32>
    %slice3A_244 = vector.extract_strided_slice %get3A_4 {offsets = [6, 4], sizes = [1, 1], strides = [1, 1]} : vector<9x32xf32> to vector<1x1xf32>
    %squeeze3A_245 = vector.extract %slice3A_244[0, 0] : f32 from vector<1x1xf32>
    %mul3A_246 = vector.broadcast %squeeze3A_245 : f32 to vector<8x512xf32>
    %mul3A_247 = arith.mulf %convert_element_type3A_213, %mul3A_246 : vector<8x512xf32>
    %add3A_248 = arith.addf %add3A_198, %mul3A_247 : vector<8x512xf32>
    %slice3A_249 = vector.extract_strided_slice %get3A_4 {offsets = [7, 4], sizes = [1, 1], strides = [1, 1]} : vector<9x32xf32> to vector<1x1xf32>
    %squeeze3A_250 = vector.extract %slice3A_249[0, 0] : f32 from vector<1x1xf32>
    %mul3A_251 = vector.broadcast %squeeze3A_250 : f32 to vector<8x512xf32>
    %mul3A_252 = arith.mulf %convert_element_type3A_213, %mul3A_251 : vector<8x512xf32>
    %add3A_253 = arith.addf %add3A_203, %mul3A_252 : vector<8x512xf32>
    %slice3A_254 = vector.extract_strided_slice %get3A_4 {offsets = [8, 4], sizes = [1, 1], strides = [1, 1]} : vector<9x32xf32> to vector<1x1xf32>
    %squeeze3A_255 = vector.extract %slice3A_254[0, 0] : f32 from vector<1x1xf32>
    %mul3A_256 = vector.broadcast %squeeze3A_255 : f32 to vector<8x512xf32>
    %mul3A_257 = arith.mulf %convert_element_type3A_213, %mul3A_256 : vector<8x512xf32>
    %add3A_258 = arith.addf %add3A_208, %mul3A_257 : vector<8x512xf32>
    %eq3A_259 = arith.constant 5 : i32
    %eq3A_260 = vector.broadcast %eq3A_259 : i32 to vector<8x512xi32>
    %eq3A_261 = arith.cmpi eq, %get3A_1, %eq3A_260 : vector<8x512xi32>
    %convert_element_type3A_262 = arith.extui %eq3A_261 : vector<8x512xi1> to vector<8x512xi32>
    %convert_element_type3A_263 = arith.sitofp %convert_element_type3A_262 : vector<8x512xi32> to vector<8x512xf32>
    %slice3A_264 = vector.extract_strided_slice %get3A_4 {offsets = [0, 5], sizes = [1, 1], strides = [1, 1]} : vector<9x32xf32> to vector<1x1xf32>
    %squeeze3A_265 = vector.extract %slice3A_264[0, 0] : f32 from vector<1x1xf32>
    %mul3A_266 = vector.broadcast %squeeze3A_265 : f32 to vector<8x512xf32>
    %mul3A_267 = arith.mulf %convert_element_type3A_263, %mul3A_266 : vector<8x512xf32>
    %add3A_268 = arith.addf %add3A_218, %mul3A_267 : vector<8x512xf32>
    %slice3A_269 = vector.extract_strided_slice %get3A_4 {offsets = [1, 5], sizes = [1, 1], strides = [1, 1]} : vector<9x32xf32> to vector<1x1xf32>
    %squeeze3A_270 = vector.extract %slice3A_269[0, 0] : f32 from vector<1x1xf32>
    %mul3A_271 = vector.broadcast %squeeze3A_270 : f32 to vector<8x512xf32>
    %mul3A_272 = arith.mulf %convert_element_type3A_263, %mul3A_271 : vector<8x512xf32>
    %add3A_273 = arith.addf %add3A_223, %mul3A_272 : vector<8x512xf32>
    %slice3A_274 = vector.extract_strided_slice %get3A_4 {offsets = [2, 5], sizes = [1, 1], strides = [1, 1]} : vector<9x32xf32> to vector<1x1xf32>
    %squeeze3A_275 = vector.extract %slice3A_274[0, 0] : f32 from vector<1x1xf32>
    %mul3A_276 = vector.broadcast %squeeze3A_275 : f32 to vector<8x512xf32>
    %mul3A_277 = arith.mulf %convert_element_type3A_263, %mul3A_276 : vector<8x512xf32>
    %add3A_278 = arith.addf %add3A_228, %mul3A_277 : vector<8x512xf32>
    %slice3A_279 = vector.extract_strided_slice %get3A_4 {offsets = [3, 5], sizes = [1, 1], strides = [1, 1]} : vector<9x32xf32> to vector<1x1xf32>
    %squeeze3A_280 = vector.extract %slice3A_279[0, 0] : f32 from vector<1x1xf32>
    %mul3A_281 = vector.broadcast %squeeze3A_280 : f32 to vector<8x512xf32>
    %mul3A_282 = arith.mulf %convert_element_type3A_263, %mul3A_281 : vector<8x512xf32>
    %add3A_283 = arith.addf %add3A_233, %mul3A_282 : vector<8x512xf32>
    %slice3A_284 = vector.extract_strided_slice %get3A_4 {offsets = [4, 5], sizes = [1, 1], strides = [1, 1]} : vector<9x32xf32> to vector<1x1xf32>
    %squeeze3A_285 = vector.extract %slice3A_284[0, 0] : f32 from vector<1x1xf32>
    %mul3A_286 = vector.broadcast %squeeze3A_285 : f32 to vector<8x512xf32>
    %mul3A_287 = arith.mulf %convert_element_type3A_263, %mul3A_286 : vector<8x512xf32>
    %add3A_288 = arith.addf %add3A_238, %mul3A_287 : vector<8x512xf32>
    %slice3A_289 = vector.extract_strided_slice %get3A_4 {offsets = [5, 5], sizes = [1, 1], strides = [1, 1]} : vector<9x32xf32> to vector<1x1xf32>
    %squeeze3A_290 = vector.extract %slice3A_289[0, 0] : f32 from vector<1x1xf32>
    %mul3A_291 = vector.broadcast %squeeze3A_290 : f32 to vector<8x512xf32>
    %mul3A_292 = arith.mulf %convert_element_type3A_263, %mul3A_291 : vector<8x512xf32>
    %add3A_293 = arith.addf %add3A_243, %mul3A_292 : vector<8x512xf32>
    %slice3A_294 = vector.extract_strided_slice %get3A_4 {offsets = [6, 5], sizes = [1, 1], strides = [1, 1]} : vector<9x32xf32> to vector<1x1xf32>
    %squeeze3A_295 = vector.extract %slice3A_294[0, 0] : f32 from vector<1x1xf32>
    %mul3A_296 = vector.broadcast %squeeze3A_295 : f32 to vector<8x512xf32>
    %mul3A_297 = arith.mulf %convert_element_type3A_263, %mul3A_296 : vector<8x512xf32>
    %add3A_298 = arith.addf %add3A_248, %mul3A_297 : vector<8x512xf32>
    %slice3A_299 = vector.extract_strided_slice %get3A_4 {offsets = [7, 5], sizes = [1, 1], strides = [1, 1]} : vector<9x32xf32> to vector<1x1xf32>
    %squeeze3A_300 = vector.extract %slice3A_299[0, 0] : f32 from vector<1x1xf32>
    %mul3A_301 = vector.broadcast %squeeze3A_300 : f32 to vector<8x512xf32>
    %mul3A_302 = arith.mulf %convert_element_type3A_263, %mul3A_301 : vector<8x512xf32>
    %add3A_303 = arith.addf %add3A_253, %mul3A_302 : vector<8x512xf32>
    %slice3A_304 = vector.extract_strided_slice %get3A_4 {offsets = [8, 5], sizes = [1, 1], strides = [1, 1]} : vector<9x32xf32> to vector<1x1xf32>
    %squeeze3A_305 = vector.extract %slice3A_304[0, 0] : f32 from vector<1x1xf32>
    %mul3A_306 = vector.broadcast %squeeze3A_305 : f32 to vector<8x512xf32>
    %mul3A_307 = arith.mulf %convert_element_type3A_263, %mul3A_306 : vector<8x512xf32>
    %add3A_308 = arith.addf %add3A_258, %mul3A_307 : vector<8x512xf32>
    %eq3A_309 = arith.constant 6 : i32
    %eq3A_310 = vector.broadcast %eq3A_309 : i32 to vector<8x512xi32>
    %eq3A_311 = arith.cmpi eq, %get3A_1, %eq3A_310 : vector<8x512xi32>
    %convert_element_type3A_312 = arith.extui %eq3A_311 : vector<8x512xi1> to vector<8x512xi32>
    %convert_element_type3A_313 = arith.sitofp %convert_element_type3A_312 : vector<8x512xi32> to vector<8x512xf32>
    %slice3A_314 = vector.extract_strided_slice %get3A_4 {offsets = [0, 6], sizes = [1, 1], strides = [1, 1]} : vector<9x32xf32> to vector<1x1xf32>
    %squeeze3A_315 = vector.extract %slice3A_314[0, 0] : f32 from vector<1x1xf32>
    %mul3A_316 = vector.broadcast %squeeze3A_315 : f32 to vector<8x512xf32>
    %mul3A_317 = arith.mulf %convert_element_type3A_313, %mul3A_316 : vector<8x512xf32>
    %add3A_318 = arith.addf %add3A_268, %mul3A_317 : vector<8x512xf32>
    %slice3A_319 = vector.extract_strided_slice %get3A_4 {offsets = [1, 6], sizes = [1, 1], strides = [1, 1]} : vector<9x32xf32> to vector<1x1xf32>
    %squeeze3A_320 = vector.extract %slice3A_319[0, 0] : f32 from vector<1x1xf32>
    %mul3A_321 = vector.broadcast %squeeze3A_320 : f32 to vector<8x512xf32>
    %mul3A_322 = arith.mulf %convert_element_type3A_313, %mul3A_321 : vector<8x512xf32>
    %add3A_323 = arith.addf %add3A_273, %mul3A_322 : vector<8x512xf32>
    %slice3A_324 = vector.extract_strided_slice %get3A_4 {offsets = [2, 6], sizes = [1, 1], strides = [1, 1]} : vector<9x32xf32> to vector<1x1xf32>
    %squeeze3A_325 = vector.extract %slice3A_324[0, 0] : f32 from vector<1x1xf32>
    %mul3A_326 = vector.broadcast %squeeze3A_325 : f32 to vector<8x512xf32>
    %mul3A_327 = arith.mulf %convert_element_type3A_313, %mul3A_326 : vector<8x512xf32>
    %add3A_328 = arith.addf %add3A_278, %mul3A_327 : vector<8x512xf32>
    %slice3A_329 = vector.extract_strided_slice %get3A_4 {offsets = [3, 6], sizes = [1, 1], strides = [1, 1]} : vector<9x32xf32> to vector<1x1xf32>
    %squeeze3A_330 = vector.extract %slice3A_329[0, 0] : f32 from vector<1x1xf32>
    %mul3A_331 = vector.broadcast %squeeze3A_330 : f32 to vector<8x512xf32>
    %mul3A_332 = arith.mulf %convert_element_type3A_313, %mul3A_331 : vector<8x512xf32>
    %add3A_333 = arith.addf %add3A_283, %mul3A_332 : vector<8x512xf32>
    %slice3A_334 = vector.extract_strided_slice %get3A_4 {offsets = [4, 6], sizes = [1, 1], strides = [1, 1]} : vector<9x32xf32> to vector<1x1xf32>
    %squeeze3A_335 = vector.extract %slice3A_334[0, 0] : f32 from vector<1x1xf32>
    %mul3A_336 = vector.broadcast %squeeze3A_335 : f32 to vector<8x512xf32>
    %mul3A_337 = arith.mulf %convert_element_type3A_313, %mul3A_336 : vector<8x512xf32>
    %add3A_338 = arith.addf %add3A_288, %mul3A_337 : vector<8x512xf32>
    %slice3A_339 = vector.extract_strided_slice %get3A_4 {offsets = [5, 6], sizes = [1, 1], strides = [1, 1]} : vector<9x32xf32> to vector<1x1xf32>
    %squeeze3A_340 = vector.extract %slice3A_339[0, 0] : f32 from vector<1x1xf32>
    %mul3A_341 = vector.broadcast %squeeze3A_340 : f32 to vector<8x512xf32>
    %mul3A_342 = arith.mulf %convert_element_type3A_313, %mul3A_341 : vector<8x512xf32>
    %add3A_343 = arith.addf %add3A_293, %mul3A_342 : vector<8x512xf32>
    %slice3A_344 = vector.extract_strided_slice %get3A_4 {offsets = [6, 6], sizes = [1, 1], strides = [1, 1]} : vector<9x32xf32> to vector<1x1xf32>
    %squeeze3A_345 = vector.extract %slice3A_344[0, 0] : f32 from vector<1x1xf32>
    %mul3A_346 = vector.broadcast %squeeze3A_345 : f32 to vector<8x512xf32>
    %mul3A_347 = arith.mulf %convert_element_type3A_313, %mul3A_346 : vector<8x512xf32>
    %add3A_348 = arith.addf %add3A_298, %mul3A_347 : vector<8x512xf32>
    %slice3A_349 = vector.extract_strided_slice %get3A_4 {offsets = [7, 6], sizes = [1, 1], strides = [1, 1]} : vector<9x32xf32> to vector<1x1xf32>
    %squeeze3A_350 = vector.extract %slice3A_349[0, 0] : f32 from vector<1x1xf32>
    %mul3A_351 = vector.broadcast %squeeze3A_350 : f32 to vector<8x512xf32>
    %mul3A_352 = arith.mulf %convert_element_type3A_313, %mul3A_351 : vector<8x512xf32>
    %add3A_353 = arith.addf %add3A_303, %mul3A_352 : vector<8x512xf32>
    %slice3A_354 = vector.extract_strided_slice %get3A_4 {offsets = [8, 6], sizes = [1, 1], strides = [1, 1]} : vector<9x32xf32> to vector<1x1xf32>
    %squeeze3A_355 = vector.extract %slice3A_354[0, 0] : f32 from vector<1x1xf32>
    %mul3A_356 = vector.broadcast %squeeze3A_355 : f32 to vector<8x512xf32>
    %mul3A_357 = arith.mulf %convert_element_type3A_313, %mul3A_356 : vector<8x512xf32>
    %add3A_358 = arith.addf %add3A_308, %mul3A_357 : vector<8x512xf32>
    %eq3A_359 = arith.constant 7 : i32
    %eq3A_360 = vector.broadcast %eq3A_359 : i32 to vector<8x512xi32>
    %eq3A_361 = arith.cmpi eq, %get3A_1, %eq3A_360 : vector<8x512xi32>
    %convert_element_type3A_362 = arith.extui %eq3A_361 : vector<8x512xi1> to vector<8x512xi32>
    %convert_element_type3A_363 = arith.sitofp %convert_element_type3A_362 : vector<8x512xi32> to vector<8x512xf32>
    %slice3A_364 = vector.extract_strided_slice %get3A_4 {offsets = [0, 7], sizes = [1, 1], strides = [1, 1]} : vector<9x32xf32> to vector<1x1xf32>
    %squeeze3A_365 = vector.extract %slice3A_364[0, 0] : f32 from vector<1x1xf32>
    %mul3A_366 = vector.broadcast %squeeze3A_365 : f32 to vector<8x512xf32>
    %mul3A_367 = arith.mulf %convert_element_type3A_363, %mul3A_366 : vector<8x512xf32>
    %add3A_368 = arith.addf %add3A_318, %mul3A_367 : vector<8x512xf32>
    %slice3A_369 = vector.extract_strided_slice %get3A_4 {offsets = [1, 7], sizes = [1, 1], strides = [1, 1]} : vector<9x32xf32> to vector<1x1xf32>
    %squeeze3A_370 = vector.extract %slice3A_369[0, 0] : f32 from vector<1x1xf32>
    %mul3A_371 = vector.broadcast %squeeze3A_370 : f32 to vector<8x512xf32>
    %mul3A_372 = arith.mulf %convert_element_type3A_363, %mul3A_371 : vector<8x512xf32>
    %add3A_373 = arith.addf %add3A_323, %mul3A_372 : vector<8x512xf32>
    %slice3A_374 = vector.extract_strided_slice %get3A_4 {offsets = [2, 7], sizes = [1, 1], strides = [1, 1]} : vector<9x32xf32> to vector<1x1xf32>
    %squeeze3A_375 = vector.extract %slice3A_374[0, 0] : f32 from vector<1x1xf32>
    %mul3A_376 = vector.broadcast %squeeze3A_375 : f32 to vector<8x512xf32>
    %mul3A_377 = arith.mulf %convert_element_type3A_363, %mul3A_376 : vector<8x512xf32>
    %add3A_378 = arith.addf %add3A_328, %mul3A_377 : vector<8x512xf32>
    %slice3A_379 = vector.extract_strided_slice %get3A_4 {offsets = [3, 7], sizes = [1, 1], strides = [1, 1]} : vector<9x32xf32> to vector<1x1xf32>
    %squeeze3A_380 = vector.extract %slice3A_379[0, 0] : f32 from vector<1x1xf32>
    %mul3A_381 = vector.broadcast %squeeze3A_380 : f32 to vector<8x512xf32>
    %mul3A_382 = arith.mulf %convert_element_type3A_363, %mul3A_381 : vector<8x512xf32>
    %add3A_383 = arith.addf %add3A_333, %mul3A_382 : vector<8x512xf32>
    %slice3A_384 = vector.extract_strided_slice %get3A_4 {offsets = [4, 7], sizes = [1, 1], strides = [1, 1]} : vector<9x32xf32> to vector<1x1xf32>
    %squeeze3A_385 = vector.extract %slice3A_384[0, 0] : f32 from vector<1x1xf32>
    %mul3A_386 = vector.broadcast %squeeze3A_385 : f32 to vector<8x512xf32>
    %mul3A_387 = arith.mulf %convert_element_type3A_363, %mul3A_386 : vector<8x512xf32>
    %add3A_388 = arith.addf %add3A_338, %mul3A_387 : vector<8x512xf32>
    %slice3A_389 = vector.extract_strided_slice %get3A_4 {offsets = [5, 7], sizes = [1, 1], strides = [1, 1]} : vector<9x32xf32> to vector<1x1xf32>
    %squeeze3A_390 = vector.extract %slice3A_389[0, 0] : f32 from vector<1x1xf32>
    %mul3A_391 = vector.broadcast %squeeze3A_390 : f32 to vector<8x512xf32>
    %mul3A_392 = arith.mulf %convert_element_type3A_363, %mul3A_391 : vector<8x512xf32>
    %add3A_393 = arith.addf %add3A_343, %mul3A_392 : vector<8x512xf32>
    %slice3A_394 = vector.extract_strided_slice %get3A_4 {offsets = [6, 7], sizes = [1, 1], strides = [1, 1]} : vector<9x32xf32> to vector<1x1xf32>
    %squeeze3A_395 = vector.extract %slice3A_394[0, 0] : f32 from vector<1x1xf32>
    %mul3A_396 = vector.broadcast %squeeze3A_395 : f32 to vector<8x512xf32>
    %mul3A_397 = arith.mulf %convert_element_type3A_363, %mul3A_396 : vector<8x512xf32>
    %add3A_398 = arith.addf %add3A_348, %mul3A_397 : vector<8x512xf32>
    %slice3A_399 = vector.extract_strided_slice %get3A_4 {offsets = [7, 7], sizes = [1, 1], strides = [1, 1]} : vector<9x32xf32> to vector<1x1xf32>
    %squeeze3A_400 = vector.extract %slice3A_399[0, 0] : f32 from vector<1x1xf32>
    %mul3A_401 = vector.broadcast %squeeze3A_400 : f32 to vector<8x512xf32>
    %mul3A_402 = arith.mulf %convert_element_type3A_363, %mul3A_401 : vector<8x512xf32>
    %add3A_403 = arith.addf %add3A_353, %mul3A_402 : vector<8x512xf32>
    %slice3A_404 = vector.extract_strided_slice %get3A_4 {offsets = [8, 7], sizes = [1, 1], strides = [1, 1]} : vector<9x32xf32> to vector<1x1xf32>
    %squeeze3A_405 = vector.extract %slice3A_404[0, 0] : f32 from vector<1x1xf32>
    %mul3A_406 = vector.broadcast %squeeze3A_405 : f32 to vector<8x512xf32>
    %mul3A_407 = arith.mulf %convert_element_type3A_363, %mul3A_406 : vector<8x512xf32>
    %add3A_408 = arith.addf %add3A_358, %mul3A_407 : vector<8x512xf32>
    %eq3A_409 = arith.constant 8 : i32
    %eq3A_410 = vector.broadcast %eq3A_409 : i32 to vector<8x512xi32>
    %eq3A_411 = arith.cmpi eq, %get3A_1, %eq3A_410 : vector<8x512xi32>
    %convert_element_type3A_412 = arith.extui %eq3A_411 : vector<8x512xi1> to vector<8x512xi32>
    %convert_element_type3A_413 = arith.sitofp %convert_element_type3A_412 : vector<8x512xi32> to vector<8x512xf32>
    %slice3A_414 = vector.extract_strided_slice %get3A_4 {offsets = [0, 8], sizes = [1, 1], strides = [1, 1]} : vector<9x32xf32> to vector<1x1xf32>
    %squeeze3A_415 = vector.extract %slice3A_414[0, 0] : f32 from vector<1x1xf32>
    %mul3A_416 = vector.broadcast %squeeze3A_415 : f32 to vector<8x512xf32>
    %mul3A_417 = arith.mulf %convert_element_type3A_413, %mul3A_416 : vector<8x512xf32>
    %add3A_418 = arith.addf %add3A_368, %mul3A_417 : vector<8x512xf32>
    %slice3A_419 = vector.extract_strided_slice %get3A_4 {offsets = [1, 8], sizes = [1, 1], strides = [1, 1]} : vector<9x32xf32> to vector<1x1xf32>
    %squeeze3A_420 = vector.extract %slice3A_419[0, 0] : f32 from vector<1x1xf32>
    %mul3A_421 = vector.broadcast %squeeze3A_420 : f32 to vector<8x512xf32>
    %mul3A_422 = arith.mulf %convert_element_type3A_413, %mul3A_421 : vector<8x512xf32>
    %add3A_423 = arith.addf %add3A_373, %mul3A_422 : vector<8x512xf32>
    %slice3A_424 = vector.extract_strided_slice %get3A_4 {offsets = [2, 8], sizes = [1, 1], strides = [1, 1]} : vector<9x32xf32> to vector<1x1xf32>
    %squeeze3A_425 = vector.extract %slice3A_424[0, 0] : f32 from vector<1x1xf32>
    %mul3A_426 = vector.broadcast %squeeze3A_425 : f32 to vector<8x512xf32>
    %mul3A_427 = arith.mulf %convert_element_type3A_413, %mul3A_426 : vector<8x512xf32>
    %add3A_428 = arith.addf %add3A_378, %mul3A_427 : vector<8x512xf32>
    %slice3A_429 = vector.extract_strided_slice %get3A_4 {offsets = [3, 8], sizes = [1, 1], strides = [1, 1]} : vector<9x32xf32> to vector<1x1xf32>
    %squeeze3A_430 = vector.extract %slice3A_429[0, 0] : f32 from vector<1x1xf32>
    %mul3A_431 = vector.broadcast %squeeze3A_430 : f32 to vector<8x512xf32>
    %mul3A_432 = arith.mulf %convert_element_type3A_413, %mul3A_431 : vector<8x512xf32>
    %add3A_433 = arith.addf %add3A_383, %mul3A_432 : vector<8x512xf32>
    %slice3A_434 = vector.extract_strided_slice %get3A_4 {offsets = [4, 8], sizes = [1, 1], strides = [1, 1]} : vector<9x32xf32> to vector<1x1xf32>
    %squeeze3A_435 = vector.extract %slice3A_434[0, 0] : f32 from vector<1x1xf32>
    %mul3A_436 = vector.broadcast %squeeze3A_435 : f32 to vector<8x512xf32>
    %mul3A_437 = arith.mulf %convert_element_type3A_413, %mul3A_436 : vector<8x512xf32>
    %add3A_438 = arith.addf %add3A_388, %mul3A_437 : vector<8x512xf32>
    %slice3A_439 = vector.extract_strided_slice %get3A_4 {offsets = [5, 8], sizes = [1, 1], strides = [1, 1]} : vector<9x32xf32> to vector<1x1xf32>
    %squeeze3A_440 = vector.extract %slice3A_439[0, 0] : f32 from vector<1x1xf32>
    %mul3A_441 = vector.broadcast %squeeze3A_440 : f32 to vector<8x512xf32>
    %mul3A_442 = arith.mulf %convert_element_type3A_413, %mul3A_441 : vector<8x512xf32>
    %add3A_443 = arith.addf %add3A_393, %mul3A_442 : vector<8x512xf32>
    %slice3A_444 = vector.extract_strided_slice %get3A_4 {offsets = [6, 8], sizes = [1, 1], strides = [1, 1]} : vector<9x32xf32> to vector<1x1xf32>
    %squeeze3A_445 = vector.extract %slice3A_444[0, 0] : f32 from vector<1x1xf32>
    %mul3A_446 = vector.broadcast %squeeze3A_445 : f32 to vector<8x512xf32>
    %mul3A_447 = arith.mulf %convert_element_type3A_413, %mul3A_446 : vector<8x512xf32>
    %add3A_448 = arith.addf %add3A_398, %mul3A_447 : vector<8x512xf32>
    %slice3A_449 = vector.extract_strided_slice %get3A_4 {offsets = [7, 8], sizes = [1, 1], strides = [1, 1]} : vector<9x32xf32> to vector<1x1xf32>
    %squeeze3A_450 = vector.extract %slice3A_449[0, 0] : f32 from vector<1x1xf32>
    %mul3A_451 = vector.broadcast %squeeze3A_450 : f32 to vector<8x512xf32>
    %mul3A_452 = arith.mulf %convert_element_type3A_413, %mul3A_451 : vector<8x512xf32>
    %add3A_453 = arith.addf %add3A_403, %mul3A_452 : vector<8x512xf32>
    %slice3A_454 = vector.extract_strided_slice %get3A_4 {offsets = [8, 8], sizes = [1, 1], strides = [1, 1]} : vector<9x32xf32> to vector<1x1xf32>
    %squeeze3A_455 = vector.extract %slice3A_454[0, 0] : f32 from vector<1x1xf32>
    %mul3A_456 = vector.broadcast %squeeze3A_455 : f32 to vector<8x512xf32>
    %mul3A_457 = arith.mulf %convert_element_type3A_413, %mul3A_456 : vector<8x512xf32>
    %add3A_458 = arith.addf %add3A_408, %mul3A_457 : vector<8x512xf32>
    %eq3A_459 = arith.constant 9 : i32
    %eq3A_460 = vector.broadcast %eq3A_459 : i32 to vector<8x512xi32>
    %eq3A_461 = arith.cmpi eq, %get3A_1, %eq3A_460 : vector<8x512xi32>
    %convert_element_type3A_462 = arith.extui %eq3A_461 : vector<8x512xi1> to vector<8x512xi32>
    %convert_element_type3A_463 = arith.sitofp %convert_element_type3A_462 : vector<8x512xi32> to vector<8x512xf32>
    %slice3A_464 = vector.extract_strided_slice %get3A_4 {offsets = [0, 9], sizes = [1, 1], strides = [1, 1]} : vector<9x32xf32> to vector<1x1xf32>
    %squeeze3A_465 = vector.extract %slice3A_464[0, 0] : f32 from vector<1x1xf32>
    %mul3A_466 = vector.broadcast %squeeze3A_465 : f32 to vector<8x512xf32>
    %mul3A_467 = arith.mulf %convert_element_type3A_463, %mul3A_466 : vector<8x512xf32>
    %add3A_468 = arith.addf %add3A_418, %mul3A_467 : vector<8x512xf32>
    %slice3A_469 = vector.extract_strided_slice %get3A_4 {offsets = [1, 9], sizes = [1, 1], strides = [1, 1]} : vector<9x32xf32> to vector<1x1xf32>
    %squeeze3A_470 = vector.extract %slice3A_469[0, 0] : f32 from vector<1x1xf32>
    %mul3A_471 = vector.broadcast %squeeze3A_470 : f32 to vector<8x512xf32>
    %mul3A_472 = arith.mulf %convert_element_type3A_463, %mul3A_471 : vector<8x512xf32>
    %add3A_473 = arith.addf %add3A_423, %mul3A_472 : vector<8x512xf32>
    %slice3A_474 = vector.extract_strided_slice %get3A_4 {offsets = [2, 9], sizes = [1, 1], strides = [1, 1]} : vector<9x32xf32> to vector<1x1xf32>
    %squeeze3A_475 = vector.extract %slice3A_474[0, 0] : f32 from vector<1x1xf32>
    %mul3A_476 = vector.broadcast %squeeze3A_475 : f32 to vector<8x512xf32>
    %mul3A_477 = arith.mulf %convert_element_type3A_463, %mul3A_476 : vector<8x512xf32>
    %add3A_478 = arith.addf %add3A_428, %mul3A_477 : vector<8x512xf32>
    %slice3A_479 = vector.extract_strided_slice %get3A_4 {offsets = [3, 9], sizes = [1, 1], strides = [1, 1]} : vector<9x32xf32> to vector<1x1xf32>
    %squeeze3A_480 = vector.extract %slice3A_479[0, 0] : f32 from vector<1x1xf32>
    %mul3A_481 = vector.broadcast %squeeze3A_480 : f32 to vector<8x512xf32>
    %mul3A_482 = arith.mulf %convert_element_type3A_463, %mul3A_481 : vector<8x512xf32>
    %add3A_483 = arith.addf %add3A_433, %mul3A_482 : vector<8x512xf32>
    %slice3A_484 = vector.extract_strided_slice %get3A_4 {offsets = [4, 9], sizes = [1, 1], strides = [1, 1]} : vector<9x32xf32> to vector<1x1xf32>
    %squeeze3A_485 = vector.extract %slice3A_484[0, 0] : f32 from vector<1x1xf32>
    %mul3A_486 = vector.broadcast %squeeze3A_485 : f32 to vector<8x512xf32>
    %mul3A_487 = arith.mulf %convert_element_type3A_463, %mul3A_486 : vector<8x512xf32>
    %add3A_488 = arith.addf %add3A_438, %mul3A_487 : vector<8x512xf32>
    %slice3A_489 = vector.extract_strided_slice %get3A_4 {offsets = [5, 9], sizes = [1, 1], strides = [1, 1]} : vector<9x32xf32> to vector<1x1xf32>
    %squeeze3A_490 = vector.extract %slice3A_489[0, 0] : f32 from vector<1x1xf32>
    %mul3A_491 = vector.broadcast %squeeze3A_490 : f32 to vector<8x512xf32>
    %mul3A_492 = arith.mulf %convert_element_type3A_463, %mul3A_491 : vector<8x512xf32>
    %add3A_493 = arith.addf %add3A_443, %mul3A_492 : vector<8x512xf32>
    %slice3A_494 = vector.extract_strided_slice %get3A_4 {offsets = [6, 9], sizes = [1, 1], strides = [1, 1]} : vector<9x32xf32> to vector<1x1xf32>
    %squeeze3A_495 = vector.extract %slice3A_494[0, 0] : f32 from vector<1x1xf32>
    %mul3A_496 = vector.broadcast %squeeze3A_495 : f32 to vector<8x512xf32>
    %mul3A_497 = arith.mulf %convert_element_type3A_463, %mul3A_496 : vector<8x512xf32>
    %add3A_498 = arith.addf %add3A_448, %mul3A_497 : vector<8x512xf32>
    %slice3A_499 = vector.extract_strided_slice %get3A_4 {offsets = [7, 9], sizes = [1, 1], strides = [1, 1]} : vector<9x32xf32> to vector<1x1xf32>
    %squeeze3A_500 = vector.extract %slice3A_499[0, 0] : f32 from vector<1x1xf32>
    %mul3A_501 = vector.broadcast %squeeze3A_500 : f32 to vector<8x512xf32>
    %mul3A_502 = arith.mulf %convert_element_type3A_463, %mul3A_501 : vector<8x512xf32>
    %add3A_503 = arith.addf %add3A_453, %mul3A_502 : vector<8x512xf32>
    %slice3A_504 = vector.extract_strided_slice %get3A_4 {offsets = [8, 9], sizes = [1, 1], strides = [1, 1]} : vector<9x32xf32> to vector<1x1xf32>
    %squeeze3A_505 = vector.extract %slice3A_504[0, 0] : f32 from vector<1x1xf32>
    %mul3A_506 = vector.broadcast %squeeze3A_505 : f32 to vector<8x512xf32>
    %mul3A_507 = arith.mulf %convert_element_type3A_463, %mul3A_506 : vector<8x512xf32>
    %add3A_508 = arith.addf %add3A_458, %mul3A_507 : vector<8x512xf32>
    %eq3A_509 = arith.constant 10 : i32
    %eq3A_510 = vector.broadcast %eq3A_509 : i32 to vector<8x512xi32>
    %eq3A_511 = arith.cmpi eq, %get3A_1, %eq3A_510 : vector<8x512xi32>
    %convert_element_type3A_512 = arith.extui %eq3A_511 : vector<8x512xi1> to vector<8x512xi32>
    %convert_element_type3A_513 = arith.sitofp %convert_element_type3A_512 : vector<8x512xi32> to vector<8x512xf32>
    %slice3A_514 = vector.extract_strided_slice %get3A_4 {offsets = [0, 10], sizes = [1, 1], strides = [1, 1]} : vector<9x32xf32> to vector<1x1xf32>
    %squeeze3A_515 = vector.extract %slice3A_514[0, 0] : f32 from vector<1x1xf32>
    %mul3A_516 = vector.broadcast %squeeze3A_515 : f32 to vector<8x512xf32>
    %mul3A_517 = arith.mulf %convert_element_type3A_513, %mul3A_516 : vector<8x512xf32>
    %add3A_518 = arith.addf %add3A_468, %mul3A_517 : vector<8x512xf32>
    %slice3A_519 = vector.extract_strided_slice %get3A_4 {offsets = [1, 10], sizes = [1, 1], strides = [1, 1]} : vector<9x32xf32> to vector<1x1xf32>
    %squeeze3A_520 = vector.extract %slice3A_519[0, 0] : f32 from vector<1x1xf32>
    %mul3A_521 = vector.broadcast %squeeze3A_520 : f32 to vector<8x512xf32>
    %mul3A_522 = arith.mulf %convert_element_type3A_513, %mul3A_521 : vector<8x512xf32>
    %add3A_523 = arith.addf %add3A_473, %mul3A_522 : vector<8x512xf32>
    %slice3A_524 = vector.extract_strided_slice %get3A_4 {offsets = [2, 10], sizes = [1, 1], strides = [1, 1]} : vector<9x32xf32> to vector<1x1xf32>
    %squeeze3A_525 = vector.extract %slice3A_524[0, 0] : f32 from vector<1x1xf32>
    %mul3A_526 = vector.broadcast %squeeze3A_525 : f32 to vector<8x512xf32>
    %mul3A_527 = arith.mulf %convert_element_type3A_513, %mul3A_526 : vector<8x512xf32>
    %add3A_528 = arith.addf %add3A_478, %mul3A_527 : vector<8x512xf32>
    %slice3A_529 = vector.extract_strided_slice %get3A_4 {offsets = [3, 10], sizes = [1, 1], strides = [1, 1]} : vector<9x32xf32> to vector<1x1xf32>
    %squeeze3A_530 = vector.extract %slice3A_529[0, 0] : f32 from vector<1x1xf32>
    %mul3A_531 = vector.broadcast %squeeze3A_530 : f32 to vector<8x512xf32>
    %mul3A_532 = arith.mulf %convert_element_type3A_513, %mul3A_531 : vector<8x512xf32>
    %add3A_533 = arith.addf %add3A_483, %mul3A_532 : vector<8x512xf32>
    %slice3A_534 = vector.extract_strided_slice %get3A_4 {offsets = [4, 10], sizes = [1, 1], strides = [1, 1]} : vector<9x32xf32> to vector<1x1xf32>
    %squeeze3A_535 = vector.extract %slice3A_534[0, 0] : f32 from vector<1x1xf32>
    %mul3A_536 = vector.broadcast %squeeze3A_535 : f32 to vector<8x512xf32>
    %mul3A_537 = arith.mulf %convert_element_type3A_513, %mul3A_536 : vector<8x512xf32>
    %add3A_538 = arith.addf %add3A_488, %mul3A_537 : vector<8x512xf32>
    %slice3A_539 = vector.extract_strided_slice %get3A_4 {offsets = [5, 10], sizes = [1, 1], strides = [1, 1]} : vector<9x32xf32> to vector<1x1xf32>
    %squeeze3A_540 = vector.extract %slice3A_539[0, 0] : f32 from vector<1x1xf32>
    %mul3A_541 = vector.broadcast %squeeze3A_540 : f32 to vector<8x512xf32>
    %mul3A_542 = arith.mulf %convert_element_type3A_513, %mul3A_541 : vector<8x512xf32>
    %add3A_543 = arith.addf %add3A_493, %mul3A_542 : vector<8x512xf32>
    %slice3A_544 = vector.extract_strided_slice %get3A_4 {offsets = [6, 10], sizes = [1, 1], strides = [1, 1]} : vector<9x32xf32> to vector<1x1xf32>
    %squeeze3A_545 = vector.extract %slice3A_544[0, 0] : f32 from vector<1x1xf32>
    %mul3A_546 = vector.broadcast %squeeze3A_545 : f32 to vector<8x512xf32>
    %mul3A_547 = arith.mulf %convert_element_type3A_513, %mul3A_546 : vector<8x512xf32>
    %add3A_548 = arith.addf %add3A_498, %mul3A_547 : vector<8x512xf32>
    %slice3A_549 = vector.extract_strided_slice %get3A_4 {offsets = [7, 10], sizes = [1, 1], strides = [1, 1]} : vector<9x32xf32> to vector<1x1xf32>
    %squeeze3A_550 = vector.extract %slice3A_549[0, 0] : f32 from vector<1x1xf32>
    %mul3A_551 = vector.broadcast %squeeze3A_550 : f32 to vector<8x512xf32>
    %mul3A_552 = arith.mulf %convert_element_type3A_513, %mul3A_551 : vector<8x512xf32>
    %add3A_553 = arith.addf %add3A_503, %mul3A_552 : vector<8x512xf32>
    %slice3A_554 = vector.extract_strided_slice %get3A_4 {offsets = [8, 10], sizes = [1, 1], strides = [1, 1]} : vector<9x32xf32> to vector<1x1xf32>
    %squeeze3A_555 = vector.extract %slice3A_554[0, 0] : f32 from vector<1x1xf32>
    %mul3A_556 = vector.broadcast %squeeze3A_555 : f32 to vector<8x512xf32>
    %mul3A_557 = arith.mulf %convert_element_type3A_513, %mul3A_556 : vector<8x512xf32>
    %add3A_558 = arith.addf %add3A_508, %mul3A_557 : vector<8x512xf32>
    %eq3A_559 = arith.constant 11 : i32
    %eq3A_560 = vector.broadcast %eq3A_559 : i32 to vector<8x512xi32>
    %eq3A_561 = arith.cmpi eq, %get3A_1, %eq3A_560 : vector<8x512xi32>
    %convert_element_type3A_562 = arith.extui %eq3A_561 : vector<8x512xi1> to vector<8x512xi32>
    %convert_element_type3A_563 = arith.sitofp %convert_element_type3A_562 : vector<8x512xi32> to vector<8x512xf32>
    %slice3A_564 = vector.extract_strided_slice %get3A_4 {offsets = [0, 11], sizes = [1, 1], strides = [1, 1]} : vector<9x32xf32> to vector<1x1xf32>
    %squeeze3A_565 = vector.extract %slice3A_564[0, 0] : f32 from vector<1x1xf32>
    %mul3A_566 = vector.broadcast %squeeze3A_565 : f32 to vector<8x512xf32>
    %mul3A_567 = arith.mulf %convert_element_type3A_563, %mul3A_566 : vector<8x512xf32>
    %add3A_568 = arith.addf %add3A_518, %mul3A_567 : vector<8x512xf32>
    %slice3A_569 = vector.extract_strided_slice %get3A_4 {offsets = [1, 11], sizes = [1, 1], strides = [1, 1]} : vector<9x32xf32> to vector<1x1xf32>
    %squeeze3A_570 = vector.extract %slice3A_569[0, 0] : f32 from vector<1x1xf32>
    %mul3A_571 = vector.broadcast %squeeze3A_570 : f32 to vector<8x512xf32>
    %mul3A_572 = arith.mulf %convert_element_type3A_563, %mul3A_571 : vector<8x512xf32>
    %add3A_573 = arith.addf %add3A_523, %mul3A_572 : vector<8x512xf32>
    %slice3A_574 = vector.extract_strided_slice %get3A_4 {offsets = [2, 11], sizes = [1, 1], strides = [1, 1]} : vector<9x32xf32> to vector<1x1xf32>
    %squeeze3A_575 = vector.extract %slice3A_574[0, 0] : f32 from vector<1x1xf32>
    %mul3A_576 = vector.broadcast %squeeze3A_575 : f32 to vector<8x512xf32>
    %mul3A_577 = arith.mulf %convert_element_type3A_563, %mul3A_576 : vector<8x512xf32>
    %add3A_578 = arith.addf %add3A_528, %mul3A_577 : vector<8x512xf32>
    %slice3A_579 = vector.extract_strided_slice %get3A_4 {offsets = [3, 11], sizes = [1, 1], strides = [1, 1]} : vector<9x32xf32> to vector<1x1xf32>
    %squeeze3A_580 = vector.extract %slice3A_579[0, 0] : f32 from vector<1x1xf32>
    %mul3A_581 = vector.broadcast %squeeze3A_580 : f32 to vector<8x512xf32>
    %mul3A_582 = arith.mulf %convert_element_type3A_563, %mul3A_581 : vector<8x512xf32>
    %add3A_583 = arith.addf %add3A_533, %mul3A_582 : vector<8x512xf32>
    %slice3A_584 = vector.extract_strided_slice %get3A_4 {offsets = [4, 11], sizes = [1, 1], strides = [1, 1]} : vector<9x32xf32> to vector<1x1xf32>
    %squeeze3A_585 = vector.extract %slice3A_584[0, 0] : f32 from vector<1x1xf32>
    %mul3A_586 = vector.broadcast %squeeze3A_585 : f32 to vector<8x512xf32>
    %mul3A_587 = arith.mulf %convert_element_type3A_563, %mul3A_586 : vector<8x512xf32>
    %add3A_588 = arith.addf %add3A_538, %mul3A_587 : vector<8x512xf32>
    %slice3A_589 = vector.extract_strided_slice %get3A_4 {offsets = [5, 11], sizes = [1, 1], strides = [1, 1]} : vector<9x32xf32> to vector<1x1xf32>
    %squeeze3A_590 = vector.extract %slice3A_589[0, 0] : f32 from vector<1x1xf32>
    %mul3A_591 = vector.broadcast %squeeze3A_590 : f32 to vector<8x512xf32>
    %mul3A_592 = arith.mulf %convert_element_type3A_563, %mul3A_591 : vector<8x512xf32>
    %add3A_593 = arith.addf %add3A_543, %mul3A_592 : vector<8x512xf32>
    %slice3A_594 = vector.extract_strided_slice %get3A_4 {offsets = [6, 11], sizes = [1, 1], strides = [1, 1]} : vector<9x32xf32> to vector<1x1xf32>
    %squeeze3A_595 = vector.extract %slice3A_594[0, 0] : f32 from vector<1x1xf32>
    %mul3A_596 = vector.broadcast %squeeze3A_595 : f32 to vector<8x512xf32>
    %mul3A_597 = arith.mulf %convert_element_type3A_563, %mul3A_596 : vector<8x512xf32>
    %add3A_598 = arith.addf %add3A_548, %mul3A_597 : vector<8x512xf32>
    %slice3A_599 = vector.extract_strided_slice %get3A_4 {offsets = [7, 11], sizes = [1, 1], strides = [1, 1]} : vector<9x32xf32> to vector<1x1xf32>
    %squeeze3A_600 = vector.extract %slice3A_599[0, 0] : f32 from vector<1x1xf32>
    %mul3A_601 = vector.broadcast %squeeze3A_600 : f32 to vector<8x512xf32>
    %mul3A_602 = arith.mulf %convert_element_type3A_563, %mul3A_601 : vector<8x512xf32>
    %add3A_603 = arith.addf %add3A_553, %mul3A_602 : vector<8x512xf32>
    %slice3A_604 = vector.extract_strided_slice %get3A_4 {offsets = [8, 11], sizes = [1, 1], strides = [1, 1]} : vector<9x32xf32> to vector<1x1xf32>
    %squeeze3A_605 = vector.extract %slice3A_604[0, 0] : f32 from vector<1x1xf32>
    %mul3A_606 = vector.broadcast %squeeze3A_605 : f32 to vector<8x512xf32>
    %mul3A_607 = arith.mulf %convert_element_type3A_563, %mul3A_606 : vector<8x512xf32>
    %add3A_608 = arith.addf %add3A_558, %mul3A_607 : vector<8x512xf32>
    %eq3A_609 = arith.constant 12 : i32
    %eq3A_610 = vector.broadcast %eq3A_609 : i32 to vector<8x512xi32>
    %eq3A_611 = arith.cmpi eq, %get3A_1, %eq3A_610 : vector<8x512xi32>
    %convert_element_type3A_612 = arith.extui %eq3A_611 : vector<8x512xi1> to vector<8x512xi32>
    %convert_element_type3A_613 = arith.sitofp %convert_element_type3A_612 : vector<8x512xi32> to vector<8x512xf32>
    %slice3A_614 = vector.extract_strided_slice %get3A_4 {offsets = [0, 12], sizes = [1, 1], strides = [1, 1]} : vector<9x32xf32> to vector<1x1xf32>
    %squeeze3A_615 = vector.extract %slice3A_614[0, 0] : f32 from vector<1x1xf32>
    %mul3A_616 = vector.broadcast %squeeze3A_615 : f32 to vector<8x512xf32>
    %mul3A_617 = arith.mulf %convert_element_type3A_613, %mul3A_616 : vector<8x512xf32>
    %add3A_618 = arith.addf %add3A_568, %mul3A_617 : vector<8x512xf32>
    %slice3A_619 = vector.extract_strided_slice %get3A_4 {offsets = [1, 12], sizes = [1, 1], strides = [1, 1]} : vector<9x32xf32> to vector<1x1xf32>
    %squeeze3A_620 = vector.extract %slice3A_619[0, 0] : f32 from vector<1x1xf32>
    %mul3A_621 = vector.broadcast %squeeze3A_620 : f32 to vector<8x512xf32>
    %mul3A_622 = arith.mulf %convert_element_type3A_613, %mul3A_621 : vector<8x512xf32>
    %add3A_623 = arith.addf %add3A_573, %mul3A_622 : vector<8x512xf32>
    %slice3A_624 = vector.extract_strided_slice %get3A_4 {offsets = [2, 12], sizes = [1, 1], strides = [1, 1]} : vector<9x32xf32> to vector<1x1xf32>
    %squeeze3A_625 = vector.extract %slice3A_624[0, 0] : f32 from vector<1x1xf32>
    %mul3A_626 = vector.broadcast %squeeze3A_625 : f32 to vector<8x512xf32>
    %mul3A_627 = arith.mulf %convert_element_type3A_613, %mul3A_626 : vector<8x512xf32>
    %add3A_628 = arith.addf %add3A_578, %mul3A_627 : vector<8x512xf32>
    %slice3A_629 = vector.extract_strided_slice %get3A_4 {offsets = [3, 12], sizes = [1, 1], strides = [1, 1]} : vector<9x32xf32> to vector<1x1xf32>
    %squeeze3A_630 = vector.extract %slice3A_629[0, 0] : f32 from vector<1x1xf32>
    %mul3A_631 = vector.broadcast %squeeze3A_630 : f32 to vector<8x512xf32>
    %mul3A_632 = arith.mulf %convert_element_type3A_613, %mul3A_631 : vector<8x512xf32>
    %add3A_633 = arith.addf %add3A_583, %mul3A_632 : vector<8x512xf32>
    %slice3A_634 = vector.extract_strided_slice %get3A_4 {offsets = [4, 12], sizes = [1, 1], strides = [1, 1]} : vector<9x32xf32> to vector<1x1xf32>
    %squeeze3A_635 = vector.extract %slice3A_634[0, 0] : f32 from vector<1x1xf32>
    %mul3A_636 = vector.broadcast %squeeze3A_635 : f32 to vector<8x512xf32>
    %mul3A_637 = arith.mulf %convert_element_type3A_613, %mul3A_636 : vector<8x512xf32>
    %add3A_638 = arith.addf %add3A_588, %mul3A_637 : vector<8x512xf32>
    %slice3A_639 = vector.extract_strided_slice %get3A_4 {offsets = [5, 12], sizes = [1, 1], strides = [1, 1]} : vector<9x32xf32> to vector<1x1xf32>
    %squeeze3A_640 = vector.extract %slice3A_639[0, 0] : f32 from vector<1x1xf32>
    %mul3A_641 = vector.broadcast %squeeze3A_640 : f32 to vector<8x512xf32>
    %mul3A_642 = arith.mulf %convert_element_type3A_613, %mul3A_641 : vector<8x512xf32>
    %add3A_643 = arith.addf %add3A_593, %mul3A_642 : vector<8x512xf32>
    %slice3A_644 = vector.extract_strided_slice %get3A_4 {offsets = [6, 12], sizes = [1, 1], strides = [1, 1]} : vector<9x32xf32> to vector<1x1xf32>
    %squeeze3A_645 = vector.extract %slice3A_644[0, 0] : f32 from vector<1x1xf32>
    %mul3A_646 = vector.broadcast %squeeze3A_645 : f32 to vector<8x512xf32>
    %mul3A_647 = arith.mulf %convert_element_type3A_613, %mul3A_646 : vector<8x512xf32>
    %add3A_648 = arith.addf %add3A_598, %mul3A_647 : vector<8x512xf32>
    %slice3A_649 = vector.extract_strided_slice %get3A_4 {offsets = [7, 12], sizes = [1, 1], strides = [1, 1]} : vector<9x32xf32> to vector<1x1xf32>
    %squeeze3A_650 = vector.extract %slice3A_649[0, 0] : f32 from vector<1x1xf32>
    %mul3A_651 = vector.broadcast %squeeze3A_650 : f32 to vector<8x512xf32>
    %mul3A_652 = arith.mulf %convert_element_type3A_613, %mul3A_651 : vector<8x512xf32>
    %add3A_653 = arith.addf %add3A_603, %mul3A_652 : vector<8x512xf32>
    %slice3A_654 = vector.extract_strided_slice %get3A_4 {offsets = [8, 12], sizes = [1, 1], strides = [1, 1]} : vector<9x32xf32> to vector<1x1xf32>
    %squeeze3A_655 = vector.extract %slice3A_654[0, 0] : f32 from vector<1x1xf32>
    %mul3A_656 = vector.broadcast %squeeze3A_655 : f32 to vector<8x512xf32>
    %mul3A_657 = arith.mulf %convert_element_type3A_613, %mul3A_656 : vector<8x512xf32>
    %add3A_658 = arith.addf %add3A_608, %mul3A_657 : vector<8x512xf32>
    %eq3A_659 = arith.constant 13 : i32
    %eq3A_660 = vector.broadcast %eq3A_659 : i32 to vector<8x512xi32>
    %eq3A_661 = arith.cmpi eq, %get3A_1, %eq3A_660 : vector<8x512xi32>
    %convert_element_type3A_662 = arith.extui %eq3A_661 : vector<8x512xi1> to vector<8x512xi32>
    %convert_element_type3A_663 = arith.sitofp %convert_element_type3A_662 : vector<8x512xi32> to vector<8x512xf32>
    %slice3A_664 = vector.extract_strided_slice %get3A_4 {offsets = [0, 13], sizes = [1, 1], strides = [1, 1]} : vector<9x32xf32> to vector<1x1xf32>
    %squeeze3A_665 = vector.extract %slice3A_664[0, 0] : f32 from vector<1x1xf32>
    %mul3A_666 = vector.broadcast %squeeze3A_665 : f32 to vector<8x512xf32>
    %mul3A_667 = arith.mulf %convert_element_type3A_663, %mul3A_666 : vector<8x512xf32>
    %add3A_668 = arith.addf %add3A_618, %mul3A_667 : vector<8x512xf32>
    %slice3A_669 = vector.extract_strided_slice %get3A_4 {offsets = [1, 13], sizes = [1, 1], strides = [1, 1]} : vector<9x32xf32> to vector<1x1xf32>
    %squeeze3A_670 = vector.extract %slice3A_669[0, 0] : f32 from vector<1x1xf32>
    %mul3A_671 = vector.broadcast %squeeze3A_670 : f32 to vector<8x512xf32>
    %mul3A_672 = arith.mulf %convert_element_type3A_663, %mul3A_671 : vector<8x512xf32>
    %add3A_673 = arith.addf %add3A_623, %mul3A_672 : vector<8x512xf32>
    %slice3A_674 = vector.extract_strided_slice %get3A_4 {offsets = [2, 13], sizes = [1, 1], strides = [1, 1]} : vector<9x32xf32> to vector<1x1xf32>
    %squeeze3A_675 = vector.extract %slice3A_674[0, 0] : f32 from vector<1x1xf32>
    %mul3A_676 = vector.broadcast %squeeze3A_675 : f32 to vector<8x512xf32>
    %mul3A_677 = arith.mulf %convert_element_type3A_663, %mul3A_676 : vector<8x512xf32>
    %add3A_678 = arith.addf %add3A_628, %mul3A_677 : vector<8x512xf32>
    %slice3A_679 = vector.extract_strided_slice %get3A_4 {offsets = [3, 13], sizes = [1, 1], strides = [1, 1]} : vector<9x32xf32> to vector<1x1xf32>
    %squeeze3A_680 = vector.extract %slice3A_679[0, 0] : f32 from vector<1x1xf32>
    %mul3A_681 = vector.broadcast %squeeze3A_680 : f32 to vector<8x512xf32>
    %mul3A_682 = arith.mulf %convert_element_type3A_663, %mul3A_681 : vector<8x512xf32>
    %add3A_683 = arith.addf %add3A_633, %mul3A_682 : vector<8x512xf32>
    %slice3A_684 = vector.extract_strided_slice %get3A_4 {offsets = [4, 13], sizes = [1, 1], strides = [1, 1]} : vector<9x32xf32> to vector<1x1xf32>
    %squeeze3A_685 = vector.extract %slice3A_684[0, 0] : f32 from vector<1x1xf32>
    %mul3A_686 = vector.broadcast %squeeze3A_685 : f32 to vector<8x512xf32>
    %mul3A_687 = arith.mulf %convert_element_type3A_663, %mul3A_686 : vector<8x512xf32>
    %add3A_688 = arith.addf %add3A_638, %mul3A_687 : vector<8x512xf32>
    %slice3A_689 = vector.extract_strided_slice %get3A_4 {offsets = [5, 13], sizes = [1, 1], strides = [1, 1]} : vector<9x32xf32> to vector<1x1xf32>
    %squeeze3A_690 = vector.extract %slice3A_689[0, 0] : f32 from vector<1x1xf32>
    %mul3A_691 = vector.broadcast %squeeze3A_690 : f32 to vector<8x512xf32>
    %mul3A_692 = arith.mulf %convert_element_type3A_663, %mul3A_691 : vector<8x512xf32>
    %add3A_693 = arith.addf %add3A_643, %mul3A_692 : vector<8x512xf32>
    %slice3A_694 = vector.extract_strided_slice %get3A_4 {offsets = [6, 13], sizes = [1, 1], strides = [1, 1]} : vector<9x32xf32> to vector<1x1xf32>
    %squeeze3A_695 = vector.extract %slice3A_694[0, 0] : f32 from vector<1x1xf32>
    %mul3A_696 = vector.broadcast %squeeze3A_695 : f32 to vector<8x512xf32>
    %mul3A_697 = arith.mulf %convert_element_type3A_663, %mul3A_696 : vector<8x512xf32>
    %add3A_698 = arith.addf %add3A_648, %mul3A_697 : vector<8x512xf32>
    %slice3A_699 = vector.extract_strided_slice %get3A_4 {offsets = [7, 13], sizes = [1, 1], strides = [1, 1]} : vector<9x32xf32> to vector<1x1xf32>
    %squeeze3A_700 = vector.extract %slice3A_699[0, 0] : f32 from vector<1x1xf32>
    %mul3A_701 = vector.broadcast %squeeze3A_700 : f32 to vector<8x512xf32>
    %mul3A_702 = arith.mulf %convert_element_type3A_663, %mul3A_701 : vector<8x512xf32>
    %add3A_703 = arith.addf %add3A_653, %mul3A_702 : vector<8x512xf32>
    %slice3A_704 = vector.extract_strided_slice %get3A_4 {offsets = [8, 13], sizes = [1, 1], strides = [1, 1]} : vector<9x32xf32> to vector<1x1xf32>
    %squeeze3A_705 = vector.extract %slice3A_704[0, 0] : f32 from vector<1x1xf32>
    %mul3A_706 = vector.broadcast %squeeze3A_705 : f32 to vector<8x512xf32>
    %mul3A_707 = arith.mulf %convert_element_type3A_663, %mul3A_706 : vector<8x512xf32>
    %add3A_708 = arith.addf %add3A_658, %mul3A_707 : vector<8x512xf32>
    %eq3A_709 = arith.constant 14 : i32
    %eq3A_710 = vector.broadcast %eq3A_709 : i32 to vector<8x512xi32>
    %eq3A_711 = arith.cmpi eq, %get3A_1, %eq3A_710 : vector<8x512xi32>
    %convert_element_type3A_712 = arith.extui %eq3A_711 : vector<8x512xi1> to vector<8x512xi32>
    %convert_element_type3A_713 = arith.sitofp %convert_element_type3A_712 : vector<8x512xi32> to vector<8x512xf32>
    %slice3A_714 = vector.extract_strided_slice %get3A_4 {offsets = [0, 14], sizes = [1, 1], strides = [1, 1]} : vector<9x32xf32> to vector<1x1xf32>
    %squeeze3A_715 = vector.extract %slice3A_714[0, 0] : f32 from vector<1x1xf32>
    %mul3A_716 = vector.broadcast %squeeze3A_715 : f32 to vector<8x512xf32>
    %mul3A_717 = arith.mulf %convert_element_type3A_713, %mul3A_716 : vector<8x512xf32>
    %add3A_718 = arith.addf %add3A_668, %mul3A_717 : vector<8x512xf32>
    %slice3A_719 = vector.extract_strided_slice %get3A_4 {offsets = [1, 14], sizes = [1, 1], strides = [1, 1]} : vector<9x32xf32> to vector<1x1xf32>
    %squeeze3A_720 = vector.extract %slice3A_719[0, 0] : f32 from vector<1x1xf32>
    %mul3A_721 = vector.broadcast %squeeze3A_720 : f32 to vector<8x512xf32>
    %mul3A_722 = arith.mulf %convert_element_type3A_713, %mul3A_721 : vector<8x512xf32>
    %add3A_723 = arith.addf %add3A_673, %mul3A_722 : vector<8x512xf32>
    %slice3A_724 = vector.extract_strided_slice %get3A_4 {offsets = [2, 14], sizes = [1, 1], strides = [1, 1]} : vector<9x32xf32> to vector<1x1xf32>
    %squeeze3A_725 = vector.extract %slice3A_724[0, 0] : f32 from vector<1x1xf32>
    %mul3A_726 = vector.broadcast %squeeze3A_725 : f32 to vector<8x512xf32>
    %mul3A_727 = arith.mulf %convert_element_type3A_713, %mul3A_726 : vector<8x512xf32>
    %add3A_728 = arith.addf %add3A_678, %mul3A_727 : vector<8x512xf32>
    %slice3A_729 = vector.extract_strided_slice %get3A_4 {offsets = [3, 14], sizes = [1, 1], strides = [1, 1]} : vector<9x32xf32> to vector<1x1xf32>
    %squeeze3A_730 = vector.extract %slice3A_729[0, 0] : f32 from vector<1x1xf32>
    %mul3A_731 = vector.broadcast %squeeze3A_730 : f32 to vector<8x512xf32>
    %mul3A_732 = arith.mulf %convert_element_type3A_713, %mul3A_731 : vector<8x512xf32>
    %add3A_733 = arith.addf %add3A_683, %mul3A_732 : vector<8x512xf32>
    %slice3A_734 = vector.extract_strided_slice %get3A_4 {offsets = [4, 14], sizes = [1, 1], strides = [1, 1]} : vector<9x32xf32> to vector<1x1xf32>
    %squeeze3A_735 = vector.extract %slice3A_734[0, 0] : f32 from vector<1x1xf32>
    %mul3A_736 = vector.broadcast %squeeze3A_735 : f32 to vector<8x512xf32>
    %mul3A_737 = arith.mulf %convert_element_type3A_713, %mul3A_736 : vector<8x512xf32>
    %add3A_738 = arith.addf %add3A_688, %mul3A_737 : vector<8x512xf32>
    %slice3A_739 = vector.extract_strided_slice %get3A_4 {offsets = [5, 14], sizes = [1, 1], strides = [1, 1]} : vector<9x32xf32> to vector<1x1xf32>
    %squeeze3A_740 = vector.extract %slice3A_739[0, 0] : f32 from vector<1x1xf32>
    %mul3A_741 = vector.broadcast %squeeze3A_740 : f32 to vector<8x512xf32>
    %mul3A_742 = arith.mulf %convert_element_type3A_713, %mul3A_741 : vector<8x512xf32>
    %add3A_743 = arith.addf %add3A_693, %mul3A_742 : vector<8x512xf32>
    %slice3A_744 = vector.extract_strided_slice %get3A_4 {offsets = [6, 14], sizes = [1, 1], strides = [1, 1]} : vector<9x32xf32> to vector<1x1xf32>
    %squeeze3A_745 = vector.extract %slice3A_744[0, 0] : f32 from vector<1x1xf32>
    %mul3A_746 = vector.broadcast %squeeze3A_745 : f32 to vector<8x512xf32>
    %mul3A_747 = arith.mulf %convert_element_type3A_713, %mul3A_746 : vector<8x512xf32>
    %add3A_748 = arith.addf %add3A_698, %mul3A_747 : vector<8x512xf32>
    %slice3A_749 = vector.extract_strided_slice %get3A_4 {offsets = [7, 14], sizes = [1, 1], strides = [1, 1]} : vector<9x32xf32> to vector<1x1xf32>
    %squeeze3A_750 = vector.extract %slice3A_749[0, 0] : f32 from vector<1x1xf32>
    %mul3A_751 = vector.broadcast %squeeze3A_750 : f32 to vector<8x512xf32>
    %mul3A_752 = arith.mulf %convert_element_type3A_713, %mul3A_751 : vector<8x512xf32>
    %add3A_753 = arith.addf %add3A_703, %mul3A_752 : vector<8x512xf32>
    %slice3A_754 = vector.extract_strided_slice %get3A_4 {offsets = [8, 14], sizes = [1, 1], strides = [1, 1]} : vector<9x32xf32> to vector<1x1xf32>
    %squeeze3A_755 = vector.extract %slice3A_754[0, 0] : f32 from vector<1x1xf32>
    %mul3A_756 = vector.broadcast %squeeze3A_755 : f32 to vector<8x512xf32>
    %mul3A_757 = arith.mulf %convert_element_type3A_713, %mul3A_756 : vector<8x512xf32>
    %add3A_758 = arith.addf %add3A_708, %mul3A_757 : vector<8x512xf32>
    %eq3A_759 = arith.constant 15 : i32
    %eq3A_760 = vector.broadcast %eq3A_759 : i32 to vector<8x512xi32>
    %eq3A_761 = arith.cmpi eq, %get3A_1, %eq3A_760 : vector<8x512xi32>
    %convert_element_type3A_762 = arith.extui %eq3A_761 : vector<8x512xi1> to vector<8x512xi32>
    %convert_element_type3A_763 = arith.sitofp %convert_element_type3A_762 : vector<8x512xi32> to vector<8x512xf32>
    %slice3A_764 = vector.extract_strided_slice %get3A_4 {offsets = [0, 15], sizes = [1, 1], strides = [1, 1]} : vector<9x32xf32> to vector<1x1xf32>
    %squeeze3A_765 = vector.extract %slice3A_764[0, 0] : f32 from vector<1x1xf32>
    %mul3A_766 = vector.broadcast %squeeze3A_765 : f32 to vector<8x512xf32>
    %mul3A_767 = arith.mulf %convert_element_type3A_763, %mul3A_766 : vector<8x512xf32>
    %add3A_768 = arith.addf %add3A_718, %mul3A_767 : vector<8x512xf32>
    %slice3A_769 = vector.extract_strided_slice %get3A_4 {offsets = [1, 15], sizes = [1, 1], strides = [1, 1]} : vector<9x32xf32> to vector<1x1xf32>
    %squeeze3A_770 = vector.extract %slice3A_769[0, 0] : f32 from vector<1x1xf32>
    %mul3A_771 = vector.broadcast %squeeze3A_770 : f32 to vector<8x512xf32>
    %mul3A_772 = arith.mulf %convert_element_type3A_763, %mul3A_771 : vector<8x512xf32>
    %add3A_773 = arith.addf %add3A_723, %mul3A_772 : vector<8x512xf32>
    %slice3A_774 = vector.extract_strided_slice %get3A_4 {offsets = [2, 15], sizes = [1, 1], strides = [1, 1]} : vector<9x32xf32> to vector<1x1xf32>
    %squeeze3A_775 = vector.extract %slice3A_774[0, 0] : f32 from vector<1x1xf32>
    %mul3A_776 = vector.broadcast %squeeze3A_775 : f32 to vector<8x512xf32>
    %mul3A_777 = arith.mulf %convert_element_type3A_763, %mul3A_776 : vector<8x512xf32>
    %add3A_778 = arith.addf %add3A_728, %mul3A_777 : vector<8x512xf32>
    %slice3A_779 = vector.extract_strided_slice %get3A_4 {offsets = [3, 15], sizes = [1, 1], strides = [1, 1]} : vector<9x32xf32> to vector<1x1xf32>
    %squeeze3A_780 = vector.extract %slice3A_779[0, 0] : f32 from vector<1x1xf32>
    %mul3A_781 = vector.broadcast %squeeze3A_780 : f32 to vector<8x512xf32>
    %mul3A_782 = arith.mulf %convert_element_type3A_763, %mul3A_781 : vector<8x512xf32>
    %add3A_783 = arith.addf %add3A_733, %mul3A_782 : vector<8x512xf32>
    %slice3A_784 = vector.extract_strided_slice %get3A_4 {offsets = [4, 15], sizes = [1, 1], strides = [1, 1]} : vector<9x32xf32> to vector<1x1xf32>
    %squeeze3A_785 = vector.extract %slice3A_784[0, 0] : f32 from vector<1x1xf32>
    %mul3A_786 = vector.broadcast %squeeze3A_785 : f32 to vector<8x512xf32>
    %mul3A_787 = arith.mulf %convert_element_type3A_763, %mul3A_786 : vector<8x512xf32>
    %add3A_788 = arith.addf %add3A_738, %mul3A_787 : vector<8x512xf32>
    %slice3A_789 = vector.extract_strided_slice %get3A_4 {offsets = [5, 15], sizes = [1, 1], strides = [1, 1]} : vector<9x32xf32> to vector<1x1xf32>
    %squeeze3A_790 = vector.extract %slice3A_789[0, 0] : f32 from vector<1x1xf32>
    %mul3A_791 = vector.broadcast %squeeze3A_790 : f32 to vector<8x512xf32>
    %mul3A_792 = arith.mulf %convert_element_type3A_763, %mul3A_791 : vector<8x512xf32>
    %add3A_793 = arith.addf %add3A_743, %mul3A_792 : vector<8x512xf32>
    %slice3A_794 = vector.extract_strided_slice %get3A_4 {offsets = [6, 15], sizes = [1, 1], strides = [1, 1]} : vector<9x32xf32> to vector<1x1xf32>
    %squeeze3A_795 = vector.extract %slice3A_794[0, 0] : f32 from vector<1x1xf32>
    %mul3A_796 = vector.broadcast %squeeze3A_795 : f32 to vector<8x512xf32>
    %mul3A_797 = arith.mulf %convert_element_type3A_763, %mul3A_796 : vector<8x512xf32>
    %add3A_798 = arith.addf %add3A_748, %mul3A_797 : vector<8x512xf32>
    %slice3A_799 = vector.extract_strided_slice %get3A_4 {offsets = [7, 15], sizes = [1, 1], strides = [1, 1]} : vector<9x32xf32> to vector<1x1xf32>
    %squeeze3A_800 = vector.extract %slice3A_799[0, 0] : f32 from vector<1x1xf32>
    %mul3A_801 = vector.broadcast %squeeze3A_800 : f32 to vector<8x512xf32>
    %mul3A_802 = arith.mulf %convert_element_type3A_763, %mul3A_801 : vector<8x512xf32>
    %add3A_803 = arith.addf %add3A_753, %mul3A_802 : vector<8x512xf32>
    %slice3A_804 = vector.extract_strided_slice %get3A_4 {offsets = [8, 15], sizes = [1, 1], strides = [1, 1]} : vector<9x32xf32> to vector<1x1xf32>
    %squeeze3A_805 = vector.extract %slice3A_804[0, 0] : f32 from vector<1x1xf32>
    %mul3A_806 = vector.broadcast %squeeze3A_805 : f32 to vector<8x512xf32>
    %mul3A_807 = arith.mulf %convert_element_type3A_763, %mul3A_806 : vector<8x512xf32>
    %add3A_808 = arith.addf %add3A_758, %mul3A_807 : vector<8x512xf32>
    %eq3A_809 = arith.constant 16 : i32
    %eq3A_810 = vector.broadcast %eq3A_809 : i32 to vector<8x512xi32>
    %eq3A_811 = arith.cmpi eq, %get3A_1, %eq3A_810 : vector<8x512xi32>
    %convert_element_type3A_812 = arith.extui %eq3A_811 : vector<8x512xi1> to vector<8x512xi32>
    %convert_element_type3A_813 = arith.sitofp %convert_element_type3A_812 : vector<8x512xi32> to vector<8x512xf32>
    %slice3A_814 = vector.extract_strided_slice %get3A_4 {offsets = [0, 16], sizes = [1, 1], strides = [1, 1]} : vector<9x32xf32> to vector<1x1xf32>
    %squeeze3A_815 = vector.extract %slice3A_814[0, 0] : f32 from vector<1x1xf32>
    %mul3A_816 = vector.broadcast %squeeze3A_815 : f32 to vector<8x512xf32>
    %mul3A_817 = arith.mulf %convert_element_type3A_813, %mul3A_816 : vector<8x512xf32>
    %add3A_818 = arith.addf %add3A_768, %mul3A_817 : vector<8x512xf32>
    %slice3A_819 = vector.extract_strided_slice %get3A_4 {offsets = [1, 16], sizes = [1, 1], strides = [1, 1]} : vector<9x32xf32> to vector<1x1xf32>
    %squeeze3A_820 = vector.extract %slice3A_819[0, 0] : f32 from vector<1x1xf32>
    %mul3A_821 = vector.broadcast %squeeze3A_820 : f32 to vector<8x512xf32>
    %mul3A_822 = arith.mulf %convert_element_type3A_813, %mul3A_821 : vector<8x512xf32>
    %add3A_823 = arith.addf %add3A_773, %mul3A_822 : vector<8x512xf32>
    %slice3A_824 = vector.extract_strided_slice %get3A_4 {offsets = [2, 16], sizes = [1, 1], strides = [1, 1]} : vector<9x32xf32> to vector<1x1xf32>
    %squeeze3A_825 = vector.extract %slice3A_824[0, 0] : f32 from vector<1x1xf32>
    %mul3A_826 = vector.broadcast %squeeze3A_825 : f32 to vector<8x512xf32>
    %mul3A_827 = arith.mulf %convert_element_type3A_813, %mul3A_826 : vector<8x512xf32>
    %add3A_828 = arith.addf %add3A_778, %mul3A_827 : vector<8x512xf32>
    %slice3A_829 = vector.extract_strided_slice %get3A_4 {offsets = [3, 16], sizes = [1, 1], strides = [1, 1]} : vector<9x32xf32> to vector<1x1xf32>
    %squeeze3A_830 = vector.extract %slice3A_829[0, 0] : f32 from vector<1x1xf32>
    %mul3A_831 = vector.broadcast %squeeze3A_830 : f32 to vector<8x512xf32>
    %mul3A_832 = arith.mulf %convert_element_type3A_813, %mul3A_831 : vector<8x512xf32>
    %add3A_833 = arith.addf %add3A_783, %mul3A_832 : vector<8x512xf32>
    %slice3A_834 = vector.extract_strided_slice %get3A_4 {offsets = [4, 16], sizes = [1, 1], strides = [1, 1]} : vector<9x32xf32> to vector<1x1xf32>
    %squeeze3A_835 = vector.extract %slice3A_834[0, 0] : f32 from vector<1x1xf32>
    %mul3A_836 = vector.broadcast %squeeze3A_835 : f32 to vector<8x512xf32>
    %mul3A_837 = arith.mulf %convert_element_type3A_813, %mul3A_836 : vector<8x512xf32>
    %add3A_838 = arith.addf %add3A_788, %mul3A_837 : vector<8x512xf32>
    %slice3A_839 = vector.extract_strided_slice %get3A_4 {offsets = [5, 16], sizes = [1, 1], strides = [1, 1]} : vector<9x32xf32> to vector<1x1xf32>
    %squeeze3A_840 = vector.extract %slice3A_839[0, 0] : f32 from vector<1x1xf32>
    %mul3A_841 = vector.broadcast %squeeze3A_840 : f32 to vector<8x512xf32>
    %mul3A_842 = arith.mulf %convert_element_type3A_813, %mul3A_841 : vector<8x512xf32>
    %add3A_843 = arith.addf %add3A_793, %mul3A_842 : vector<8x512xf32>
    %slice3A_844 = vector.extract_strided_slice %get3A_4 {offsets = [6, 16], sizes = [1, 1], strides = [1, 1]} : vector<9x32xf32> to vector<1x1xf32>
    %squeeze3A_845 = vector.extract %slice3A_844[0, 0] : f32 from vector<1x1xf32>
    %mul3A_846 = vector.broadcast %squeeze3A_845 : f32 to vector<8x512xf32>
    %mul3A_847 = arith.mulf %convert_element_type3A_813, %mul3A_846 : vector<8x512xf32>
    %add3A_848 = arith.addf %add3A_798, %mul3A_847 : vector<8x512xf32>
    %slice3A_849 = vector.extract_strided_slice %get3A_4 {offsets = [7, 16], sizes = [1, 1], strides = [1, 1]} : vector<9x32xf32> to vector<1x1xf32>
    %squeeze3A_850 = vector.extract %slice3A_849[0, 0] : f32 from vector<1x1xf32>
    %mul3A_851 = vector.broadcast %squeeze3A_850 : f32 to vector<8x512xf32>
    %mul3A_852 = arith.mulf %convert_element_type3A_813, %mul3A_851 : vector<8x512xf32>
    %add3A_853 = arith.addf %add3A_803, %mul3A_852 : vector<8x512xf32>
    %slice3A_854 = vector.extract_strided_slice %get3A_4 {offsets = [8, 16], sizes = [1, 1], strides = [1, 1]} : vector<9x32xf32> to vector<1x1xf32>
    %squeeze3A_855 = vector.extract %slice3A_854[0, 0] : f32 from vector<1x1xf32>
    %mul3A_856 = vector.broadcast %squeeze3A_855 : f32 to vector<8x512xf32>
    %mul3A_857 = arith.mulf %convert_element_type3A_813, %mul3A_856 : vector<8x512xf32>
    %add3A_858 = arith.addf %add3A_808, %mul3A_857 : vector<8x512xf32>
    %eq3A_859 = arith.constant 17 : i32
    %eq3A_860 = vector.broadcast %eq3A_859 : i32 to vector<8x512xi32>
    %eq3A_861 = arith.cmpi eq, %get3A_1, %eq3A_860 : vector<8x512xi32>
    %convert_element_type3A_862 = arith.extui %eq3A_861 : vector<8x512xi1> to vector<8x512xi32>
    %convert_element_type3A_863 = arith.sitofp %convert_element_type3A_862 : vector<8x512xi32> to vector<8x512xf32>
    %slice3A_864 = vector.extract_strided_slice %get3A_4 {offsets = [0, 17], sizes = [1, 1], strides = [1, 1]} : vector<9x32xf32> to vector<1x1xf32>
    %squeeze3A_865 = vector.extract %slice3A_864[0, 0] : f32 from vector<1x1xf32>
    %mul3A_866 = vector.broadcast %squeeze3A_865 : f32 to vector<8x512xf32>
    %mul3A_867 = arith.mulf %convert_element_type3A_863, %mul3A_866 : vector<8x512xf32>
    %add3A_868 = arith.addf %add3A_818, %mul3A_867 : vector<8x512xf32>
    %slice3A_869 = vector.extract_strided_slice %get3A_4 {offsets = [1, 17], sizes = [1, 1], strides = [1, 1]} : vector<9x32xf32> to vector<1x1xf32>
    %squeeze3A_870 = vector.extract %slice3A_869[0, 0] : f32 from vector<1x1xf32>
    %mul3A_871 = vector.broadcast %squeeze3A_870 : f32 to vector<8x512xf32>
    %mul3A_872 = arith.mulf %convert_element_type3A_863, %mul3A_871 : vector<8x512xf32>
    %add3A_873 = arith.addf %add3A_823, %mul3A_872 : vector<8x512xf32>
    %slice3A_874 = vector.extract_strided_slice %get3A_4 {offsets = [2, 17], sizes = [1, 1], strides = [1, 1]} : vector<9x32xf32> to vector<1x1xf32>
    %squeeze3A_875 = vector.extract %slice3A_874[0, 0] : f32 from vector<1x1xf32>
    %mul3A_876 = vector.broadcast %squeeze3A_875 : f32 to vector<8x512xf32>
    %mul3A_877 = arith.mulf %convert_element_type3A_863, %mul3A_876 : vector<8x512xf32>
    %add3A_878 = arith.addf %add3A_828, %mul3A_877 : vector<8x512xf32>
    %slice3A_879 = vector.extract_strided_slice %get3A_4 {offsets = [3, 17], sizes = [1, 1], strides = [1, 1]} : vector<9x32xf32> to vector<1x1xf32>
    %squeeze3A_880 = vector.extract %slice3A_879[0, 0] : f32 from vector<1x1xf32>
    %mul3A_881 = vector.broadcast %squeeze3A_880 : f32 to vector<8x512xf32>
    %mul3A_882 = arith.mulf %convert_element_type3A_863, %mul3A_881 : vector<8x512xf32>
    %add3A_883 = arith.addf %add3A_833, %mul3A_882 : vector<8x512xf32>
    %slice3A_884 = vector.extract_strided_slice %get3A_4 {offsets = [4, 17], sizes = [1, 1], strides = [1, 1]} : vector<9x32xf32> to vector<1x1xf32>
    %squeeze3A_885 = vector.extract %slice3A_884[0, 0] : f32 from vector<1x1xf32>
    %mul3A_886 = vector.broadcast %squeeze3A_885 : f32 to vector<8x512xf32>
    %mul3A_887 = arith.mulf %convert_element_type3A_863, %mul3A_886 : vector<8x512xf32>
    %add3A_888 = arith.addf %add3A_838, %mul3A_887 : vector<8x512xf32>
    %slice3A_889 = vector.extract_strided_slice %get3A_4 {offsets = [5, 17], sizes = [1, 1], strides = [1, 1]} : vector<9x32xf32> to vector<1x1xf32>
    %squeeze3A_890 = vector.extract %slice3A_889[0, 0] : f32 from vector<1x1xf32>
    %mul3A_891 = vector.broadcast %squeeze3A_890 : f32 to vector<8x512xf32>
    %mul3A_892 = arith.mulf %convert_element_type3A_863, %mul3A_891 : vector<8x512xf32>
    %add3A_893 = arith.addf %add3A_843, %mul3A_892 : vector<8x512xf32>
    %slice3A_894 = vector.extract_strided_slice %get3A_4 {offsets = [6, 17], sizes = [1, 1], strides = [1, 1]} : vector<9x32xf32> to vector<1x1xf32>
    %squeeze3A_895 = vector.extract %slice3A_894[0, 0] : f32 from vector<1x1xf32>
    %mul3A_896 = vector.broadcast %squeeze3A_895 : f32 to vector<8x512xf32>
    %mul3A_897 = arith.mulf %convert_element_type3A_863, %mul3A_896 : vector<8x512xf32>
    %add3A_898 = arith.addf %add3A_848, %mul3A_897 : vector<8x512xf32>
    %slice3A_899 = vector.extract_strided_slice %get3A_4 {offsets = [7, 17], sizes = [1, 1], strides = [1, 1]} : vector<9x32xf32> to vector<1x1xf32>
    %squeeze3A_900 = vector.extract %slice3A_899[0, 0] : f32 from vector<1x1xf32>
    %mul3A_901 = vector.broadcast %squeeze3A_900 : f32 to vector<8x512xf32>
    %mul3A_902 = arith.mulf %convert_element_type3A_863, %mul3A_901 : vector<8x512xf32>
    %add3A_903 = arith.addf %add3A_853, %mul3A_902 : vector<8x512xf32>
    %slice3A_904 = vector.extract_strided_slice %get3A_4 {offsets = [8, 17], sizes = [1, 1], strides = [1, 1]} : vector<9x32xf32> to vector<1x1xf32>
    %squeeze3A_905 = vector.extract %slice3A_904[0, 0] : f32 from vector<1x1xf32>
    %mul3A_906 = vector.broadcast %squeeze3A_905 : f32 to vector<8x512xf32>
    %mul3A_907 = arith.mulf %convert_element_type3A_863, %mul3A_906 : vector<8x512xf32>
    %add3A_908 = arith.addf %add3A_858, %mul3A_907 : vector<8x512xf32>
    %eq3A_909 = arith.constant 18 : i32
    %eq3A_910 = vector.broadcast %eq3A_909 : i32 to vector<8x512xi32>
    %eq3A_911 = arith.cmpi eq, %get3A_1, %eq3A_910 : vector<8x512xi32>
    %convert_element_type3A_912 = arith.extui %eq3A_911 : vector<8x512xi1> to vector<8x512xi32>
    %convert_element_type3A_913 = arith.sitofp %convert_element_type3A_912 : vector<8x512xi32> to vector<8x512xf32>
    %slice3A_914 = vector.extract_strided_slice %get3A_4 {offsets = [0, 18], sizes = [1, 1], strides = [1, 1]} : vector<9x32xf32> to vector<1x1xf32>
    %squeeze3A_915 = vector.extract %slice3A_914[0, 0] : f32 from vector<1x1xf32>
    %mul3A_916 = vector.broadcast %squeeze3A_915 : f32 to vector<8x512xf32>
    %mul3A_917 = arith.mulf %convert_element_type3A_913, %mul3A_916 : vector<8x512xf32>
    %add3A_918 = arith.addf %add3A_868, %mul3A_917 : vector<8x512xf32>
    %slice3A_919 = vector.extract_strided_slice %get3A_4 {offsets = [1, 18], sizes = [1, 1], strides = [1, 1]} : vector<9x32xf32> to vector<1x1xf32>
    %squeeze3A_920 = vector.extract %slice3A_919[0, 0] : f32 from vector<1x1xf32>
    %mul3A_921 = vector.broadcast %squeeze3A_920 : f32 to vector<8x512xf32>
    %mul3A_922 = arith.mulf %convert_element_type3A_913, %mul3A_921 : vector<8x512xf32>
    %add3A_923 = arith.addf %add3A_873, %mul3A_922 : vector<8x512xf32>
    %slice3A_924 = vector.extract_strided_slice %get3A_4 {offsets = [2, 18], sizes = [1, 1], strides = [1, 1]} : vector<9x32xf32> to vector<1x1xf32>
    %squeeze3A_925 = vector.extract %slice3A_924[0, 0] : f32 from vector<1x1xf32>
    %mul3A_926 = vector.broadcast %squeeze3A_925 : f32 to vector<8x512xf32>
    %mul3A_927 = arith.mulf %convert_element_type3A_913, %mul3A_926 : vector<8x512xf32>
    %add3A_928 = arith.addf %add3A_878, %mul3A_927 : vector<8x512xf32>
    %slice3A_929 = vector.extract_strided_slice %get3A_4 {offsets = [3, 18], sizes = [1, 1], strides = [1, 1]} : vector<9x32xf32> to vector<1x1xf32>
    %squeeze3A_930 = vector.extract %slice3A_929[0, 0] : f32 from vector<1x1xf32>
    %mul3A_931 = vector.broadcast %squeeze3A_930 : f32 to vector<8x512xf32>
    %mul3A_932 = arith.mulf %convert_element_type3A_913, %mul3A_931 : vector<8x512xf32>
    %add3A_933 = arith.addf %add3A_883, %mul3A_932 : vector<8x512xf32>
    %slice3A_934 = vector.extract_strided_slice %get3A_4 {offsets = [4, 18], sizes = [1, 1], strides = [1, 1]} : vector<9x32xf32> to vector<1x1xf32>
    %squeeze3A_935 = vector.extract %slice3A_934[0, 0] : f32 from vector<1x1xf32>
    %mul3A_936 = vector.broadcast %squeeze3A_935 : f32 to vector<8x512xf32>
    %mul3A_937 = arith.mulf %convert_element_type3A_913, %mul3A_936 : vector<8x512xf32>
    %add3A_938 = arith.addf %add3A_888, %mul3A_937 : vector<8x512xf32>
    %slice3A_939 = vector.extract_strided_slice %get3A_4 {offsets = [5, 18], sizes = [1, 1], strides = [1, 1]} : vector<9x32xf32> to vector<1x1xf32>
    %squeeze3A_940 = vector.extract %slice3A_939[0, 0] : f32 from vector<1x1xf32>
    %mul3A_941 = vector.broadcast %squeeze3A_940 : f32 to vector<8x512xf32>
    %mul3A_942 = arith.mulf %convert_element_type3A_913, %mul3A_941 : vector<8x512xf32>
    %add3A_943 = arith.addf %add3A_893, %mul3A_942 : vector<8x512xf32>
    %slice3A_944 = vector.extract_strided_slice %get3A_4 {offsets = [6, 18], sizes = [1, 1], strides = [1, 1]} : vector<9x32xf32> to vector<1x1xf32>
    %squeeze3A_945 = vector.extract %slice3A_944[0, 0] : f32 from vector<1x1xf32>
    %mul3A_946 = vector.broadcast %squeeze3A_945 : f32 to vector<8x512xf32>
    %mul3A_947 = arith.mulf %convert_element_type3A_913, %mul3A_946 : vector<8x512xf32>
    %add3A_948 = arith.addf %add3A_898, %mul3A_947 : vector<8x512xf32>
    %slice3A_949 = vector.extract_strided_slice %get3A_4 {offsets = [7, 18], sizes = [1, 1], strides = [1, 1]} : vector<9x32xf32> to vector<1x1xf32>
    %squeeze3A_950 = vector.extract %slice3A_949[0, 0] : f32 from vector<1x1xf32>
    %mul3A_951 = vector.broadcast %squeeze3A_950 : f32 to vector<8x512xf32>
    %mul3A_952 = arith.mulf %convert_element_type3A_913, %mul3A_951 : vector<8x512xf32>
    %add3A_953 = arith.addf %add3A_903, %mul3A_952 : vector<8x512xf32>
    %slice3A_954 = vector.extract_strided_slice %get3A_4 {offsets = [8, 18], sizes = [1, 1], strides = [1, 1]} : vector<9x32xf32> to vector<1x1xf32>
    %squeeze3A_955 = vector.extract %slice3A_954[0, 0] : f32 from vector<1x1xf32>
    %mul3A_956 = vector.broadcast %squeeze3A_955 : f32 to vector<8x512xf32>
    %mul3A_957 = arith.mulf %convert_element_type3A_913, %mul3A_956 : vector<8x512xf32>
    %add3A_958 = arith.addf %add3A_908, %mul3A_957 : vector<8x512xf32>
    %eq3A_959 = arith.constant 19 : i32
    %eq3A_960 = vector.broadcast %eq3A_959 : i32 to vector<8x512xi32>
    %eq3A_961 = arith.cmpi eq, %get3A_1, %eq3A_960 : vector<8x512xi32>
    %convert_element_type3A_962 = arith.extui %eq3A_961 : vector<8x512xi1> to vector<8x512xi32>
    %convert_element_type3A_963 = arith.sitofp %convert_element_type3A_962 : vector<8x512xi32> to vector<8x512xf32>
    %slice3A_964 = vector.extract_strided_slice %get3A_4 {offsets = [0, 19], sizes = [1, 1], strides = [1, 1]} : vector<9x32xf32> to vector<1x1xf32>
    %squeeze3A_965 = vector.extract %slice3A_964[0, 0] : f32 from vector<1x1xf32>
    %mul3A_966 = vector.broadcast %squeeze3A_965 : f32 to vector<8x512xf32>
    %mul3A_967 = arith.mulf %convert_element_type3A_963, %mul3A_966 : vector<8x512xf32>
    %add3A_968 = arith.addf %add3A_918, %mul3A_967 : vector<8x512xf32>
    %slice3A_969 = vector.extract_strided_slice %get3A_4 {offsets = [1, 19], sizes = [1, 1], strides = [1, 1]} : vector<9x32xf32> to vector<1x1xf32>
    %squeeze3A_970 = vector.extract %slice3A_969[0, 0] : f32 from vector<1x1xf32>
    %mul3A_971 = vector.broadcast %squeeze3A_970 : f32 to vector<8x512xf32>
    %mul3A_972 = arith.mulf %convert_element_type3A_963, %mul3A_971 : vector<8x512xf32>
    %add3A_973 = arith.addf %add3A_923, %mul3A_972 : vector<8x512xf32>
    %slice3A_974 = vector.extract_strided_slice %get3A_4 {offsets = [2, 19], sizes = [1, 1], strides = [1, 1]} : vector<9x32xf32> to vector<1x1xf32>
    %squeeze3A_975 = vector.extract %slice3A_974[0, 0] : f32 from vector<1x1xf32>
    %mul3A_976 = vector.broadcast %squeeze3A_975 : f32 to vector<8x512xf32>
    %mul3A_977 = arith.mulf %convert_element_type3A_963, %mul3A_976 : vector<8x512xf32>
    %add3A_978 = arith.addf %add3A_928, %mul3A_977 : vector<8x512xf32>
    %slice3A_979 = vector.extract_strided_slice %get3A_4 {offsets = [3, 19], sizes = [1, 1], strides = [1, 1]} : vector<9x32xf32> to vector<1x1xf32>
    %squeeze3A_980 = vector.extract %slice3A_979[0, 0] : f32 from vector<1x1xf32>
    %mul3A_981 = vector.broadcast %squeeze3A_980 : f32 to vector<8x512xf32>
    %mul3A_982 = arith.mulf %convert_element_type3A_963, %mul3A_981 : vector<8x512xf32>
    %add3A_983 = arith.addf %add3A_933, %mul3A_982 : vector<8x512xf32>
    %slice3A_984 = vector.extract_strided_slice %get3A_4 {offsets = [4, 19], sizes = [1, 1], strides = [1, 1]} : vector<9x32xf32> to vector<1x1xf32>
    %squeeze3A_985 = vector.extract %slice3A_984[0, 0] : f32 from vector<1x1xf32>
    %mul3A_986 = vector.broadcast %squeeze3A_985 : f32 to vector<8x512xf32>
    %mul3A_987 = arith.mulf %convert_element_type3A_963, %mul3A_986 : vector<8x512xf32>
    %add3A_988 = arith.addf %add3A_938, %mul3A_987 : vector<8x512xf32>
    %slice3A_989 = vector.extract_strided_slice %get3A_4 {offsets = [5, 19], sizes = [1, 1], strides = [1, 1]} : vector<9x32xf32> to vector<1x1xf32>
    %squeeze3A_990 = vector.extract %slice3A_989[0, 0] : f32 from vector<1x1xf32>
    %mul3A_991 = vector.broadcast %squeeze3A_990 : f32 to vector<8x512xf32>
    %mul3A_992 = arith.mulf %convert_element_type3A_963, %mul3A_991 : vector<8x512xf32>
    %add3A_993 = arith.addf %add3A_943, %mul3A_992 : vector<8x512xf32>
    %slice3A_994 = vector.extract_strided_slice %get3A_4 {offsets = [6, 19], sizes = [1, 1], strides = [1, 1]} : vector<9x32xf32> to vector<1x1xf32>
    %squeeze3A_995 = vector.extract %slice3A_994[0, 0] : f32 from vector<1x1xf32>
    %mul3A_996 = vector.broadcast %squeeze3A_995 : f32 to vector<8x512xf32>
    %mul3A_997 = arith.mulf %convert_element_type3A_963, %mul3A_996 : vector<8x512xf32>
    %add3A_998 = arith.addf %add3A_948, %mul3A_997 : vector<8x512xf32>
    %slice3A_999 = vector.extract_strided_slice %get3A_4 {offsets = [7, 19], sizes = [1, 1], strides = [1, 1]} : vector<9x32xf32> to vector<1x1xf32>
    %squeeze3A_1000 = vector.extract %slice3A_999[0, 0] : f32 from vector<1x1xf32>
    %mul3A_1001 = vector.broadcast %squeeze3A_1000 : f32 to vector<8x512xf32>
    %mul3A_1002 = arith.mulf %convert_element_type3A_963, %mul3A_1001 : vector<8x512xf32>
    %add3A_1003 = arith.addf %add3A_953, %mul3A_1002 : vector<8x512xf32>
    %slice3A_1004 = vector.extract_strided_slice %get3A_4 {offsets = [8, 19], sizes = [1, 1], strides = [1, 1]} : vector<9x32xf32> to vector<1x1xf32>
    %squeeze3A_1005 = vector.extract %slice3A_1004[0, 0] : f32 from vector<1x1xf32>
    %mul3A_1006 = vector.broadcast %squeeze3A_1005 : f32 to vector<8x512xf32>
    %mul3A_1007 = arith.mulf %convert_element_type3A_963, %mul3A_1006 : vector<8x512xf32>
    %add3A_1008 = arith.addf %add3A_958, %mul3A_1007 : vector<8x512xf32>
    %eq3A_1009 = arith.constant 20 : i32
    %eq3A_1010 = vector.broadcast %eq3A_1009 : i32 to vector<8x512xi32>
    %eq3A_1011 = arith.cmpi eq, %get3A_1, %eq3A_1010 : vector<8x512xi32>
    %convert_element_type3A_1012 = arith.extui %eq3A_1011 : vector<8x512xi1> to vector<8x512xi32>
    %convert_element_type3A_1013 = arith.sitofp %convert_element_type3A_1012 : vector<8x512xi32> to vector<8x512xf32>
    %slice3A_1014 = vector.extract_strided_slice %get3A_4 {offsets = [0, 20], sizes = [1, 1], strides = [1, 1]} : vector<9x32xf32> to vector<1x1xf32>
    %squeeze3A_1015 = vector.extract %slice3A_1014[0, 0] : f32 from vector<1x1xf32>
    %mul3A_1016 = vector.broadcast %squeeze3A_1015 : f32 to vector<8x512xf32>
    %mul3A_1017 = arith.mulf %convert_element_type3A_1013, %mul3A_1016 : vector<8x512xf32>
    %add3A_1018 = arith.addf %add3A_968, %mul3A_1017 : vector<8x512xf32>
    %slice3A_1019 = vector.extract_strided_slice %get3A_4 {offsets = [1, 20], sizes = [1, 1], strides = [1, 1]} : vector<9x32xf32> to vector<1x1xf32>
    %squeeze3A_1020 = vector.extract %slice3A_1019[0, 0] : f32 from vector<1x1xf32>
    %mul3A_1021 = vector.broadcast %squeeze3A_1020 : f32 to vector<8x512xf32>
    %mul3A_1022 = arith.mulf %convert_element_type3A_1013, %mul3A_1021 : vector<8x512xf32>
    %add3A_1023 = arith.addf %add3A_973, %mul3A_1022 : vector<8x512xf32>
    %slice3A_1024 = vector.extract_strided_slice %get3A_4 {offsets = [2, 20], sizes = [1, 1], strides = [1, 1]} : vector<9x32xf32> to vector<1x1xf32>
    %squeeze3A_1025 = vector.extract %slice3A_1024[0, 0] : f32 from vector<1x1xf32>
    %mul3A_1026 = vector.broadcast %squeeze3A_1025 : f32 to vector<8x512xf32>
    %mul3A_1027 = arith.mulf %convert_element_type3A_1013, %mul3A_1026 : vector<8x512xf32>
    %add3A_1028 = arith.addf %add3A_978, %mul3A_1027 : vector<8x512xf32>
    %slice3A_1029 = vector.extract_strided_slice %get3A_4 {offsets = [3, 20], sizes = [1, 1], strides = [1, 1]} : vector<9x32xf32> to vector<1x1xf32>
    %squeeze3A_1030 = vector.extract %slice3A_1029[0, 0] : f32 from vector<1x1xf32>
    %mul3A_1031 = vector.broadcast %squeeze3A_1030 : f32 to vector<8x512xf32>
    %mul3A_1032 = arith.mulf %convert_element_type3A_1013, %mul3A_1031 : vector<8x512xf32>
    %add3A_1033 = arith.addf %add3A_983, %mul3A_1032 : vector<8x512xf32>
    %slice3A_1034 = vector.extract_strided_slice %get3A_4 {offsets = [4, 20], sizes = [1, 1], strides = [1, 1]} : vector<9x32xf32> to vector<1x1xf32>
    %squeeze3A_1035 = vector.extract %slice3A_1034[0, 0] : f32 from vector<1x1xf32>
    %mul3A_1036 = vector.broadcast %squeeze3A_1035 : f32 to vector<8x512xf32>
    %mul3A_1037 = arith.mulf %convert_element_type3A_1013, %mul3A_1036 : vector<8x512xf32>
    %add3A_1038 = arith.addf %add3A_988, %mul3A_1037 : vector<8x512xf32>
    %slice3A_1039 = vector.extract_strided_slice %get3A_4 {offsets = [5, 20], sizes = [1, 1], strides = [1, 1]} : vector<9x32xf32> to vector<1x1xf32>
    %squeeze3A_1040 = vector.extract %slice3A_1039[0, 0] : f32 from vector<1x1xf32>
    %mul3A_1041 = vector.broadcast %squeeze3A_1040 : f32 to vector<8x512xf32>
    %mul3A_1042 = arith.mulf %convert_element_type3A_1013, %mul3A_1041 : vector<8x512xf32>
    %add3A_1043 = arith.addf %add3A_993, %mul3A_1042 : vector<8x512xf32>
    %slice3A_1044 = vector.extract_strided_slice %get3A_4 {offsets = [6, 20], sizes = [1, 1], strides = [1, 1]} : vector<9x32xf32> to vector<1x1xf32>
    %squeeze3A_1045 = vector.extract %slice3A_1044[0, 0] : f32 from vector<1x1xf32>
    %mul3A_1046 = vector.broadcast %squeeze3A_1045 : f32 to vector<8x512xf32>
    %mul3A_1047 = arith.mulf %convert_element_type3A_1013, %mul3A_1046 : vector<8x512xf32>
    %add3A_1048 = arith.addf %add3A_998, %mul3A_1047 : vector<8x512xf32>
    %slice3A_1049 = vector.extract_strided_slice %get3A_4 {offsets = [7, 20], sizes = [1, 1], strides = [1, 1]} : vector<9x32xf32> to vector<1x1xf32>
    %squeeze3A_1050 = vector.extract %slice3A_1049[0, 0] : f32 from vector<1x1xf32>
    %mul3A_1051 = vector.broadcast %squeeze3A_1050 : f32 to vector<8x512xf32>
    %mul3A_1052 = arith.mulf %convert_element_type3A_1013, %mul3A_1051 : vector<8x512xf32>
    %add3A_1053 = arith.addf %add3A_1003, %mul3A_1052 : vector<8x512xf32>
    %slice3A_1054 = vector.extract_strided_slice %get3A_4 {offsets = [8, 20], sizes = [1, 1], strides = [1, 1]} : vector<9x32xf32> to vector<1x1xf32>
    %squeeze3A_1055 = vector.extract %slice3A_1054[0, 0] : f32 from vector<1x1xf32>
    %mul3A_1056 = vector.broadcast %squeeze3A_1055 : f32 to vector<8x512xf32>
    %mul3A_1057 = arith.mulf %convert_element_type3A_1013, %mul3A_1056 : vector<8x512xf32>
    %add3A_1058 = arith.addf %add3A_1008, %mul3A_1057 : vector<8x512xf32>
    %eq3A_1059 = arith.constant 21 : i32
    %eq3A_1060 = vector.broadcast %eq3A_1059 : i32 to vector<8x512xi32>
    %eq3A_1061 = arith.cmpi eq, %get3A_1, %eq3A_1060 : vector<8x512xi32>
    %convert_element_type3A_1062 = arith.extui %eq3A_1061 : vector<8x512xi1> to vector<8x512xi32>
    %convert_element_type3A_1063 = arith.sitofp %convert_element_type3A_1062 : vector<8x512xi32> to vector<8x512xf32>
    %slice3A_1064 = vector.extract_strided_slice %get3A_4 {offsets = [0, 21], sizes = [1, 1], strides = [1, 1]} : vector<9x32xf32> to vector<1x1xf32>
    %squeeze3A_1065 = vector.extract %slice3A_1064[0, 0] : f32 from vector<1x1xf32>
    %mul3A_1066 = vector.broadcast %squeeze3A_1065 : f32 to vector<8x512xf32>
    %mul3A_1067 = arith.mulf %convert_element_type3A_1063, %mul3A_1066 : vector<8x512xf32>
    %add3A_1068 = arith.addf %add3A_1018, %mul3A_1067 : vector<8x512xf32>
    %slice3A_1069 = vector.extract_strided_slice %get3A_4 {offsets = [1, 21], sizes = [1, 1], strides = [1, 1]} : vector<9x32xf32> to vector<1x1xf32>
    %squeeze3A_1070 = vector.extract %slice3A_1069[0, 0] : f32 from vector<1x1xf32>
    %mul3A_1071 = vector.broadcast %squeeze3A_1070 : f32 to vector<8x512xf32>
    %mul3A_1072 = arith.mulf %convert_element_type3A_1063, %mul3A_1071 : vector<8x512xf32>
    %add3A_1073 = arith.addf %add3A_1023, %mul3A_1072 : vector<8x512xf32>
    %slice3A_1074 = vector.extract_strided_slice %get3A_4 {offsets = [2, 21], sizes = [1, 1], strides = [1, 1]} : vector<9x32xf32> to vector<1x1xf32>
    %squeeze3A_1075 = vector.extract %slice3A_1074[0, 0] : f32 from vector<1x1xf32>
    %mul3A_1076 = vector.broadcast %squeeze3A_1075 : f32 to vector<8x512xf32>
    %mul3A_1077 = arith.mulf %convert_element_type3A_1063, %mul3A_1076 : vector<8x512xf32>
    %add3A_1078 = arith.addf %add3A_1028, %mul3A_1077 : vector<8x512xf32>
    %slice3A_1079 = vector.extract_strided_slice %get3A_4 {offsets = [3, 21], sizes = [1, 1], strides = [1, 1]} : vector<9x32xf32> to vector<1x1xf32>
    %squeeze3A_1080 = vector.extract %slice3A_1079[0, 0] : f32 from vector<1x1xf32>
    %mul3A_1081 = vector.broadcast %squeeze3A_1080 : f32 to vector<8x512xf32>
    %mul3A_1082 = arith.mulf %convert_element_type3A_1063, %mul3A_1081 : vector<8x512xf32>
    %add3A_1083 = arith.addf %add3A_1033, %mul3A_1082 : vector<8x512xf32>
    %slice3A_1084 = vector.extract_strided_slice %get3A_4 {offsets = [4, 21], sizes = [1, 1], strides = [1, 1]} : vector<9x32xf32> to vector<1x1xf32>
    %squeeze3A_1085 = vector.extract %slice3A_1084[0, 0] : f32 from vector<1x1xf32>
    %mul3A_1086 = vector.broadcast %squeeze3A_1085 : f32 to vector<8x512xf32>
    %mul3A_1087 = arith.mulf %convert_element_type3A_1063, %mul3A_1086 : vector<8x512xf32>
    %add3A_1088 = arith.addf %add3A_1038, %mul3A_1087 : vector<8x512xf32>
    %slice3A_1089 = vector.extract_strided_slice %get3A_4 {offsets = [5, 21], sizes = [1, 1], strides = [1, 1]} : vector<9x32xf32> to vector<1x1xf32>
    %squeeze3A_1090 = vector.extract %slice3A_1089[0, 0] : f32 from vector<1x1xf32>
    %mul3A_1091 = vector.broadcast %squeeze3A_1090 : f32 to vector<8x512xf32>
    %mul3A_1092 = arith.mulf %convert_element_type3A_1063, %mul3A_1091 : vector<8x512xf32>
    %add3A_1093 = arith.addf %add3A_1043, %mul3A_1092 : vector<8x512xf32>
    %slice3A_1094 = vector.extract_strided_slice %get3A_4 {offsets = [6, 21], sizes = [1, 1], strides = [1, 1]} : vector<9x32xf32> to vector<1x1xf32>
    %squeeze3A_1095 = vector.extract %slice3A_1094[0, 0] : f32 from vector<1x1xf32>
    %mul3A_1096 = vector.broadcast %squeeze3A_1095 : f32 to vector<8x512xf32>
    %mul3A_1097 = arith.mulf %convert_element_type3A_1063, %mul3A_1096 : vector<8x512xf32>
    %add3A_1098 = arith.addf %add3A_1048, %mul3A_1097 : vector<8x512xf32>
    %slice3A_1099 = vector.extract_strided_slice %get3A_4 {offsets = [7, 21], sizes = [1, 1], strides = [1, 1]} : vector<9x32xf32> to vector<1x1xf32>
    %squeeze3A_1100 = vector.extract %slice3A_1099[0, 0] : f32 from vector<1x1xf32>
    %mul3A_1101 = vector.broadcast %squeeze3A_1100 : f32 to vector<8x512xf32>
    %mul3A_1102 = arith.mulf %convert_element_type3A_1063, %mul3A_1101 : vector<8x512xf32>
    %add3A_1103 = arith.addf %add3A_1053, %mul3A_1102 : vector<8x512xf32>
    %slice3A_1104 = vector.extract_strided_slice %get3A_4 {offsets = [8, 21], sizes = [1, 1], strides = [1, 1]} : vector<9x32xf32> to vector<1x1xf32>
    %squeeze3A_1105 = vector.extract %slice3A_1104[0, 0] : f32 from vector<1x1xf32>
    %mul3A_1106 = vector.broadcast %squeeze3A_1105 : f32 to vector<8x512xf32>
    %mul3A_1107 = arith.mulf %convert_element_type3A_1063, %mul3A_1106 : vector<8x512xf32>
    %add3A_1108 = arith.addf %add3A_1058, %mul3A_1107 : vector<8x512xf32>
    %eq3A_1109 = arith.constant 22 : i32
    %eq3A_1110 = vector.broadcast %eq3A_1109 : i32 to vector<8x512xi32>
    %eq3A_1111 = arith.cmpi eq, %get3A_1, %eq3A_1110 : vector<8x512xi32>
    %convert_element_type3A_1112 = arith.extui %eq3A_1111 : vector<8x512xi1> to vector<8x512xi32>
    %convert_element_type3A_1113 = arith.sitofp %convert_element_type3A_1112 : vector<8x512xi32> to vector<8x512xf32>
    %slice3A_1114 = vector.extract_strided_slice %get3A_4 {offsets = [0, 22], sizes = [1, 1], strides = [1, 1]} : vector<9x32xf32> to vector<1x1xf32>
    %squeeze3A_1115 = vector.extract %slice3A_1114[0, 0] : f32 from vector<1x1xf32>
    %mul3A_1116 = vector.broadcast %squeeze3A_1115 : f32 to vector<8x512xf32>
    %mul3A_1117 = arith.mulf %convert_element_type3A_1113, %mul3A_1116 : vector<8x512xf32>
    %add3A_1118 = arith.addf %add3A_1068, %mul3A_1117 : vector<8x512xf32>
    %slice3A_1119 = vector.extract_strided_slice %get3A_4 {offsets = [1, 22], sizes = [1, 1], strides = [1, 1]} : vector<9x32xf32> to vector<1x1xf32>
    %squeeze3A_1120 = vector.extract %slice3A_1119[0, 0] : f32 from vector<1x1xf32>
    %mul3A_1121 = vector.broadcast %squeeze3A_1120 : f32 to vector<8x512xf32>
    %mul3A_1122 = arith.mulf %convert_element_type3A_1113, %mul3A_1121 : vector<8x512xf32>
    %add3A_1123 = arith.addf %add3A_1073, %mul3A_1122 : vector<8x512xf32>
    %slice3A_1124 = vector.extract_strided_slice %get3A_4 {offsets = [2, 22], sizes = [1, 1], strides = [1, 1]} : vector<9x32xf32> to vector<1x1xf32>
    %squeeze3A_1125 = vector.extract %slice3A_1124[0, 0] : f32 from vector<1x1xf32>
    %mul3A_1126 = vector.broadcast %squeeze3A_1125 : f32 to vector<8x512xf32>
    %mul3A_1127 = arith.mulf %convert_element_type3A_1113, %mul3A_1126 : vector<8x512xf32>
    %add3A_1128 = arith.addf %add3A_1078, %mul3A_1127 : vector<8x512xf32>
    %slice3A_1129 = vector.extract_strided_slice %get3A_4 {offsets = [3, 22], sizes = [1, 1], strides = [1, 1]} : vector<9x32xf32> to vector<1x1xf32>
    %squeeze3A_1130 = vector.extract %slice3A_1129[0, 0] : f32 from vector<1x1xf32>
    %mul3A_1131 = vector.broadcast %squeeze3A_1130 : f32 to vector<8x512xf32>
    %mul3A_1132 = arith.mulf %convert_element_type3A_1113, %mul3A_1131 : vector<8x512xf32>
    %add3A_1133 = arith.addf %add3A_1083, %mul3A_1132 : vector<8x512xf32>
    %slice3A_1134 = vector.extract_strided_slice %get3A_4 {offsets = [4, 22], sizes = [1, 1], strides = [1, 1]} : vector<9x32xf32> to vector<1x1xf32>
    %squeeze3A_1135 = vector.extract %slice3A_1134[0, 0] : f32 from vector<1x1xf32>
    %mul3A_1136 = vector.broadcast %squeeze3A_1135 : f32 to vector<8x512xf32>
    %mul3A_1137 = arith.mulf %convert_element_type3A_1113, %mul3A_1136 : vector<8x512xf32>
    %add3A_1138 = arith.addf %add3A_1088, %mul3A_1137 : vector<8x512xf32>
    %slice3A_1139 = vector.extract_strided_slice %get3A_4 {offsets = [5, 22], sizes = [1, 1], strides = [1, 1]} : vector<9x32xf32> to vector<1x1xf32>
    %squeeze3A_1140 = vector.extract %slice3A_1139[0, 0] : f32 from vector<1x1xf32>
    %mul3A_1141 = vector.broadcast %squeeze3A_1140 : f32 to vector<8x512xf32>
    %mul3A_1142 = arith.mulf %convert_element_type3A_1113, %mul3A_1141 : vector<8x512xf32>
    %add3A_1143 = arith.addf %add3A_1093, %mul3A_1142 : vector<8x512xf32>
    %slice3A_1144 = vector.extract_strided_slice %get3A_4 {offsets = [6, 22], sizes = [1, 1], strides = [1, 1]} : vector<9x32xf32> to vector<1x1xf32>
    %squeeze3A_1145 = vector.extract %slice3A_1144[0, 0] : f32 from vector<1x1xf32>
    %mul3A_1146 = vector.broadcast %squeeze3A_1145 : f32 to vector<8x512xf32>
    %mul3A_1147 = arith.mulf %convert_element_type3A_1113, %mul3A_1146 : vector<8x512xf32>
    %add3A_1148 = arith.addf %add3A_1098, %mul3A_1147 : vector<8x512xf32>
    %slice3A_1149 = vector.extract_strided_slice %get3A_4 {offsets = [7, 22], sizes = [1, 1], strides = [1, 1]} : vector<9x32xf32> to vector<1x1xf32>
    %squeeze3A_1150 = vector.extract %slice3A_1149[0, 0] : f32 from vector<1x1xf32>
    %mul3A_1151 = vector.broadcast %squeeze3A_1150 : f32 to vector<8x512xf32>
    %mul3A_1152 = arith.mulf %convert_element_type3A_1113, %mul3A_1151 : vector<8x512xf32>
    %add3A_1153 = arith.addf %add3A_1103, %mul3A_1152 : vector<8x512xf32>
    %slice3A_1154 = vector.extract_strided_slice %get3A_4 {offsets = [8, 22], sizes = [1, 1], strides = [1, 1]} : vector<9x32xf32> to vector<1x1xf32>
    %squeeze3A_1155 = vector.extract %slice3A_1154[0, 0] : f32 from vector<1x1xf32>
    %mul3A_1156 = vector.broadcast %squeeze3A_1155 : f32 to vector<8x512xf32>
    %mul3A_1157 = arith.mulf %convert_element_type3A_1113, %mul3A_1156 : vector<8x512xf32>
    %add3A_1158 = arith.addf %add3A_1108, %mul3A_1157 : vector<8x512xf32>
    %eq3A_1159 = arith.constant 23 : i32
    %eq3A_1160 = vector.broadcast %eq3A_1159 : i32 to vector<8x512xi32>
    %eq3A_1161 = arith.cmpi eq, %get3A_1, %eq3A_1160 : vector<8x512xi32>
    %convert_element_type3A_1162 = arith.extui %eq3A_1161 : vector<8x512xi1> to vector<8x512xi32>
    %convert_element_type3A_1163 = arith.sitofp %convert_element_type3A_1162 : vector<8x512xi32> to vector<8x512xf32>
    %slice3A_1164 = vector.extract_strided_slice %get3A_4 {offsets = [0, 23], sizes = [1, 1], strides = [1, 1]} : vector<9x32xf32> to vector<1x1xf32>
    %squeeze3A_1165 = vector.extract %slice3A_1164[0, 0] : f32 from vector<1x1xf32>
    %mul3A_1166 = vector.broadcast %squeeze3A_1165 : f32 to vector<8x512xf32>
    %mul3A_1167 = arith.mulf %convert_element_type3A_1163, %mul3A_1166 : vector<8x512xf32>
    %add3A_1168 = arith.addf %add3A_1118, %mul3A_1167 : vector<8x512xf32>
    %slice3A_1169 = vector.extract_strided_slice %get3A_4 {offsets = [1, 23], sizes = [1, 1], strides = [1, 1]} : vector<9x32xf32> to vector<1x1xf32>
    %squeeze3A_1170 = vector.extract %slice3A_1169[0, 0] : f32 from vector<1x1xf32>
    %mul3A_1171 = vector.broadcast %squeeze3A_1170 : f32 to vector<8x512xf32>
    %mul3A_1172 = arith.mulf %convert_element_type3A_1163, %mul3A_1171 : vector<8x512xf32>
    %add3A_1173 = arith.addf %add3A_1123, %mul3A_1172 : vector<8x512xf32>
    %slice3A_1174 = vector.extract_strided_slice %get3A_4 {offsets = [2, 23], sizes = [1, 1], strides = [1, 1]} : vector<9x32xf32> to vector<1x1xf32>
    %squeeze3A_1175 = vector.extract %slice3A_1174[0, 0] : f32 from vector<1x1xf32>
    %mul3A_1176 = vector.broadcast %squeeze3A_1175 : f32 to vector<8x512xf32>
    %mul3A_1177 = arith.mulf %convert_element_type3A_1163, %mul3A_1176 : vector<8x512xf32>
    %add3A_1178 = arith.addf %add3A_1128, %mul3A_1177 : vector<8x512xf32>
    %slice3A_1179 = vector.extract_strided_slice %get3A_4 {offsets = [3, 23], sizes = [1, 1], strides = [1, 1]} : vector<9x32xf32> to vector<1x1xf32>
    %squeeze3A_1180 = vector.extract %slice3A_1179[0, 0] : f32 from vector<1x1xf32>
    %mul3A_1181 = vector.broadcast %squeeze3A_1180 : f32 to vector<8x512xf32>
    %mul3A_1182 = arith.mulf %convert_element_type3A_1163, %mul3A_1181 : vector<8x512xf32>
    %add3A_1183 = arith.addf %add3A_1133, %mul3A_1182 : vector<8x512xf32>
    %slice3A_1184 = vector.extract_strided_slice %get3A_4 {offsets = [4, 23], sizes = [1, 1], strides = [1, 1]} : vector<9x32xf32> to vector<1x1xf32>
    %squeeze3A_1185 = vector.extract %slice3A_1184[0, 0] : f32 from vector<1x1xf32>
    %mul3A_1186 = vector.broadcast %squeeze3A_1185 : f32 to vector<8x512xf32>
    %mul3A_1187 = arith.mulf %convert_element_type3A_1163, %mul3A_1186 : vector<8x512xf32>
    %add3A_1188 = arith.addf %add3A_1138, %mul3A_1187 : vector<8x512xf32>
    %slice3A_1189 = vector.extract_strided_slice %get3A_4 {offsets = [5, 23], sizes = [1, 1], strides = [1, 1]} : vector<9x32xf32> to vector<1x1xf32>
    %squeeze3A_1190 = vector.extract %slice3A_1189[0, 0] : f32 from vector<1x1xf32>
    %mul3A_1191 = vector.broadcast %squeeze3A_1190 : f32 to vector<8x512xf32>
    %mul3A_1192 = arith.mulf %convert_element_type3A_1163, %mul3A_1191 : vector<8x512xf32>
    %add3A_1193 = arith.addf %add3A_1143, %mul3A_1192 : vector<8x512xf32>
    %slice3A_1194 = vector.extract_strided_slice %get3A_4 {offsets = [6, 23], sizes = [1, 1], strides = [1, 1]} : vector<9x32xf32> to vector<1x1xf32>
    %squeeze3A_1195 = vector.extract %slice3A_1194[0, 0] : f32 from vector<1x1xf32>
    %mul3A_1196 = vector.broadcast %squeeze3A_1195 : f32 to vector<8x512xf32>
    %mul3A_1197 = arith.mulf %convert_element_type3A_1163, %mul3A_1196 : vector<8x512xf32>
    %add3A_1198 = arith.addf %add3A_1148, %mul3A_1197 : vector<8x512xf32>
    %slice3A_1199 = vector.extract_strided_slice %get3A_4 {offsets = [7, 23], sizes = [1, 1], strides = [1, 1]} : vector<9x32xf32> to vector<1x1xf32>
    %squeeze3A_1200 = vector.extract %slice3A_1199[0, 0] : f32 from vector<1x1xf32>
    %mul3A_1201 = vector.broadcast %squeeze3A_1200 : f32 to vector<8x512xf32>
    %mul3A_1202 = arith.mulf %convert_element_type3A_1163, %mul3A_1201 : vector<8x512xf32>
    %add3A_1203 = arith.addf %add3A_1153, %mul3A_1202 : vector<8x512xf32>
    %slice3A_1204 = vector.extract_strided_slice %get3A_4 {offsets = [8, 23], sizes = [1, 1], strides = [1, 1]} : vector<9x32xf32> to vector<1x1xf32>
    %squeeze3A_1205 = vector.extract %slice3A_1204[0, 0] : f32 from vector<1x1xf32>
    %mul3A_1206 = vector.broadcast %squeeze3A_1205 : f32 to vector<8x512xf32>
    %mul3A_1207 = arith.mulf %convert_element_type3A_1163, %mul3A_1206 : vector<8x512xf32>
    %add3A_1208 = arith.addf %add3A_1158, %mul3A_1207 : vector<8x512xf32>
    %eq3A_1209 = arith.constant 24 : i32
    %eq3A_1210 = vector.broadcast %eq3A_1209 : i32 to vector<8x512xi32>
    %eq3A_1211 = arith.cmpi eq, %get3A_1, %eq3A_1210 : vector<8x512xi32>
    %convert_element_type3A_1212 = arith.extui %eq3A_1211 : vector<8x512xi1> to vector<8x512xi32>
    %convert_element_type3A_1213 = arith.sitofp %convert_element_type3A_1212 : vector<8x512xi32> to vector<8x512xf32>
    %slice3A_1214 = vector.extract_strided_slice %get3A_4 {offsets = [0, 24], sizes = [1, 1], strides = [1, 1]} : vector<9x32xf32> to vector<1x1xf32>
    %squeeze3A_1215 = vector.extract %slice3A_1214[0, 0] : f32 from vector<1x1xf32>
    %mul3A_1216 = vector.broadcast %squeeze3A_1215 : f32 to vector<8x512xf32>
    %mul3A_1217 = arith.mulf %convert_element_type3A_1213, %mul3A_1216 : vector<8x512xf32>
    %add3A_1218 = arith.addf %add3A_1168, %mul3A_1217 : vector<8x512xf32>
    %slice3A_1219 = vector.extract_strided_slice %get3A_4 {offsets = [1, 24], sizes = [1, 1], strides = [1, 1]} : vector<9x32xf32> to vector<1x1xf32>
    %squeeze3A_1220 = vector.extract %slice3A_1219[0, 0] : f32 from vector<1x1xf32>
    %mul3A_1221 = vector.broadcast %squeeze3A_1220 : f32 to vector<8x512xf32>
    %mul3A_1222 = arith.mulf %convert_element_type3A_1213, %mul3A_1221 : vector<8x512xf32>
    %add3A_1223 = arith.addf %add3A_1173, %mul3A_1222 : vector<8x512xf32>
    %slice3A_1224 = vector.extract_strided_slice %get3A_4 {offsets = [2, 24], sizes = [1, 1], strides = [1, 1]} : vector<9x32xf32> to vector<1x1xf32>
    %squeeze3A_1225 = vector.extract %slice3A_1224[0, 0] : f32 from vector<1x1xf32>
    %mul3A_1226 = vector.broadcast %squeeze3A_1225 : f32 to vector<8x512xf32>
    %mul3A_1227 = arith.mulf %convert_element_type3A_1213, %mul3A_1226 : vector<8x512xf32>
    %add3A_1228 = arith.addf %add3A_1178, %mul3A_1227 : vector<8x512xf32>
    %slice3A_1229 = vector.extract_strided_slice %get3A_4 {offsets = [3, 24], sizes = [1, 1], strides = [1, 1]} : vector<9x32xf32> to vector<1x1xf32>
    %squeeze3A_1230 = vector.extract %slice3A_1229[0, 0] : f32 from vector<1x1xf32>
    %mul3A_1231 = vector.broadcast %squeeze3A_1230 : f32 to vector<8x512xf32>
    %mul3A_1232 = arith.mulf %convert_element_type3A_1213, %mul3A_1231 : vector<8x512xf32>
    %add3A_1233 = arith.addf %add3A_1183, %mul3A_1232 : vector<8x512xf32>
    %slice3A_1234 = vector.extract_strided_slice %get3A_4 {offsets = [4, 24], sizes = [1, 1], strides = [1, 1]} : vector<9x32xf32> to vector<1x1xf32>
    %squeeze3A_1235 = vector.extract %slice3A_1234[0, 0] : f32 from vector<1x1xf32>
    %mul3A_1236 = vector.broadcast %squeeze3A_1235 : f32 to vector<8x512xf32>
    %mul3A_1237 = arith.mulf %convert_element_type3A_1213, %mul3A_1236 : vector<8x512xf32>
    %add3A_1238 = arith.addf %add3A_1188, %mul3A_1237 : vector<8x512xf32>
    %slice3A_1239 = vector.extract_strided_slice %get3A_4 {offsets = [5, 24], sizes = [1, 1], strides = [1, 1]} : vector<9x32xf32> to vector<1x1xf32>
    %squeeze3A_1240 = vector.extract %slice3A_1239[0, 0] : f32 from vector<1x1xf32>
    %mul3A_1241 = vector.broadcast %squeeze3A_1240 : f32 to vector<8x512xf32>
    %mul3A_1242 = arith.mulf %convert_element_type3A_1213, %mul3A_1241 : vector<8x512xf32>
    %add3A_1243 = arith.addf %add3A_1193, %mul3A_1242 : vector<8x512xf32>
    %slice3A_1244 = vector.extract_strided_slice %get3A_4 {offsets = [6, 24], sizes = [1, 1], strides = [1, 1]} : vector<9x32xf32> to vector<1x1xf32>
    %squeeze3A_1245 = vector.extract %slice3A_1244[0, 0] : f32 from vector<1x1xf32>
    %mul3A_1246 = vector.broadcast %squeeze3A_1245 : f32 to vector<8x512xf32>
    %mul3A_1247 = arith.mulf %convert_element_type3A_1213, %mul3A_1246 : vector<8x512xf32>
    %add3A_1248 = arith.addf %add3A_1198, %mul3A_1247 : vector<8x512xf32>
    %slice3A_1249 = vector.extract_strided_slice %get3A_4 {offsets = [7, 24], sizes = [1, 1], strides = [1, 1]} : vector<9x32xf32> to vector<1x1xf32>
    %squeeze3A_1250 = vector.extract %slice3A_1249[0, 0] : f32 from vector<1x1xf32>
    %mul3A_1251 = vector.broadcast %squeeze3A_1250 : f32 to vector<8x512xf32>
    %mul3A_1252 = arith.mulf %convert_element_type3A_1213, %mul3A_1251 : vector<8x512xf32>
    %add3A_1253 = arith.addf %add3A_1203, %mul3A_1252 : vector<8x512xf32>
    %slice3A_1254 = vector.extract_strided_slice %get3A_4 {offsets = [8, 24], sizes = [1, 1], strides = [1, 1]} : vector<9x32xf32> to vector<1x1xf32>
    %squeeze3A_1255 = vector.extract %slice3A_1254[0, 0] : f32 from vector<1x1xf32>
    %mul3A_1256 = vector.broadcast %squeeze3A_1255 : f32 to vector<8x512xf32>
    %mul3A_1257 = arith.mulf %convert_element_type3A_1213, %mul3A_1256 : vector<8x512xf32>
    %add3A_1258 = arith.addf %add3A_1208, %mul3A_1257 : vector<8x512xf32>
    %eq3A_1259 = arith.constant 25 : i32
    %eq3A_1260 = vector.broadcast %eq3A_1259 : i32 to vector<8x512xi32>
    %eq3A_1261 = arith.cmpi eq, %get3A_1, %eq3A_1260 : vector<8x512xi32>
    %convert_element_type3A_1262 = arith.extui %eq3A_1261 : vector<8x512xi1> to vector<8x512xi32>
    %convert_element_type3A_1263 = arith.sitofp %convert_element_type3A_1262 : vector<8x512xi32> to vector<8x512xf32>
    %slice3A_1264 = vector.extract_strided_slice %get3A_4 {offsets = [0, 25], sizes = [1, 1], strides = [1, 1]} : vector<9x32xf32> to vector<1x1xf32>
    %squeeze3A_1265 = vector.extract %slice3A_1264[0, 0] : f32 from vector<1x1xf32>
    %mul3A_1266 = vector.broadcast %squeeze3A_1265 : f32 to vector<8x512xf32>
    %mul3A_1267 = arith.mulf %convert_element_type3A_1263, %mul3A_1266 : vector<8x512xf32>
    %add3A_1268 = arith.addf %add3A_1218, %mul3A_1267 : vector<8x512xf32>
    %slice3A_1269 = vector.extract_strided_slice %get3A_4 {offsets = [1, 25], sizes = [1, 1], strides = [1, 1]} : vector<9x32xf32> to vector<1x1xf32>
    %squeeze3A_1270 = vector.extract %slice3A_1269[0, 0] : f32 from vector<1x1xf32>
    %mul3A_1271 = vector.broadcast %squeeze3A_1270 : f32 to vector<8x512xf32>
    %mul3A_1272 = arith.mulf %convert_element_type3A_1263, %mul3A_1271 : vector<8x512xf32>
    %add3A_1273 = arith.addf %add3A_1223, %mul3A_1272 : vector<8x512xf32>
    %slice3A_1274 = vector.extract_strided_slice %get3A_4 {offsets = [2, 25], sizes = [1, 1], strides = [1, 1]} : vector<9x32xf32> to vector<1x1xf32>
    %squeeze3A_1275 = vector.extract %slice3A_1274[0, 0] : f32 from vector<1x1xf32>
    %mul3A_1276 = vector.broadcast %squeeze3A_1275 : f32 to vector<8x512xf32>
    %mul3A_1277 = arith.mulf %convert_element_type3A_1263, %mul3A_1276 : vector<8x512xf32>
    %add3A_1278 = arith.addf %add3A_1228, %mul3A_1277 : vector<8x512xf32>
    %slice3A_1279 = vector.extract_strided_slice %get3A_4 {offsets = [3, 25], sizes = [1, 1], strides = [1, 1]} : vector<9x32xf32> to vector<1x1xf32>
    %squeeze3A_1280 = vector.extract %slice3A_1279[0, 0] : f32 from vector<1x1xf32>
    %mul3A_1281 = vector.broadcast %squeeze3A_1280 : f32 to vector<8x512xf32>
    %mul3A_1282 = arith.mulf %convert_element_type3A_1263, %mul3A_1281 : vector<8x512xf32>
    %add3A_1283 = arith.addf %add3A_1233, %mul3A_1282 : vector<8x512xf32>
    %slice3A_1284 = vector.extract_strided_slice %get3A_4 {offsets = [4, 25], sizes = [1, 1], strides = [1, 1]} : vector<9x32xf32> to vector<1x1xf32>
    %squeeze3A_1285 = vector.extract %slice3A_1284[0, 0] : f32 from vector<1x1xf32>
    %mul3A_1286 = vector.broadcast %squeeze3A_1285 : f32 to vector<8x512xf32>
    %mul3A_1287 = arith.mulf %convert_element_type3A_1263, %mul3A_1286 : vector<8x512xf32>
    %add3A_1288 = arith.addf %add3A_1238, %mul3A_1287 : vector<8x512xf32>
    %slice3A_1289 = vector.extract_strided_slice %get3A_4 {offsets = [5, 25], sizes = [1, 1], strides = [1, 1]} : vector<9x32xf32> to vector<1x1xf32>
    %squeeze3A_1290 = vector.extract %slice3A_1289[0, 0] : f32 from vector<1x1xf32>
    %mul3A_1291 = vector.broadcast %squeeze3A_1290 : f32 to vector<8x512xf32>
    %mul3A_1292 = arith.mulf %convert_element_type3A_1263, %mul3A_1291 : vector<8x512xf32>
    %add3A_1293 = arith.addf %add3A_1243, %mul3A_1292 : vector<8x512xf32>
    %slice3A_1294 = vector.extract_strided_slice %get3A_4 {offsets = [6, 25], sizes = [1, 1], strides = [1, 1]} : vector<9x32xf32> to vector<1x1xf32>
    %squeeze3A_1295 = vector.extract %slice3A_1294[0, 0] : f32 from vector<1x1xf32>
    %mul3A_1296 = vector.broadcast %squeeze3A_1295 : f32 to vector<8x512xf32>
    %mul3A_1297 = arith.mulf %convert_element_type3A_1263, %mul3A_1296 : vector<8x512xf32>
    %add3A_1298 = arith.addf %add3A_1248, %mul3A_1297 : vector<8x512xf32>
    %slice3A_1299 = vector.extract_strided_slice %get3A_4 {offsets = [7, 25], sizes = [1, 1], strides = [1, 1]} : vector<9x32xf32> to vector<1x1xf32>
    %squeeze3A_1300 = vector.extract %slice3A_1299[0, 0] : f32 from vector<1x1xf32>
    %mul3A_1301 = vector.broadcast %squeeze3A_1300 : f32 to vector<8x512xf32>
    %mul3A_1302 = arith.mulf %convert_element_type3A_1263, %mul3A_1301 : vector<8x512xf32>
    %add3A_1303 = arith.addf %add3A_1253, %mul3A_1302 : vector<8x512xf32>
    %slice3A_1304 = vector.extract_strided_slice %get3A_4 {offsets = [8, 25], sizes = [1, 1], strides = [1, 1]} : vector<9x32xf32> to vector<1x1xf32>
    %squeeze3A_1305 = vector.extract %slice3A_1304[0, 0] : f32 from vector<1x1xf32>
    %mul3A_1306 = vector.broadcast %squeeze3A_1305 : f32 to vector<8x512xf32>
    %mul3A_1307 = arith.mulf %convert_element_type3A_1263, %mul3A_1306 : vector<8x512xf32>
    %add3A_1308 = arith.addf %add3A_1258, %mul3A_1307 : vector<8x512xf32>
    %eq3A_1309 = arith.constant 26 : i32
    %eq3A_1310 = vector.broadcast %eq3A_1309 : i32 to vector<8x512xi32>
    %eq3A_1311 = arith.cmpi eq, %get3A_1, %eq3A_1310 : vector<8x512xi32>
    %convert_element_type3A_1312 = arith.extui %eq3A_1311 : vector<8x512xi1> to vector<8x512xi32>
    %convert_element_type3A_1313 = arith.sitofp %convert_element_type3A_1312 : vector<8x512xi32> to vector<8x512xf32>
    %slice3A_1314 = vector.extract_strided_slice %get3A_4 {offsets = [0, 26], sizes = [1, 1], strides = [1, 1]} : vector<9x32xf32> to vector<1x1xf32>
    %squeeze3A_1315 = vector.extract %slice3A_1314[0, 0] : f32 from vector<1x1xf32>
    %mul3A_1316 = vector.broadcast %squeeze3A_1315 : f32 to vector<8x512xf32>
    %mul3A_1317 = arith.mulf %convert_element_type3A_1313, %mul3A_1316 : vector<8x512xf32>
    %add3A_1318 = arith.addf %add3A_1268, %mul3A_1317 : vector<8x512xf32>
    %slice3A_1319 = vector.extract_strided_slice %get3A_4 {offsets = [1, 26], sizes = [1, 1], strides = [1, 1]} : vector<9x32xf32> to vector<1x1xf32>
    %squeeze3A_1320 = vector.extract %slice3A_1319[0, 0] : f32 from vector<1x1xf32>
    %mul3A_1321 = vector.broadcast %squeeze3A_1320 : f32 to vector<8x512xf32>
    %mul3A_1322 = arith.mulf %convert_element_type3A_1313, %mul3A_1321 : vector<8x512xf32>
    %add3A_1323 = arith.addf %add3A_1273, %mul3A_1322 : vector<8x512xf32>
    %slice3A_1324 = vector.extract_strided_slice %get3A_4 {offsets = [2, 26], sizes = [1, 1], strides = [1, 1]} : vector<9x32xf32> to vector<1x1xf32>
    %squeeze3A_1325 = vector.extract %slice3A_1324[0, 0] : f32 from vector<1x1xf32>
    %mul3A_1326 = vector.broadcast %squeeze3A_1325 : f32 to vector<8x512xf32>
    %mul3A_1327 = arith.mulf %convert_element_type3A_1313, %mul3A_1326 : vector<8x512xf32>
    %add3A_1328 = arith.addf %add3A_1278, %mul3A_1327 : vector<8x512xf32>
    %slice3A_1329 = vector.extract_strided_slice %get3A_4 {offsets = [3, 26], sizes = [1, 1], strides = [1, 1]} : vector<9x32xf32> to vector<1x1xf32>
    %squeeze3A_1330 = vector.extract %slice3A_1329[0, 0] : f32 from vector<1x1xf32>
    %mul3A_1331 = vector.broadcast %squeeze3A_1330 : f32 to vector<8x512xf32>
    %mul3A_1332 = arith.mulf %convert_element_type3A_1313, %mul3A_1331 : vector<8x512xf32>
    %add3A_1333 = arith.addf %add3A_1283, %mul3A_1332 : vector<8x512xf32>
    %slice3A_1334 = vector.extract_strided_slice %get3A_4 {offsets = [4, 26], sizes = [1, 1], strides = [1, 1]} : vector<9x32xf32> to vector<1x1xf32>
    %squeeze3A_1335 = vector.extract %slice3A_1334[0, 0] : f32 from vector<1x1xf32>
    %mul3A_1336 = vector.broadcast %squeeze3A_1335 : f32 to vector<8x512xf32>
    %mul3A_1337 = arith.mulf %convert_element_type3A_1313, %mul3A_1336 : vector<8x512xf32>
    %add3A_1338 = arith.addf %add3A_1288, %mul3A_1337 : vector<8x512xf32>
    %slice3A_1339 = vector.extract_strided_slice %get3A_4 {offsets = [5, 26], sizes = [1, 1], strides = [1, 1]} : vector<9x32xf32> to vector<1x1xf32>
    %squeeze3A_1340 = vector.extract %slice3A_1339[0, 0] : f32 from vector<1x1xf32>
    %mul3A_1341 = vector.broadcast %squeeze3A_1340 : f32 to vector<8x512xf32>
    %mul3A_1342 = arith.mulf %convert_element_type3A_1313, %mul3A_1341 : vector<8x512xf32>
    %add3A_1343 = arith.addf %add3A_1293, %mul3A_1342 : vector<8x512xf32>
    %slice3A_1344 = vector.extract_strided_slice %get3A_4 {offsets = [6, 26], sizes = [1, 1], strides = [1, 1]} : vector<9x32xf32> to vector<1x1xf32>
    %squeeze3A_1345 = vector.extract %slice3A_1344[0, 0] : f32 from vector<1x1xf32>
    %mul3A_1346 = vector.broadcast %squeeze3A_1345 : f32 to vector<8x512xf32>
    %mul3A_1347 = arith.mulf %convert_element_type3A_1313, %mul3A_1346 : vector<8x512xf32>
    %add3A_1348 = arith.addf %add3A_1298, %mul3A_1347 : vector<8x512xf32>
    %slice3A_1349 = vector.extract_strided_slice %get3A_4 {offsets = [7, 26], sizes = [1, 1], strides = [1, 1]} : vector<9x32xf32> to vector<1x1xf32>
    %squeeze3A_1350 = vector.extract %slice3A_1349[0, 0] : f32 from vector<1x1xf32>
    %mul3A_1351 = vector.broadcast %squeeze3A_1350 : f32 to vector<8x512xf32>
    %mul3A_1352 = arith.mulf %convert_element_type3A_1313, %mul3A_1351 : vector<8x512xf32>
    %add3A_1353 = arith.addf %add3A_1303, %mul3A_1352 : vector<8x512xf32>
    %slice3A_1354 = vector.extract_strided_slice %get3A_4 {offsets = [8, 26], sizes = [1, 1], strides = [1, 1]} : vector<9x32xf32> to vector<1x1xf32>
    %squeeze3A_1355 = vector.extract %slice3A_1354[0, 0] : f32 from vector<1x1xf32>
    %mul3A_1356 = vector.broadcast %squeeze3A_1355 : f32 to vector<8x512xf32>
    %mul3A_1357 = arith.mulf %convert_element_type3A_1313, %mul3A_1356 : vector<8x512xf32>
    %add3A_1358 = arith.addf %add3A_1308, %mul3A_1357 : vector<8x512xf32>
    %eq3A_1359 = arith.constant 27 : i32
    %eq3A_1360 = vector.broadcast %eq3A_1359 : i32 to vector<8x512xi32>
    %eq3A_1361 = arith.cmpi eq, %get3A_1, %eq3A_1360 : vector<8x512xi32>
    %convert_element_type3A_1362 = arith.extui %eq3A_1361 : vector<8x512xi1> to vector<8x512xi32>
    %convert_element_type3A_1363 = arith.sitofp %convert_element_type3A_1362 : vector<8x512xi32> to vector<8x512xf32>
    %slice3A_1364 = vector.extract_strided_slice %get3A_4 {offsets = [0, 27], sizes = [1, 1], strides = [1, 1]} : vector<9x32xf32> to vector<1x1xf32>
    %squeeze3A_1365 = vector.extract %slice3A_1364[0, 0] : f32 from vector<1x1xf32>
    %mul3A_1366 = vector.broadcast %squeeze3A_1365 : f32 to vector<8x512xf32>
    %mul3A_1367 = arith.mulf %convert_element_type3A_1363, %mul3A_1366 : vector<8x512xf32>
    %add3A_1368 = arith.addf %add3A_1318, %mul3A_1367 : vector<8x512xf32>
    %slice3A_1369 = vector.extract_strided_slice %get3A_4 {offsets = [1, 27], sizes = [1, 1], strides = [1, 1]} : vector<9x32xf32> to vector<1x1xf32>
    %squeeze3A_1370 = vector.extract %slice3A_1369[0, 0] : f32 from vector<1x1xf32>
    %mul3A_1371 = vector.broadcast %squeeze3A_1370 : f32 to vector<8x512xf32>
    %mul3A_1372 = arith.mulf %convert_element_type3A_1363, %mul3A_1371 : vector<8x512xf32>
    %add3A_1373 = arith.addf %add3A_1323, %mul3A_1372 : vector<8x512xf32>
    %slice3A_1374 = vector.extract_strided_slice %get3A_4 {offsets = [2, 27], sizes = [1, 1], strides = [1, 1]} : vector<9x32xf32> to vector<1x1xf32>
    %squeeze3A_1375 = vector.extract %slice3A_1374[0, 0] : f32 from vector<1x1xf32>
    %mul3A_1376 = vector.broadcast %squeeze3A_1375 : f32 to vector<8x512xf32>
    %mul3A_1377 = arith.mulf %convert_element_type3A_1363, %mul3A_1376 : vector<8x512xf32>
    %add3A_1378 = arith.addf %add3A_1328, %mul3A_1377 : vector<8x512xf32>
    %slice3A_1379 = vector.extract_strided_slice %get3A_4 {offsets = [3, 27], sizes = [1, 1], strides = [1, 1]} : vector<9x32xf32> to vector<1x1xf32>
    %squeeze3A_1380 = vector.extract %slice3A_1379[0, 0] : f32 from vector<1x1xf32>
    %mul3A_1381 = vector.broadcast %squeeze3A_1380 : f32 to vector<8x512xf32>
    %mul3A_1382 = arith.mulf %convert_element_type3A_1363, %mul3A_1381 : vector<8x512xf32>
    %add3A_1383 = arith.addf %add3A_1333, %mul3A_1382 : vector<8x512xf32>
    %slice3A_1384 = vector.extract_strided_slice %get3A_4 {offsets = [4, 27], sizes = [1, 1], strides = [1, 1]} : vector<9x32xf32> to vector<1x1xf32>
    %squeeze3A_1385 = vector.extract %slice3A_1384[0, 0] : f32 from vector<1x1xf32>
    %mul3A_1386 = vector.broadcast %squeeze3A_1385 : f32 to vector<8x512xf32>
    %mul3A_1387 = arith.mulf %convert_element_type3A_1363, %mul3A_1386 : vector<8x512xf32>
    %add3A_1388 = arith.addf %add3A_1338, %mul3A_1387 : vector<8x512xf32>
    %slice3A_1389 = vector.extract_strided_slice %get3A_4 {offsets = [5, 27], sizes = [1, 1], strides = [1, 1]} : vector<9x32xf32> to vector<1x1xf32>
    %squeeze3A_1390 = vector.extract %slice3A_1389[0, 0] : f32 from vector<1x1xf32>
    %mul3A_1391 = vector.broadcast %squeeze3A_1390 : f32 to vector<8x512xf32>
    %mul3A_1392 = arith.mulf %convert_element_type3A_1363, %mul3A_1391 : vector<8x512xf32>
    %add3A_1393 = arith.addf %add3A_1343, %mul3A_1392 : vector<8x512xf32>
    %slice3A_1394 = vector.extract_strided_slice %get3A_4 {offsets = [6, 27], sizes = [1, 1], strides = [1, 1]} : vector<9x32xf32> to vector<1x1xf32>
    %squeeze3A_1395 = vector.extract %slice3A_1394[0, 0] : f32 from vector<1x1xf32>
    %mul3A_1396 = vector.broadcast %squeeze3A_1395 : f32 to vector<8x512xf32>
    %mul3A_1397 = arith.mulf %convert_element_type3A_1363, %mul3A_1396 : vector<8x512xf32>
    %add3A_1398 = arith.addf %add3A_1348, %mul3A_1397 : vector<8x512xf32>
    %slice3A_1399 = vector.extract_strided_slice %get3A_4 {offsets = [7, 27], sizes = [1, 1], strides = [1, 1]} : vector<9x32xf32> to vector<1x1xf32>
    %squeeze3A_1400 = vector.extract %slice3A_1399[0, 0] : f32 from vector<1x1xf32>
    %mul3A_1401 = vector.broadcast %squeeze3A_1400 : f32 to vector<8x512xf32>
    %mul3A_1402 = arith.mulf %convert_element_type3A_1363, %mul3A_1401 : vector<8x512xf32>
    %add3A_1403 = arith.addf %add3A_1353, %mul3A_1402 : vector<8x512xf32>
    %slice3A_1404 = vector.extract_strided_slice %get3A_4 {offsets = [8, 27], sizes = [1, 1], strides = [1, 1]} : vector<9x32xf32> to vector<1x1xf32>
    %squeeze3A_1405 = vector.extract %slice3A_1404[0, 0] : f32 from vector<1x1xf32>
    %mul3A_1406 = vector.broadcast %squeeze3A_1405 : f32 to vector<8x512xf32>
    %mul3A_1407 = arith.mulf %convert_element_type3A_1363, %mul3A_1406 : vector<8x512xf32>
    %add3A_1408 = arith.addf %add3A_1358, %mul3A_1407 : vector<8x512xf32>
    %eq3A_1409 = arith.constant 28 : i32
    %eq3A_1410 = vector.broadcast %eq3A_1409 : i32 to vector<8x512xi32>
    %eq3A_1411 = arith.cmpi eq, %get3A_1, %eq3A_1410 : vector<8x512xi32>
    %convert_element_type3A_1412 = arith.extui %eq3A_1411 : vector<8x512xi1> to vector<8x512xi32>
    %convert_element_type3A_1413 = arith.sitofp %convert_element_type3A_1412 : vector<8x512xi32> to vector<8x512xf32>
    %slice3A_1414 = vector.extract_strided_slice %get3A_4 {offsets = [0, 28], sizes = [1, 1], strides = [1, 1]} : vector<9x32xf32> to vector<1x1xf32>
    %squeeze3A_1415 = vector.extract %slice3A_1414[0, 0] : f32 from vector<1x1xf32>
    %mul3A_1416 = vector.broadcast %squeeze3A_1415 : f32 to vector<8x512xf32>
    %mul3A_1417 = arith.mulf %convert_element_type3A_1413, %mul3A_1416 : vector<8x512xf32>
    %add3A_1418 = arith.addf %add3A_1368, %mul3A_1417 : vector<8x512xf32>
    %slice3A_1419 = vector.extract_strided_slice %get3A_4 {offsets = [1, 28], sizes = [1, 1], strides = [1, 1]} : vector<9x32xf32> to vector<1x1xf32>
    %squeeze3A_1420 = vector.extract %slice3A_1419[0, 0] : f32 from vector<1x1xf32>
    %mul3A_1421 = vector.broadcast %squeeze3A_1420 : f32 to vector<8x512xf32>
    %mul3A_1422 = arith.mulf %convert_element_type3A_1413, %mul3A_1421 : vector<8x512xf32>
    %add3A_1423 = arith.addf %add3A_1373, %mul3A_1422 : vector<8x512xf32>
    %slice3A_1424 = vector.extract_strided_slice %get3A_4 {offsets = [2, 28], sizes = [1, 1], strides = [1, 1]} : vector<9x32xf32> to vector<1x1xf32>
    %squeeze3A_1425 = vector.extract %slice3A_1424[0, 0] : f32 from vector<1x1xf32>
    %mul3A_1426 = vector.broadcast %squeeze3A_1425 : f32 to vector<8x512xf32>
    %mul3A_1427 = arith.mulf %convert_element_type3A_1413, %mul3A_1426 : vector<8x512xf32>
    %add3A_1428 = arith.addf %add3A_1378, %mul3A_1427 : vector<8x512xf32>
    %slice3A_1429 = vector.extract_strided_slice %get3A_4 {offsets = [3, 28], sizes = [1, 1], strides = [1, 1]} : vector<9x32xf32> to vector<1x1xf32>
    %squeeze3A_1430 = vector.extract %slice3A_1429[0, 0] : f32 from vector<1x1xf32>
    %mul3A_1431 = vector.broadcast %squeeze3A_1430 : f32 to vector<8x512xf32>
    %mul3A_1432 = arith.mulf %convert_element_type3A_1413, %mul3A_1431 : vector<8x512xf32>
    %add3A_1433 = arith.addf %add3A_1383, %mul3A_1432 : vector<8x512xf32>
    %slice3A_1434 = vector.extract_strided_slice %get3A_4 {offsets = [4, 28], sizes = [1, 1], strides = [1, 1]} : vector<9x32xf32> to vector<1x1xf32>
    %squeeze3A_1435 = vector.extract %slice3A_1434[0, 0] : f32 from vector<1x1xf32>
    %mul3A_1436 = vector.broadcast %squeeze3A_1435 : f32 to vector<8x512xf32>
    %mul3A_1437 = arith.mulf %convert_element_type3A_1413, %mul3A_1436 : vector<8x512xf32>
    %add3A_1438 = arith.addf %add3A_1388, %mul3A_1437 : vector<8x512xf32>
    %slice3A_1439 = vector.extract_strided_slice %get3A_4 {offsets = [5, 28], sizes = [1, 1], strides = [1, 1]} : vector<9x32xf32> to vector<1x1xf32>
    %squeeze3A_1440 = vector.extract %slice3A_1439[0, 0] : f32 from vector<1x1xf32>
    %mul3A_1441 = vector.broadcast %squeeze3A_1440 : f32 to vector<8x512xf32>
    %mul3A_1442 = arith.mulf %convert_element_type3A_1413, %mul3A_1441 : vector<8x512xf32>
    %add3A_1443 = arith.addf %add3A_1393, %mul3A_1442 : vector<8x512xf32>
    %slice3A_1444 = vector.extract_strided_slice %get3A_4 {offsets = [6, 28], sizes = [1, 1], strides = [1, 1]} : vector<9x32xf32> to vector<1x1xf32>
    %squeeze3A_1445 = vector.extract %slice3A_1444[0, 0] : f32 from vector<1x1xf32>
    %mul3A_1446 = vector.broadcast %squeeze3A_1445 : f32 to vector<8x512xf32>
    %mul3A_1447 = arith.mulf %convert_element_type3A_1413, %mul3A_1446 : vector<8x512xf32>
    %add3A_1448 = arith.addf %add3A_1398, %mul3A_1447 : vector<8x512xf32>
    %slice3A_1449 = vector.extract_strided_slice %get3A_4 {offsets = [7, 28], sizes = [1, 1], strides = [1, 1]} : vector<9x32xf32> to vector<1x1xf32>
    %squeeze3A_1450 = vector.extract %slice3A_1449[0, 0] : f32 from vector<1x1xf32>
    %mul3A_1451 = vector.broadcast %squeeze3A_1450 : f32 to vector<8x512xf32>
    %mul3A_1452 = arith.mulf %convert_element_type3A_1413, %mul3A_1451 : vector<8x512xf32>
    %add3A_1453 = arith.addf %add3A_1403, %mul3A_1452 : vector<8x512xf32>
    %slice3A_1454 = vector.extract_strided_slice %get3A_4 {offsets = [8, 28], sizes = [1, 1], strides = [1, 1]} : vector<9x32xf32> to vector<1x1xf32>
    %squeeze3A_1455 = vector.extract %slice3A_1454[0, 0] : f32 from vector<1x1xf32>
    %mul3A_1456 = vector.broadcast %squeeze3A_1455 : f32 to vector<8x512xf32>
    %mul3A_1457 = arith.mulf %convert_element_type3A_1413, %mul3A_1456 : vector<8x512xf32>
    %add3A_1458 = arith.addf %add3A_1408, %mul3A_1457 : vector<8x512xf32>
    %eq3A_1459 = arith.constant 29 : i32
    %eq3A_1460 = vector.broadcast %eq3A_1459 : i32 to vector<8x512xi32>
    %eq3A_1461 = arith.cmpi eq, %get3A_1, %eq3A_1460 : vector<8x512xi32>
    %convert_element_type3A_1462 = arith.extui %eq3A_1461 : vector<8x512xi1> to vector<8x512xi32>
    %convert_element_type3A_1463 = arith.sitofp %convert_element_type3A_1462 : vector<8x512xi32> to vector<8x512xf32>
    %slice3A_1464 = vector.extract_strided_slice %get3A_4 {offsets = [0, 29], sizes = [1, 1], strides = [1, 1]} : vector<9x32xf32> to vector<1x1xf32>
    %squeeze3A_1465 = vector.extract %slice3A_1464[0, 0] : f32 from vector<1x1xf32>
    %mul3A_1466 = vector.broadcast %squeeze3A_1465 : f32 to vector<8x512xf32>
    %mul3A_1467 = arith.mulf %convert_element_type3A_1463, %mul3A_1466 : vector<8x512xf32>
    %add3A_1468 = arith.addf %add3A_1418, %mul3A_1467 : vector<8x512xf32>
    %slice3A_1469 = vector.extract_strided_slice %get3A_4 {offsets = [1, 29], sizes = [1, 1], strides = [1, 1]} : vector<9x32xf32> to vector<1x1xf32>
    %squeeze3A_1470 = vector.extract %slice3A_1469[0, 0] : f32 from vector<1x1xf32>
    %mul3A_1471 = vector.broadcast %squeeze3A_1470 : f32 to vector<8x512xf32>
    %mul3A_1472 = arith.mulf %convert_element_type3A_1463, %mul3A_1471 : vector<8x512xf32>
    %add3A_1473 = arith.addf %add3A_1423, %mul3A_1472 : vector<8x512xf32>
    %slice3A_1474 = vector.extract_strided_slice %get3A_4 {offsets = [2, 29], sizes = [1, 1], strides = [1, 1]} : vector<9x32xf32> to vector<1x1xf32>
    %squeeze3A_1475 = vector.extract %slice3A_1474[0, 0] : f32 from vector<1x1xf32>
    %mul3A_1476 = vector.broadcast %squeeze3A_1475 : f32 to vector<8x512xf32>
    %mul3A_1477 = arith.mulf %convert_element_type3A_1463, %mul3A_1476 : vector<8x512xf32>
    %add3A_1478 = arith.addf %add3A_1428, %mul3A_1477 : vector<8x512xf32>
    %slice3A_1479 = vector.extract_strided_slice %get3A_4 {offsets = [3, 29], sizes = [1, 1], strides = [1, 1]} : vector<9x32xf32> to vector<1x1xf32>
    %squeeze3A_1480 = vector.extract %slice3A_1479[0, 0] : f32 from vector<1x1xf32>
    %mul3A_1481 = vector.broadcast %squeeze3A_1480 : f32 to vector<8x512xf32>
    %mul3A_1482 = arith.mulf %convert_element_type3A_1463, %mul3A_1481 : vector<8x512xf32>
    %add3A_1483 = arith.addf %add3A_1433, %mul3A_1482 : vector<8x512xf32>
    %slice3A_1484 = vector.extract_strided_slice %get3A_4 {offsets = [4, 29], sizes = [1, 1], strides = [1, 1]} : vector<9x32xf32> to vector<1x1xf32>
    %squeeze3A_1485 = vector.extract %slice3A_1484[0, 0] : f32 from vector<1x1xf32>
    %mul3A_1486 = vector.broadcast %squeeze3A_1485 : f32 to vector<8x512xf32>
    %mul3A_1487 = arith.mulf %convert_element_type3A_1463, %mul3A_1486 : vector<8x512xf32>
    %add3A_1488 = arith.addf %add3A_1438, %mul3A_1487 : vector<8x512xf32>
    %slice3A_1489 = vector.extract_strided_slice %get3A_4 {offsets = [5, 29], sizes = [1, 1], strides = [1, 1]} : vector<9x32xf32> to vector<1x1xf32>
    %squeeze3A_1490 = vector.extract %slice3A_1489[0, 0] : f32 from vector<1x1xf32>
    %mul3A_1491 = vector.broadcast %squeeze3A_1490 : f32 to vector<8x512xf32>
    %mul3A_1492 = arith.mulf %convert_element_type3A_1463, %mul3A_1491 : vector<8x512xf32>
    %add3A_1493 = arith.addf %add3A_1443, %mul3A_1492 : vector<8x512xf32>
    %slice3A_1494 = vector.extract_strided_slice %get3A_4 {offsets = [6, 29], sizes = [1, 1], strides = [1, 1]} : vector<9x32xf32> to vector<1x1xf32>
    %squeeze3A_1495 = vector.extract %slice3A_1494[0, 0] : f32 from vector<1x1xf32>
    %mul3A_1496 = vector.broadcast %squeeze3A_1495 : f32 to vector<8x512xf32>
    %mul3A_1497 = arith.mulf %convert_element_type3A_1463, %mul3A_1496 : vector<8x512xf32>
    %add3A_1498 = arith.addf %add3A_1448, %mul3A_1497 : vector<8x512xf32>
    %slice3A_1499 = vector.extract_strided_slice %get3A_4 {offsets = [7, 29], sizes = [1, 1], strides = [1, 1]} : vector<9x32xf32> to vector<1x1xf32>
    %squeeze3A_1500 = vector.extract %slice3A_1499[0, 0] : f32 from vector<1x1xf32>
    %mul3A_1501 = vector.broadcast %squeeze3A_1500 : f32 to vector<8x512xf32>
    %mul3A_1502 = arith.mulf %convert_element_type3A_1463, %mul3A_1501 : vector<8x512xf32>
    %add3A_1503 = arith.addf %add3A_1453, %mul3A_1502 : vector<8x512xf32>
    %slice3A_1504 = vector.extract_strided_slice %get3A_4 {offsets = [8, 29], sizes = [1, 1], strides = [1, 1]} : vector<9x32xf32> to vector<1x1xf32>
    %squeeze3A_1505 = vector.extract %slice3A_1504[0, 0] : f32 from vector<1x1xf32>
    %mul3A_1506 = vector.broadcast %squeeze3A_1505 : f32 to vector<8x512xf32>
    %mul3A_1507 = arith.mulf %convert_element_type3A_1463, %mul3A_1506 : vector<8x512xf32>
    %add3A_1508 = arith.addf %add3A_1458, %mul3A_1507 : vector<8x512xf32>
    %eq3A_1509 = arith.constant 30 : i32
    %eq3A_1510 = vector.broadcast %eq3A_1509 : i32 to vector<8x512xi32>
    %eq3A_1511 = arith.cmpi eq, %get3A_1, %eq3A_1510 : vector<8x512xi32>
    %convert_element_type3A_1512 = arith.extui %eq3A_1511 : vector<8x512xi1> to vector<8x512xi32>
    %convert_element_type3A_1513 = arith.sitofp %convert_element_type3A_1512 : vector<8x512xi32> to vector<8x512xf32>
    %slice3A_1514 = vector.extract_strided_slice %get3A_4 {offsets = [0, 30], sizes = [1, 1], strides = [1, 1]} : vector<9x32xf32> to vector<1x1xf32>
    %squeeze3A_1515 = vector.extract %slice3A_1514[0, 0] : f32 from vector<1x1xf32>
    %mul3A_1516 = vector.broadcast %squeeze3A_1515 : f32 to vector<8x512xf32>
    %mul3A_1517 = arith.mulf %convert_element_type3A_1513, %mul3A_1516 : vector<8x512xf32>
    %add3A_1518 = arith.addf %add3A_1468, %mul3A_1517 : vector<8x512xf32>
    %slice3A_1519 = vector.extract_strided_slice %get3A_4 {offsets = [1, 30], sizes = [1, 1], strides = [1, 1]} : vector<9x32xf32> to vector<1x1xf32>
    %squeeze3A_1520 = vector.extract %slice3A_1519[0, 0] : f32 from vector<1x1xf32>
    %mul3A_1521 = vector.broadcast %squeeze3A_1520 : f32 to vector<8x512xf32>
    %mul3A_1522 = arith.mulf %convert_element_type3A_1513, %mul3A_1521 : vector<8x512xf32>
    %add3A_1523 = arith.addf %add3A_1473, %mul3A_1522 : vector<8x512xf32>
    %slice3A_1524 = vector.extract_strided_slice %get3A_4 {offsets = [2, 30], sizes = [1, 1], strides = [1, 1]} : vector<9x32xf32> to vector<1x1xf32>
    %squeeze3A_1525 = vector.extract %slice3A_1524[0, 0] : f32 from vector<1x1xf32>
    %mul3A_1526 = vector.broadcast %squeeze3A_1525 : f32 to vector<8x512xf32>
    %mul3A_1527 = arith.mulf %convert_element_type3A_1513, %mul3A_1526 : vector<8x512xf32>
    %add3A_1528 = arith.addf %add3A_1478, %mul3A_1527 : vector<8x512xf32>
    %slice3A_1529 = vector.extract_strided_slice %get3A_4 {offsets = [3, 30], sizes = [1, 1], strides = [1, 1]} : vector<9x32xf32> to vector<1x1xf32>
    %squeeze3A_1530 = vector.extract %slice3A_1529[0, 0] : f32 from vector<1x1xf32>
    %mul3A_1531 = vector.broadcast %squeeze3A_1530 : f32 to vector<8x512xf32>
    %mul3A_1532 = arith.mulf %convert_element_type3A_1513, %mul3A_1531 : vector<8x512xf32>
    %add3A_1533 = arith.addf %add3A_1483, %mul3A_1532 : vector<8x512xf32>
    %slice3A_1534 = vector.extract_strided_slice %get3A_4 {offsets = [4, 30], sizes = [1, 1], strides = [1, 1]} : vector<9x32xf32> to vector<1x1xf32>
    %squeeze3A_1535 = vector.extract %slice3A_1534[0, 0] : f32 from vector<1x1xf32>
    %mul3A_1536 = vector.broadcast %squeeze3A_1535 : f32 to vector<8x512xf32>
    %mul3A_1537 = arith.mulf %convert_element_type3A_1513, %mul3A_1536 : vector<8x512xf32>
    %add3A_1538 = arith.addf %add3A_1488, %mul3A_1537 : vector<8x512xf32>
    %slice3A_1539 = vector.extract_strided_slice %get3A_4 {offsets = [5, 30], sizes = [1, 1], strides = [1, 1]} : vector<9x32xf32> to vector<1x1xf32>
    %squeeze3A_1540 = vector.extract %slice3A_1539[0, 0] : f32 from vector<1x1xf32>
    %mul3A_1541 = vector.broadcast %squeeze3A_1540 : f32 to vector<8x512xf32>
    %mul3A_1542 = arith.mulf %convert_element_type3A_1513, %mul3A_1541 : vector<8x512xf32>
    %add3A_1543 = arith.addf %add3A_1493, %mul3A_1542 : vector<8x512xf32>
    %slice3A_1544 = vector.extract_strided_slice %get3A_4 {offsets = [6, 30], sizes = [1, 1], strides = [1, 1]} : vector<9x32xf32> to vector<1x1xf32>
    %squeeze3A_1545 = vector.extract %slice3A_1544[0, 0] : f32 from vector<1x1xf32>
    %mul3A_1546 = vector.broadcast %squeeze3A_1545 : f32 to vector<8x512xf32>
    %mul3A_1547 = arith.mulf %convert_element_type3A_1513, %mul3A_1546 : vector<8x512xf32>
    %add3A_1548 = arith.addf %add3A_1498, %mul3A_1547 : vector<8x512xf32>
    %slice3A_1549 = vector.extract_strided_slice %get3A_4 {offsets = [7, 30], sizes = [1, 1], strides = [1, 1]} : vector<9x32xf32> to vector<1x1xf32>
    %squeeze3A_1550 = vector.extract %slice3A_1549[0, 0] : f32 from vector<1x1xf32>
    %mul3A_1551 = vector.broadcast %squeeze3A_1550 : f32 to vector<8x512xf32>
    %mul3A_1552 = arith.mulf %convert_element_type3A_1513, %mul3A_1551 : vector<8x512xf32>
    %add3A_1553 = arith.addf %add3A_1503, %mul3A_1552 : vector<8x512xf32>
    %slice3A_1554 = vector.extract_strided_slice %get3A_4 {offsets = [8, 30], sizes = [1, 1], strides = [1, 1]} : vector<9x32xf32> to vector<1x1xf32>
    %squeeze3A_1555 = vector.extract %slice3A_1554[0, 0] : f32 from vector<1x1xf32>
    %mul3A_1556 = vector.broadcast %squeeze3A_1555 : f32 to vector<8x512xf32>
    %mul3A_1557 = arith.mulf %convert_element_type3A_1513, %mul3A_1556 : vector<8x512xf32>
    %add3A_1558 = arith.addf %add3A_1508, %mul3A_1557 : vector<8x512xf32>
    %eq3A_1559 = arith.constant 31 : i32
    %eq3A_1560 = vector.broadcast %eq3A_1559 : i32 to vector<8x512xi32>
    %eq3A_1561 = arith.cmpi eq, %get3A_1, %eq3A_1560 : vector<8x512xi32>
    %convert_element_type3A_1562 = arith.extui %eq3A_1561 : vector<8x512xi1> to vector<8x512xi32>
    %convert_element_type3A_1563 = arith.sitofp %convert_element_type3A_1562 : vector<8x512xi32> to vector<8x512xf32>
    %slice3A_1564 = vector.extract_strided_slice %get3A_4 {offsets = [0, 31], sizes = [1, 1], strides = [1, 1]} : vector<9x32xf32> to vector<1x1xf32>
    %squeeze3A_1565 = vector.extract %slice3A_1564[0, 0] : f32 from vector<1x1xf32>
    %mul3A_1566 = vector.broadcast %squeeze3A_1565 : f32 to vector<8x512xf32>
    %mul3A_1567 = arith.mulf %convert_element_type3A_1563, %mul3A_1566 : vector<8x512xf32>
    %add3A_1568 = arith.addf %add3A_1518, %mul3A_1567 : vector<8x512xf32>
    %slice3A_1569 = vector.extract_strided_slice %get3A_4 {offsets = [1, 31], sizes = [1, 1], strides = [1, 1]} : vector<9x32xf32> to vector<1x1xf32>
    %squeeze3A_1570 = vector.extract %slice3A_1569[0, 0] : f32 from vector<1x1xf32>
    %mul3A_1571 = vector.broadcast %squeeze3A_1570 : f32 to vector<8x512xf32>
    %mul3A_1572 = arith.mulf %convert_element_type3A_1563, %mul3A_1571 : vector<8x512xf32>
    %add3A_1573 = arith.addf %add3A_1523, %mul3A_1572 : vector<8x512xf32>
    %slice3A_1574 = vector.extract_strided_slice %get3A_4 {offsets = [2, 31], sizes = [1, 1], strides = [1, 1]} : vector<9x32xf32> to vector<1x1xf32>
    %squeeze3A_1575 = vector.extract %slice3A_1574[0, 0] : f32 from vector<1x1xf32>
    %mul3A_1576 = vector.broadcast %squeeze3A_1575 : f32 to vector<8x512xf32>
    %mul3A_1577 = arith.mulf %convert_element_type3A_1563, %mul3A_1576 : vector<8x512xf32>
    %add3A_1578 = arith.addf %add3A_1528, %mul3A_1577 : vector<8x512xf32>
    %slice3A_1579 = vector.extract_strided_slice %get3A_4 {offsets = [3, 31], sizes = [1, 1], strides = [1, 1]} : vector<9x32xf32> to vector<1x1xf32>
    %squeeze3A_1580 = vector.extract %slice3A_1579[0, 0] : f32 from vector<1x1xf32>
    %mul3A_1581 = vector.broadcast %squeeze3A_1580 : f32 to vector<8x512xf32>
    %mul3A_1582 = arith.mulf %convert_element_type3A_1563, %mul3A_1581 : vector<8x512xf32>
    %add3A_1583 = arith.addf %add3A_1533, %mul3A_1582 : vector<8x512xf32>
    %slice3A_1584 = vector.extract_strided_slice %get3A_4 {offsets = [4, 31], sizes = [1, 1], strides = [1, 1]} : vector<9x32xf32> to vector<1x1xf32>
    %squeeze3A_1585 = vector.extract %slice3A_1584[0, 0] : f32 from vector<1x1xf32>
    %mul3A_1586 = vector.broadcast %squeeze3A_1585 : f32 to vector<8x512xf32>
    %mul3A_1587 = arith.mulf %convert_element_type3A_1563, %mul3A_1586 : vector<8x512xf32>
    %add3A_1588 = arith.addf %add3A_1538, %mul3A_1587 : vector<8x512xf32>
    %slice3A_1589 = vector.extract_strided_slice %get3A_4 {offsets = [5, 31], sizes = [1, 1], strides = [1, 1]} : vector<9x32xf32> to vector<1x1xf32>
    %squeeze3A_1590 = vector.extract %slice3A_1589[0, 0] : f32 from vector<1x1xf32>
    %mul3A_1591 = vector.broadcast %squeeze3A_1590 : f32 to vector<8x512xf32>
    %mul3A_1592 = arith.mulf %convert_element_type3A_1563, %mul3A_1591 : vector<8x512xf32>
    %add3A_1593 = arith.addf %add3A_1543, %mul3A_1592 : vector<8x512xf32>
    %slice3A_1594 = vector.extract_strided_slice %get3A_4 {offsets = [6, 31], sizes = [1, 1], strides = [1, 1]} : vector<9x32xf32> to vector<1x1xf32>
    %squeeze3A_1595 = vector.extract %slice3A_1594[0, 0] : f32 from vector<1x1xf32>
    %mul3A_1596 = vector.broadcast %squeeze3A_1595 : f32 to vector<8x512xf32>
    %mul3A_1597 = arith.mulf %convert_element_type3A_1563, %mul3A_1596 : vector<8x512xf32>
    %add3A_1598 = arith.addf %add3A_1548, %mul3A_1597 : vector<8x512xf32>
    %slice3A_1599 = vector.extract_strided_slice %get3A_4 {offsets = [7, 31], sizes = [1, 1], strides = [1, 1]} : vector<9x32xf32> to vector<1x1xf32>
    %squeeze3A_1600 = vector.extract %slice3A_1599[0, 0] : f32 from vector<1x1xf32>
    %mul3A_1601 = vector.broadcast %squeeze3A_1600 : f32 to vector<8x512xf32>
    %mul3A_1602 = arith.mulf %convert_element_type3A_1563, %mul3A_1601 : vector<8x512xf32>
    %add3A_1603 = arith.addf %add3A_1553, %mul3A_1602 : vector<8x512xf32>
    %slice3A_1604 = vector.extract_strided_slice %get3A_4 {offsets = [8, 31], sizes = [1, 1], strides = [1, 1]} : vector<9x32xf32> to vector<1x1xf32>
    %squeeze3A_1605 = vector.extract %slice3A_1604[0, 0] : f32 from vector<1x1xf32>
    %mul3A_1606 = vector.broadcast %squeeze3A_1605 : f32 to vector<8x512xf32>
    %mul3A_1607 = arith.mulf %convert_element_type3A_1563, %mul3A_1606 : vector<8x512xf32>
    %add3A_1608 = arith.addf %add3A_1558, %mul3A_1607 : vector<8x512xf32>
    %mul3A_1609 = arith.mulf %get3A_7, %add3A_1568 : vector<8x512xf32>
    %mul3A_1610 = arith.mulf %get3A_10, %add3A_1583 : vector<8x512xf32>
    %add3A_1611 = arith.addf %mul3A_1609, %mul3A_1610 : vector<8x512xf32>
    %mul3A_1612 = arith.mulf %get3A_13, %add3A_1598 : vector<8x512xf32>
    %add3A_1613 = arith.addf %add3A_1611, %mul3A_1612 : vector<8x512xf32>
    %mul3A_1614 = arith.mulf %get3A_7, %add3A_1573 : vector<8x512xf32>
    %mul3A_1615 = arith.mulf %get3A_10, %add3A_1588 : vector<8x512xf32>
    %add3A_1616 = arith.addf %mul3A_1614, %mul3A_1615 : vector<8x512xf32>
    %mul3A_1617 = arith.mulf %get3A_13, %add3A_1603 : vector<8x512xf32>
    %add3A_1618 = arith.addf %add3A_1616, %mul3A_1617 : vector<8x512xf32>
    %mul3A_1619 = arith.mulf %get3A_7, %add3A_1578 : vector<8x512xf32>
    %mul3A_1620 = arith.mulf %get3A_10, %add3A_1593 : vector<8x512xf32>
    %add3A_1621 = arith.addf %mul3A_1619, %mul3A_1620 : vector<8x512xf32>
    %mul3A_1622 = arith.mulf %get3A_13, %add3A_1608 : vector<8x512xf32>
    %add3A_1623 = arith.addf %add3A_1621, %mul3A_1622 : vector<8x512xf32>
    %get3A_1624 = arith.constant 0 : index
    %get3A_1625 = arith.constant 0 : index
    %get3A_1626 = vector.load %arg4[%get3A_1624, %get3A_1625] : memref<8x512xf32, #tpu.memory_space<vmem>>, vector<8x512xf32>
    %get3A_1627 = arith.constant 0 : index
    %get3A_1628 = arith.constant 0 : index
    %get3A_1629 = vector.load %arg1[%get3A_1627, %get3A_1628] : memref<8x512xf32, #tpu.memory_space<vmem>>, vector<8x512xf32>
    %sub3A = arith.subf %get3A_1626, %get3A_1629 : vector<8x512xf32>
    %add3A_1630 = arith.addf %sub3A, %add3A_1613 : vector<8x512xf32>
    %get3A_1631 = arith.constant 0 : index
    %get3A_1632 = arith.constant 0 : index
    %get3A_1633 = vector.load %arg5[%get3A_1631, %get3A_1632] : memref<8x512xf32, #tpu.memory_space<vmem>>, vector<8x512xf32>
    %get3A_1634 = arith.constant 0 : index
    %get3A_1635 = arith.constant 0 : index
    %get3A_1636 = vector.load %arg2[%get3A_1634, %get3A_1635] : memref<8x512xf32, #tpu.memory_space<vmem>>, vector<8x512xf32>
    %sub3A_1637 = arith.subf %get3A_1633, %get3A_1636 : vector<8x512xf32>
    %add3A_1638 = arith.addf %sub3A_1637, %add3A_1618 : vector<8x512xf32>
    %get3A_1639 = arith.constant 0 : index
    %get3A_1640 = arith.constant 0 : index
    %get3A_1641 = vector.load %arg6[%get3A_1639, %get3A_1640] : memref<8x512xf32, #tpu.memory_space<vmem>>, vector<8x512xf32>
    %get3A_1642 = arith.constant 0 : index
    %get3A_1643 = arith.constant 0 : index
    %get3A_1644 = vector.load %arg3[%get3A_1642, %get3A_1643] : memref<8x512xf32, #tpu.memory_space<vmem>>, vector<8x512xf32>
    %sub3A_1645 = arith.subf %get3A_1641, %get3A_1644 : vector<8x512xf32>
    %add3A_1646 = arith.addf %sub3A_1645, %add3A_1623 : vector<8x512xf32>
    %mul3A_1647 = arith.mulf %add3A_1630, %add3A_1630 : vector<8x512xf32>
    %mul3A_1648 = arith.mulf %add3A_1638, %add3A_1638 : vector<8x512xf32>
    %add3A_1649 = arith.addf %mul3A_1647, %mul3A_1648 : vector<8x512xf32>
    %mul3A_1650 = arith.mulf %add3A_1646, %add3A_1646 : vector<8x512xf32>
    %add3A_1651 = arith.addf %add3A_1649, %mul3A_1650 : vector<8x512xf32>
    %add3A_1652 = arith.constant 9.99999996E-13 : f32
    %add3A_1653 = vector.broadcast %add3A_1652 : f32 to vector<8x512xf32>
    %add3A_1654 = arith.addf %add3A_1651, %add3A_1653 : vector<8x512xf32>
    %sqrt3A = math.sqrt %add3A_1654 : vector<8x512xf32>
    %swap3A = arith.constant 0 : index
    %swap3A_1655 = arith.constant 0 : index
    %swap3A_1656 = vector.load %arg12[%swap3A, %swap3A_1655] : memref<8x512xf32, #tpu.memory_space<vmem>>, vector<8x512xf32>
    tpu.vector_store %arg12[%swap3A, %swap3A_1655], %sqrt3A {strides = array<i32>} : memref<8x512xf32, #tpu.memory_space<vmem>>, vector<8x512xf32>,
    return
  }
  func.func @transform_0(%arg0: i32) -> (i32, i32) {
    %c0_i32 = arith.constant 0 : i32
    %c0_i32_0 = arith.constant 0 : i32
    return %arg0, %c0_i32 : i32, i32
  }
  func.func @transform_1(%arg0: i32) -> (i32, i32) {
    %c0_i32 = arith.constant 0 : i32
    %c0_i32_0 = arith.constant 0 : i32
    return %arg0, %c0_i32 : i32, i32
  }
  func.func @transform_2(%arg0: i32) -> (i32, i32) {
    %c0_i32 = arith.constant 0 : i32
    %c0_i32_0 = arith.constant 0 : i32
    return %arg0, %c0_i32 : i32, i32
  }
  func.func @transform_3(%arg0: i32) -> (i32, i32) {
    %c0_i32 = arith.constant 0 : i32
    %c0_i32_0 = arith.constant 0 : i32
    return %arg0, %c0_i32 : i32, i32
  }
  func.func @transform_4(%arg0: i32) -> (i32, i32) {
    %c0_i32 = arith.constant 0 : i32
    %c0_i32_0 = arith.constant 0 : i32
    return %arg0, %c0_i32 : i32, i32
  }
  func.func @transform_5(%arg0: i32) -> (i32, i32) {
    %c0_i32 = arith.constant 0 : i32
    %c0_i32_0 = arith.constant 0 : i32
    return %arg0, %c0_i32 : i32, i32
  }
  func.func @transform_6(%arg0: i32) -> (i32, i32) {
    %c0_i32 = arith.constant 0 : i32
    %c0_i32_0 = arith.constant 0 : i32
    return %arg0, %c0_i32 : i32, i32
  }
  func.func @transform_7(%arg0: i32) -> (i32, i32) {
    %c0_i32 = arith.constant 0 : i32
    %c0_i32_0 = arith.constant 0 : i32
    return %arg0, %c0_i32 : i32, i32
  }
  func.func @transform_8(%arg0: i32) -> (i32, i32) {
    %c0_i32 = arith.constant 0 : i32
    %c0_i32_0 = arith.constant 0 : i32
    return %arg0, %c0_i32 : i32, i32
  }
  func.func @transform_9(%arg0: i32) -> (i32, i32) {
    %c0_i32 = arith.constant 0 : i32
    %c0_i32_0 = arith.constant 0 : i32
    return %arg0, %c0_i32 : i32, i32
  }
  func.func @transform_10(%arg0: i32) -> (i32, i32) {
    %c0_i32 = arith.constant 0 : i32
    %c0_i32_0 = arith.constant 0 : i32
    %c0_i32_1 = arith.constant 0 : i32
    return %c0_i32, %c0_i32_0 : i32, i32
  }
  func.func @transform_11(%arg0: i32) -> (i32, i32) {
    %c0_i32 = arith.constant 0 : i32
    %c0_i32_0 = arith.constant 0 : i32
    return %arg0, %c0_i32 : i32, i32
  }
}

module attributes {stable_mosaic.version = 14 : i64} {
  func.func @_lut_body(%arg0: memref<128x128xf32, #tpu.memory_space<vmem>>, %arg1: memref<1x128xf32, #tpu.memory_space<vmem>>, %arg2: memref<128x1xf32, #tpu.memory_space<vmem>>, %arg3: memref<128x1xf32, #tpu.memory_space<vmem>>) attributes {dimension_semantics = [], scalar_prefetch = 0 : i64, scratch_operands = 0 : i64, tpu.core_type = #tpu.core_type<tc>} {
    %get3A = arith.constant 0 : index
    %get3A_0 = arith.constant 0 : index
    %get3A_1 = vector.load %arg2[%get3A, %get3A_0] : memref<128x1xf32, #tpu.memory_space<vmem>>, vector<128x1xf32>
    %get3A_2 = arith.constant 0 : index
    %get3A_3 = arith.constant 0 : index
    %get3A_4 = vector.load %arg0[%get3A_2, %get3A_3] : memref<128x128xf32, #tpu.memory_space<vmem>>, vector<128x128xf32>
    %get3A_5 = arith.constant 0 : index
    %get3A_6 = arith.constant 0 : index
    %get3A_7 = vector.load %arg1[%get3A_5, %get3A_6] : memref<1x128xf32, #tpu.memory_space<vmem>>, vector<1x128xf32>
    %mul3A = vector.broadcast %get3A_7 : vector<1x128xf32> to vector<128x128xf32>
    %mul3A_8 = arith.mulf %get3A_4, %mul3A : vector<128x128xf32>
    %reduce_sum3A = arith.constant dense<0.000000e+00> : vector<128xf32>
    %reduce_sum3A_9 = vector.multi_reduction <add>, %mul3A_8, %reduce_sum3A [1] : vector<128x128xf32> to vector<128xf32>
    %broadcast_in_dim3A = vector.shape_cast %reduce_sum3A_9 : vector<128xf32> to vector<128x1xf32>
    %add3A = arith.addf %get3A_1, %broadcast_in_dim3A : vector<128x1xf32>
    %swap3A = arith.constant 0 : index
    %swap3A_10 = arith.constant 0 : index
    %swap3A_11 = vector.load %arg3[%swap3A, %swap3A_10] : memref<128x1xf32, #tpu.memory_space<vmem>>, vector<128x1xf32>
    tpu.vector_store %arg3[%swap3A, %swap3A_10], %add3A {strides = array<i32>} : memref<128x1xf32, #tpu.memory_space<vmem>>, vector<128x1xf32>,
    return
  }
}

module attributes {stable_mosaic.version = 14 : i64} {
  func.func @_combine_body(%arg0: i32, %arg1: memref<8x128xi32, #tpu.memory_space<vmem>>, %arg2: memref<8x128xf32, #tpu.memory_space<vmem>>, %arg3: memref<1x128xf32, #tpu.memory_space<vmem>>, %arg4: memref<8x128xf32, #tpu.memory_space<vmem>>) attributes {dimension_semantics = [#tpu.dimension_semantics<arbitrary>], iteration_bounds = array<i64: 98>, scalar_prefetch = 0 : i64, scratch_operands = 0 : i64, tpu.core_type = #tpu.core_type<tc>, window_params = [{transform_indices = @transform_0, window_bounds = array<i64: 8, 128>}, {transform_indices = @transform_1, window_bounds = array<i64: 8, 128>}, {pipeline_mode = #tpu.pipeline_mode<synchronous>, transform_indices = @transform_2, window_bounds = array<i64: 1, 128>}, {transform_indices = @transform_3, window_bounds = array<i64: 8, 128>}]} {
    %get3A = arith.constant 0 : index
    %get3A_0 = arith.constant 0 : index
    %get3A_1 = vector.load %arg1[%get3A, %get3A_0] : memref<8x128xi32, #tpu.memory_space<vmem>>, vector<8x128xi32>
    %get3A_2 = arith.constant 0 : index
    %get3A_3 = arith.constant 0 : index
    %get3A_4 = vector.load %arg3[%get3A_2, %get3A_3] : memref<1x128xf32, #tpu.memory_space<vmem>>, vector<1x128xf32>
    %broadcast_in_dim3A = arith.constant 0.000000e+00 : f32
    %broadcast_in_dim3A_5 = vector.broadcast %broadcast_in_dim3A : f32 to vector<8x128xf32>
    %eq3A = arith.constant 0 : i32
    %eq3A_6 = vector.broadcast %eq3A : i32 to vector<8x128xi32>
    %eq3A_7 = arith.cmpi eq, %get3A_1, %eq3A_6 : vector<8x128xi32>
    %convert_element_type3A = arith.extui %eq3A_7 : vector<8x128xi1> to vector<8x128xi32>
    %convert_element_type3A_8 = arith.sitofp %convert_element_type3A : vector<8x128xi32> to vector<8x128xf32>
    %slice3A = vector.extract_strided_slice %get3A_4 {offsets = [0, 0], sizes = [1, 1], strides = [1, 1]} : vector<1x128xf32> to vector<1x1xf32>
    %squeeze3A = vector.extract %slice3A[0, 0] : f32 from vector<1x1xf32>
    %mul3A = vector.broadcast %squeeze3A : f32 to vector<8x128xf32>
    %mul3A_9 = arith.mulf %convert_element_type3A_8, %mul3A : vector<8x128xf32>
    %add3A = arith.addf %broadcast_in_dim3A_5, %mul3A_9 : vector<8x128xf32>
    %eq3A_10 = arith.constant 1 : i32
    %eq3A_11 = vector.broadcast %eq3A_10 : i32 to vector<8x128xi32>
    %eq3A_12 = arith.cmpi eq, %get3A_1, %eq3A_11 : vector<8x128xi32>
    %convert_element_type3A_13 = arith.extui %eq3A_12 : vector<8x128xi1> to vector<8x128xi32>
    %convert_element_type3A_14 = arith.sitofp %convert_element_type3A_13 : vector<8x128xi32> to vector<8x128xf32>
    %slice3A_15 = vector.extract_strided_slice %get3A_4 {offsets = [0, 1], sizes = [1, 1], strides = [1, 1]} : vector<1x128xf32> to vector<1x1xf32>
    %squeeze3A_16 = vector.extract %slice3A_15[0, 0] : f32 from vector<1x1xf32>
    %mul3A_17 = vector.broadcast %squeeze3A_16 : f32 to vector<8x128xf32>
    %mul3A_18 = arith.mulf %convert_element_type3A_14, %mul3A_17 : vector<8x128xf32>
    %add3A_19 = arith.addf %add3A, %mul3A_18 : vector<8x128xf32>
    %eq3A_20 = arith.constant 2 : i32
    %eq3A_21 = vector.broadcast %eq3A_20 : i32 to vector<8x128xi32>
    %eq3A_22 = arith.cmpi eq, %get3A_1, %eq3A_21 : vector<8x128xi32>
    %convert_element_type3A_23 = arith.extui %eq3A_22 : vector<8x128xi1> to vector<8x128xi32>
    %convert_element_type3A_24 = arith.sitofp %convert_element_type3A_23 : vector<8x128xi32> to vector<8x128xf32>
    %slice3A_25 = vector.extract_strided_slice %get3A_4 {offsets = [0, 2], sizes = [1, 1], strides = [1, 1]} : vector<1x128xf32> to vector<1x1xf32>
    %squeeze3A_26 = vector.extract %slice3A_25[0, 0] : f32 from vector<1x1xf32>
    %mul3A_27 = vector.broadcast %squeeze3A_26 : f32 to vector<8x128xf32>
    %mul3A_28 = arith.mulf %convert_element_type3A_24, %mul3A_27 : vector<8x128xf32>
    %add3A_29 = arith.addf %add3A_19, %mul3A_28 : vector<8x128xf32>
    %eq3A_30 = arith.constant 3 : i32
    %eq3A_31 = vector.broadcast %eq3A_30 : i32 to vector<8x128xi32>
    %eq3A_32 = arith.cmpi eq, %get3A_1, %eq3A_31 : vector<8x128xi32>
    %convert_element_type3A_33 = arith.extui %eq3A_32 : vector<8x128xi1> to vector<8x128xi32>
    %convert_element_type3A_34 = arith.sitofp %convert_element_type3A_33 : vector<8x128xi32> to vector<8x128xf32>
    %slice3A_35 = vector.extract_strided_slice %get3A_4 {offsets = [0, 3], sizes = [1, 1], strides = [1, 1]} : vector<1x128xf32> to vector<1x1xf32>
    %squeeze3A_36 = vector.extract %slice3A_35[0, 0] : f32 from vector<1x1xf32>
    %mul3A_37 = vector.broadcast %squeeze3A_36 : f32 to vector<8x128xf32>
    %mul3A_38 = arith.mulf %convert_element_type3A_34, %mul3A_37 : vector<8x128xf32>
    %add3A_39 = arith.addf %add3A_29, %mul3A_38 : vector<8x128xf32>
    %eq3A_40 = arith.constant 4 : i32
    %eq3A_41 = vector.broadcast %eq3A_40 : i32 to vector<8x128xi32>
    %eq3A_42 = arith.cmpi eq, %get3A_1, %eq3A_41 : vector<8x128xi32>
    %convert_element_type3A_43 = arith.extui %eq3A_42 : vector<8x128xi1> to vector<8x128xi32>
    %convert_element_type3A_44 = arith.sitofp %convert_element_type3A_43 : vector<8x128xi32> to vector<8x128xf32>
    %slice3A_45 = vector.extract_strided_slice %get3A_4 {offsets = [0, 4], sizes = [1, 1], strides = [1, 1]} : vector<1x128xf32> to vector<1x1xf32>
    %squeeze3A_46 = vector.extract %slice3A_45[0, 0] : f32 from vector<1x1xf32>
    %mul3A_47 = vector.broadcast %squeeze3A_46 : f32 to vector<8x128xf32>
    %mul3A_48 = arith.mulf %convert_element_type3A_44, %mul3A_47 : vector<8x128xf32>
    %add3A_49 = arith.addf %add3A_39, %mul3A_48 : vector<8x128xf32>
    %eq3A_50 = arith.constant 5 : i32
    %eq3A_51 = vector.broadcast %eq3A_50 : i32 to vector<8x128xi32>
    %eq3A_52 = arith.cmpi eq, %get3A_1, %eq3A_51 : vector<8x128xi32>
    %convert_element_type3A_53 = arith.extui %eq3A_52 : vector<8x128xi1> to vector<8x128xi32>
    %convert_element_type3A_54 = arith.sitofp %convert_element_type3A_53 : vector<8x128xi32> to vector<8x128xf32>
    %slice3A_55 = vector.extract_strided_slice %get3A_4 {offsets = [0, 5], sizes = [1, 1], strides = [1, 1]} : vector<1x128xf32> to vector<1x1xf32>
    %squeeze3A_56 = vector.extract %slice3A_55[0, 0] : f32 from vector<1x1xf32>
    %mul3A_57 = vector.broadcast %squeeze3A_56 : f32 to vector<8x128xf32>
    %mul3A_58 = arith.mulf %convert_element_type3A_54, %mul3A_57 : vector<8x128xf32>
    %add3A_59 = arith.addf %add3A_49, %mul3A_58 : vector<8x128xf32>
    %eq3A_60 = arith.constant 6 : i32
    %eq3A_61 = vector.broadcast %eq3A_60 : i32 to vector<8x128xi32>
    %eq3A_62 = arith.cmpi eq, %get3A_1, %eq3A_61 : vector<8x128xi32>
    %convert_element_type3A_63 = arith.extui %eq3A_62 : vector<8x128xi1> to vector<8x128xi32>
    %convert_element_type3A_64 = arith.sitofp %convert_element_type3A_63 : vector<8x128xi32> to vector<8x128xf32>
    %slice3A_65 = vector.extract_strided_slice %get3A_4 {offsets = [0, 6], sizes = [1, 1], strides = [1, 1]} : vector<1x128xf32> to vector<1x1xf32>
    %squeeze3A_66 = vector.extract %slice3A_65[0, 0] : f32 from vector<1x1xf32>
    %mul3A_67 = vector.broadcast %squeeze3A_66 : f32 to vector<8x128xf32>
    %mul3A_68 = arith.mulf %convert_element_type3A_64, %mul3A_67 : vector<8x128xf32>
    %add3A_69 = arith.addf %add3A_59, %mul3A_68 : vector<8x128xf32>
    %eq3A_70 = arith.constant 7 : i32
    %eq3A_71 = vector.broadcast %eq3A_70 : i32 to vector<8x128xi32>
    %eq3A_72 = arith.cmpi eq, %get3A_1, %eq3A_71 : vector<8x128xi32>
    %convert_element_type3A_73 = arith.extui %eq3A_72 : vector<8x128xi1> to vector<8x128xi32>
    %convert_element_type3A_74 = arith.sitofp %convert_element_type3A_73 : vector<8x128xi32> to vector<8x128xf32>
    %slice3A_75 = vector.extract_strided_slice %get3A_4 {offsets = [0, 7], sizes = [1, 1], strides = [1, 1]} : vector<1x128xf32> to vector<1x1xf32>
    %squeeze3A_76 = vector.extract %slice3A_75[0, 0] : f32 from vector<1x1xf32>
    %mul3A_77 = vector.broadcast %squeeze3A_76 : f32 to vector<8x128xf32>
    %mul3A_78 = arith.mulf %convert_element_type3A_74, %mul3A_77 : vector<8x128xf32>
    %add3A_79 = arith.addf %add3A_69, %mul3A_78 : vector<8x128xf32>
    %eq3A_80 = arith.constant 8 : i32
    %eq3A_81 = vector.broadcast %eq3A_80 : i32 to vector<8x128xi32>
    %eq3A_82 = arith.cmpi eq, %get3A_1, %eq3A_81 : vector<8x128xi32>
    %convert_element_type3A_83 = arith.extui %eq3A_82 : vector<8x128xi1> to vector<8x128xi32>
    %convert_element_type3A_84 = arith.sitofp %convert_element_type3A_83 : vector<8x128xi32> to vector<8x128xf32>
    %slice3A_85 = vector.extract_strided_slice %get3A_4 {offsets = [0, 8], sizes = [1, 1], strides = [1, 1]} : vector<1x128xf32> to vector<1x1xf32>
    %squeeze3A_86 = vector.extract %slice3A_85[0, 0] : f32 from vector<1x1xf32>
    %mul3A_87 = vector.broadcast %squeeze3A_86 : f32 to vector<8x128xf32>
    %mul3A_88 = arith.mulf %convert_element_type3A_84, %mul3A_87 : vector<8x128xf32>
    %add3A_89 = arith.addf %add3A_79, %mul3A_88 : vector<8x128xf32>
    %eq3A_90 = arith.constant 9 : i32
    %eq3A_91 = vector.broadcast %eq3A_90 : i32 to vector<8x128xi32>
    %eq3A_92 = arith.cmpi eq, %get3A_1, %eq3A_91 : vector<8x128xi32>
    %convert_element_type3A_93 = arith.extui %eq3A_92 : vector<8x128xi1> to vector<8x128xi32>
    %convert_element_type3A_94 = arith.sitofp %convert_element_type3A_93 : vector<8x128xi32> to vector<8x128xf32>
    %slice3A_95 = vector.extract_strided_slice %get3A_4 {offsets = [0, 9], sizes = [1, 1], strides = [1, 1]} : vector<1x128xf32> to vector<1x1xf32>
    %squeeze3A_96 = vector.extract %slice3A_95[0, 0] : f32 from vector<1x1xf32>
    %mul3A_97 = vector.broadcast %squeeze3A_96 : f32 to vector<8x128xf32>
    %mul3A_98 = arith.mulf %convert_element_type3A_94, %mul3A_97 : vector<8x128xf32>
    %add3A_99 = arith.addf %add3A_89, %mul3A_98 : vector<8x128xf32>
    %eq3A_100 = arith.constant 10 : i32
    %eq3A_101 = vector.broadcast %eq3A_100 : i32 to vector<8x128xi32>
    %eq3A_102 = arith.cmpi eq, %get3A_1, %eq3A_101 : vector<8x128xi32>
    %convert_element_type3A_103 = arith.extui %eq3A_102 : vector<8x128xi1> to vector<8x128xi32>
    %convert_element_type3A_104 = arith.sitofp %convert_element_type3A_103 : vector<8x128xi32> to vector<8x128xf32>
    %slice3A_105 = vector.extract_strided_slice %get3A_4 {offsets = [0, 10], sizes = [1, 1], strides = [1, 1]} : vector<1x128xf32> to vector<1x1xf32>
    %squeeze3A_106 = vector.extract %slice3A_105[0, 0] : f32 from vector<1x1xf32>
    %mul3A_107 = vector.broadcast %squeeze3A_106 : f32 to vector<8x128xf32>
    %mul3A_108 = arith.mulf %convert_element_type3A_104, %mul3A_107 : vector<8x128xf32>
    %add3A_109 = arith.addf %add3A_99, %mul3A_108 : vector<8x128xf32>
    %eq3A_110 = arith.constant 11 : i32
    %eq3A_111 = vector.broadcast %eq3A_110 : i32 to vector<8x128xi32>
    %eq3A_112 = arith.cmpi eq, %get3A_1, %eq3A_111 : vector<8x128xi32>
    %convert_element_type3A_113 = arith.extui %eq3A_112 : vector<8x128xi1> to vector<8x128xi32>
    %convert_element_type3A_114 = arith.sitofp %convert_element_type3A_113 : vector<8x128xi32> to vector<8x128xf32>
    %slice3A_115 = vector.extract_strided_slice %get3A_4 {offsets = [0, 11], sizes = [1, 1], strides = [1, 1]} : vector<1x128xf32> to vector<1x1xf32>
    %squeeze3A_116 = vector.extract %slice3A_115[0, 0] : f32 from vector<1x1xf32>
    %mul3A_117 = vector.broadcast %squeeze3A_116 : f32 to vector<8x128xf32>
    %mul3A_118 = arith.mulf %convert_element_type3A_114, %mul3A_117 : vector<8x128xf32>
    %add3A_119 = arith.addf %add3A_109, %mul3A_118 : vector<8x128xf32>
    %eq3A_120 = arith.constant 12 : i32
    %eq3A_121 = vector.broadcast %eq3A_120 : i32 to vector<8x128xi32>
    %eq3A_122 = arith.cmpi eq, %get3A_1, %eq3A_121 : vector<8x128xi32>
    %convert_element_type3A_123 = arith.extui %eq3A_122 : vector<8x128xi1> to vector<8x128xi32>
    %convert_element_type3A_124 = arith.sitofp %convert_element_type3A_123 : vector<8x128xi32> to vector<8x128xf32>
    %slice3A_125 = vector.extract_strided_slice %get3A_4 {offsets = [0, 12], sizes = [1, 1], strides = [1, 1]} : vector<1x128xf32> to vector<1x1xf32>
    %squeeze3A_126 = vector.extract %slice3A_125[0, 0] : f32 from vector<1x1xf32>
    %mul3A_127 = vector.broadcast %squeeze3A_126 : f32 to vector<8x128xf32>
    %mul3A_128 = arith.mulf %convert_element_type3A_124, %mul3A_127 : vector<8x128xf32>
    %add3A_129 = arith.addf %add3A_119, %mul3A_128 : vector<8x128xf32>
    %eq3A_130 = arith.constant 13 : i32
    %eq3A_131 = vector.broadcast %eq3A_130 : i32 to vector<8x128xi32>
    %eq3A_132 = arith.cmpi eq, %get3A_1, %eq3A_131 : vector<8x128xi32>
    %convert_element_type3A_133 = arith.extui %eq3A_132 : vector<8x128xi1> to vector<8x128xi32>
    %convert_element_type3A_134 = arith.sitofp %convert_element_type3A_133 : vector<8x128xi32> to vector<8x128xf32>
    %slice3A_135 = vector.extract_strided_slice %get3A_4 {offsets = [0, 13], sizes = [1, 1], strides = [1, 1]} : vector<1x128xf32> to vector<1x1xf32>
    %squeeze3A_136 = vector.extract %slice3A_135[0, 0] : f32 from vector<1x1xf32>
    %mul3A_137 = vector.broadcast %squeeze3A_136 : f32 to vector<8x128xf32>
    %mul3A_138 = arith.mulf %convert_element_type3A_134, %mul3A_137 : vector<8x128xf32>
    %add3A_139 = arith.addf %add3A_129, %mul3A_138 : vector<8x128xf32>
    %eq3A_140 = arith.constant 14 : i32
    %eq3A_141 = vector.broadcast %eq3A_140 : i32 to vector<8x128xi32>
    %eq3A_142 = arith.cmpi eq, %get3A_1, %eq3A_141 : vector<8x128xi32>
    %convert_element_type3A_143 = arith.extui %eq3A_142 : vector<8x128xi1> to vector<8x128xi32>
    %convert_element_type3A_144 = arith.sitofp %convert_element_type3A_143 : vector<8x128xi32> to vector<8x128xf32>
    %slice3A_145 = vector.extract_strided_slice %get3A_4 {offsets = [0, 14], sizes = [1, 1], strides = [1, 1]} : vector<1x128xf32> to vector<1x1xf32>
    %squeeze3A_146 = vector.extract %slice3A_145[0, 0] : f32 from vector<1x1xf32>
    %mul3A_147 = vector.broadcast %squeeze3A_146 : f32 to vector<8x128xf32>
    %mul3A_148 = arith.mulf %convert_element_type3A_144, %mul3A_147 : vector<8x128xf32>
    %add3A_149 = arith.addf %add3A_139, %mul3A_148 : vector<8x128xf32>
    %eq3A_150 = arith.constant 15 : i32
    %eq3A_151 = vector.broadcast %eq3A_150 : i32 to vector<8x128xi32>
    %eq3A_152 = arith.cmpi eq, %get3A_1, %eq3A_151 : vector<8x128xi32>
    %convert_element_type3A_153 = arith.extui %eq3A_152 : vector<8x128xi1> to vector<8x128xi32>
    %convert_element_type3A_154 = arith.sitofp %convert_element_type3A_153 : vector<8x128xi32> to vector<8x128xf32>
    %slice3A_155 = vector.extract_strided_slice %get3A_4 {offsets = [0, 15], sizes = [1, 1], strides = [1, 1]} : vector<1x128xf32> to vector<1x1xf32>
    %squeeze3A_156 = vector.extract %slice3A_155[0, 0] : f32 from vector<1x1xf32>
    %mul3A_157 = vector.broadcast %squeeze3A_156 : f32 to vector<8x128xf32>
    %mul3A_158 = arith.mulf %convert_element_type3A_154, %mul3A_157 : vector<8x128xf32>
    %add3A_159 = arith.addf %add3A_149, %mul3A_158 : vector<8x128xf32>
    %eq3A_160 = arith.constant 16 : i32
    %eq3A_161 = vector.broadcast %eq3A_160 : i32 to vector<8x128xi32>
    %eq3A_162 = arith.cmpi eq, %get3A_1, %eq3A_161 : vector<8x128xi32>
    %convert_element_type3A_163 = arith.extui %eq3A_162 : vector<8x128xi1> to vector<8x128xi32>
    %convert_element_type3A_164 = arith.sitofp %convert_element_type3A_163 : vector<8x128xi32> to vector<8x128xf32>
    %slice3A_165 = vector.extract_strided_slice %get3A_4 {offsets = [0, 16], sizes = [1, 1], strides = [1, 1]} : vector<1x128xf32> to vector<1x1xf32>
    %squeeze3A_166 = vector.extract %slice3A_165[0, 0] : f32 from vector<1x1xf32>
    %mul3A_167 = vector.broadcast %squeeze3A_166 : f32 to vector<8x128xf32>
    %mul3A_168 = arith.mulf %convert_element_type3A_164, %mul3A_167 : vector<8x128xf32>
    %add3A_169 = arith.addf %add3A_159, %mul3A_168 : vector<8x128xf32>
    %eq3A_170 = arith.constant 17 : i32
    %eq3A_171 = vector.broadcast %eq3A_170 : i32 to vector<8x128xi32>
    %eq3A_172 = arith.cmpi eq, %get3A_1, %eq3A_171 : vector<8x128xi32>
    %convert_element_type3A_173 = arith.extui %eq3A_172 : vector<8x128xi1> to vector<8x128xi32>
    %convert_element_type3A_174 = arith.sitofp %convert_element_type3A_173 : vector<8x128xi32> to vector<8x128xf32>
    %slice3A_175 = vector.extract_strided_slice %get3A_4 {offsets = [0, 17], sizes = [1, 1], strides = [1, 1]} : vector<1x128xf32> to vector<1x1xf32>
    %squeeze3A_176 = vector.extract %slice3A_175[0, 0] : f32 from vector<1x1xf32>
    %mul3A_177 = vector.broadcast %squeeze3A_176 : f32 to vector<8x128xf32>
    %mul3A_178 = arith.mulf %convert_element_type3A_174, %mul3A_177 : vector<8x128xf32>
    %add3A_179 = arith.addf %add3A_169, %mul3A_178 : vector<8x128xf32>
    %eq3A_180 = arith.constant 18 : i32
    %eq3A_181 = vector.broadcast %eq3A_180 : i32 to vector<8x128xi32>
    %eq3A_182 = arith.cmpi eq, %get3A_1, %eq3A_181 : vector<8x128xi32>
    %convert_element_type3A_183 = arith.extui %eq3A_182 : vector<8x128xi1> to vector<8x128xi32>
    %convert_element_type3A_184 = arith.sitofp %convert_element_type3A_183 : vector<8x128xi32> to vector<8x128xf32>
    %slice3A_185 = vector.extract_strided_slice %get3A_4 {offsets = [0, 18], sizes = [1, 1], strides = [1, 1]} : vector<1x128xf32> to vector<1x1xf32>
    %squeeze3A_186 = vector.extract %slice3A_185[0, 0] : f32 from vector<1x1xf32>
    %mul3A_187 = vector.broadcast %squeeze3A_186 : f32 to vector<8x128xf32>
    %mul3A_188 = arith.mulf %convert_element_type3A_184, %mul3A_187 : vector<8x128xf32>
    %add3A_189 = arith.addf %add3A_179, %mul3A_188 : vector<8x128xf32>
    %eq3A_190 = arith.constant 19 : i32
    %eq3A_191 = vector.broadcast %eq3A_190 : i32 to vector<8x128xi32>
    %eq3A_192 = arith.cmpi eq, %get3A_1, %eq3A_191 : vector<8x128xi32>
    %convert_element_type3A_193 = arith.extui %eq3A_192 : vector<8x128xi1> to vector<8x128xi32>
    %convert_element_type3A_194 = arith.sitofp %convert_element_type3A_193 : vector<8x128xi32> to vector<8x128xf32>
    %slice3A_195 = vector.extract_strided_slice %get3A_4 {offsets = [0, 19], sizes = [1, 1], strides = [1, 1]} : vector<1x128xf32> to vector<1x1xf32>
    %squeeze3A_196 = vector.extract %slice3A_195[0, 0] : f32 from vector<1x1xf32>
    %mul3A_197 = vector.broadcast %squeeze3A_196 : f32 to vector<8x128xf32>
    %mul3A_198 = arith.mulf %convert_element_type3A_194, %mul3A_197 : vector<8x128xf32>
    %add3A_199 = arith.addf %add3A_189, %mul3A_198 : vector<8x128xf32>
    %eq3A_200 = arith.constant 20 : i32
    %eq3A_201 = vector.broadcast %eq3A_200 : i32 to vector<8x128xi32>
    %eq3A_202 = arith.cmpi eq, %get3A_1, %eq3A_201 : vector<8x128xi32>
    %convert_element_type3A_203 = arith.extui %eq3A_202 : vector<8x128xi1> to vector<8x128xi32>
    %convert_element_type3A_204 = arith.sitofp %convert_element_type3A_203 : vector<8x128xi32> to vector<8x128xf32>
    %slice3A_205 = vector.extract_strided_slice %get3A_4 {offsets = [0, 20], sizes = [1, 1], strides = [1, 1]} : vector<1x128xf32> to vector<1x1xf32>
    %squeeze3A_206 = vector.extract %slice3A_205[0, 0] : f32 from vector<1x1xf32>
    %mul3A_207 = vector.broadcast %squeeze3A_206 : f32 to vector<8x128xf32>
    %mul3A_208 = arith.mulf %convert_element_type3A_204, %mul3A_207 : vector<8x128xf32>
    %add3A_209 = arith.addf %add3A_199, %mul3A_208 : vector<8x128xf32>
    %eq3A_210 = arith.constant 21 : i32
    %eq3A_211 = vector.broadcast %eq3A_210 : i32 to vector<8x128xi32>
    %eq3A_212 = arith.cmpi eq, %get3A_1, %eq3A_211 : vector<8x128xi32>
    %convert_element_type3A_213 = arith.extui %eq3A_212 : vector<8x128xi1> to vector<8x128xi32>
    %convert_element_type3A_214 = arith.sitofp %convert_element_type3A_213 : vector<8x128xi32> to vector<8x128xf32>
    %slice3A_215 = vector.extract_strided_slice %get3A_4 {offsets = [0, 21], sizes = [1, 1], strides = [1, 1]} : vector<1x128xf32> to vector<1x1xf32>
    %squeeze3A_216 = vector.extract %slice3A_215[0, 0] : f32 from vector<1x1xf32>
    %mul3A_217 = vector.broadcast %squeeze3A_216 : f32 to vector<8x128xf32>
    %mul3A_218 = arith.mulf %convert_element_type3A_214, %mul3A_217 : vector<8x128xf32>
    %add3A_219 = arith.addf %add3A_209, %mul3A_218 : vector<8x128xf32>
    %eq3A_220 = arith.constant 22 : i32
    %eq3A_221 = vector.broadcast %eq3A_220 : i32 to vector<8x128xi32>
    %eq3A_222 = arith.cmpi eq, %get3A_1, %eq3A_221 : vector<8x128xi32>
    %convert_element_type3A_223 = arith.extui %eq3A_222 : vector<8x128xi1> to vector<8x128xi32>
    %convert_element_type3A_224 = arith.sitofp %convert_element_type3A_223 : vector<8x128xi32> to vector<8x128xf32>
    %slice3A_225 = vector.extract_strided_slice %get3A_4 {offsets = [0, 22], sizes = [1, 1], strides = [1, 1]} : vector<1x128xf32> to vector<1x1xf32>
    %squeeze3A_226 = vector.extract %slice3A_225[0, 0] : f32 from vector<1x1xf32>
    %mul3A_227 = vector.broadcast %squeeze3A_226 : f32 to vector<8x128xf32>
    %mul3A_228 = arith.mulf %convert_element_type3A_224, %mul3A_227 : vector<8x128xf32>
    %add3A_229 = arith.addf %add3A_219, %mul3A_228 : vector<8x128xf32>
    %eq3A_230 = arith.constant 23 : i32
    %eq3A_231 = vector.broadcast %eq3A_230 : i32 to vector<8x128xi32>
    %eq3A_232 = arith.cmpi eq, %get3A_1, %eq3A_231 : vector<8x128xi32>
    %convert_element_type3A_233 = arith.extui %eq3A_232 : vector<8x128xi1> to vector<8x128xi32>
    %convert_element_type3A_234 = arith.sitofp %convert_element_type3A_233 : vector<8x128xi32> to vector<8x128xf32>
    %slice3A_235 = vector.extract_strided_slice %get3A_4 {offsets = [0, 23], sizes = [1, 1], strides = [1, 1]} : vector<1x128xf32> to vector<1x1xf32>
    %squeeze3A_236 = vector.extract %slice3A_235[0, 0] : f32 from vector<1x1xf32>
    %mul3A_237 = vector.broadcast %squeeze3A_236 : f32 to vector<8x128xf32>
    %mul3A_238 = arith.mulf %convert_element_type3A_234, %mul3A_237 : vector<8x128xf32>
    %add3A_239 = arith.addf %add3A_229, %mul3A_238 : vector<8x128xf32>
    %eq3A_240 = arith.constant 24 : i32
    %eq3A_241 = vector.broadcast %eq3A_240 : i32 to vector<8x128xi32>
    %eq3A_242 = arith.cmpi eq, %get3A_1, %eq3A_241 : vector<8x128xi32>
    %convert_element_type3A_243 = arith.extui %eq3A_242 : vector<8x128xi1> to vector<8x128xi32>
    %convert_element_type3A_244 = arith.sitofp %convert_element_type3A_243 : vector<8x128xi32> to vector<8x128xf32>
    %slice3A_245 = vector.extract_strided_slice %get3A_4 {offsets = [0, 24], sizes = [1, 1], strides = [1, 1]} : vector<1x128xf32> to vector<1x1xf32>
    %squeeze3A_246 = vector.extract %slice3A_245[0, 0] : f32 from vector<1x1xf32>
    %mul3A_247 = vector.broadcast %squeeze3A_246 : f32 to vector<8x128xf32>
    %mul3A_248 = arith.mulf %convert_element_type3A_244, %mul3A_247 : vector<8x128xf32>
    %add3A_249 = arith.addf %add3A_239, %mul3A_248 : vector<8x128xf32>
    %eq3A_250 = arith.constant 25 : i32
    %eq3A_251 = vector.broadcast %eq3A_250 : i32 to vector<8x128xi32>
    %eq3A_252 = arith.cmpi eq, %get3A_1, %eq3A_251 : vector<8x128xi32>
    %convert_element_type3A_253 = arith.extui %eq3A_252 : vector<8x128xi1> to vector<8x128xi32>
    %convert_element_type3A_254 = arith.sitofp %convert_element_type3A_253 : vector<8x128xi32> to vector<8x128xf32>
    %slice3A_255 = vector.extract_strided_slice %get3A_4 {offsets = [0, 25], sizes = [1, 1], strides = [1, 1]} : vector<1x128xf32> to vector<1x1xf32>
    %squeeze3A_256 = vector.extract %slice3A_255[0, 0] : f32 from vector<1x1xf32>
    %mul3A_257 = vector.broadcast %squeeze3A_256 : f32 to vector<8x128xf32>
    %mul3A_258 = arith.mulf %convert_element_type3A_254, %mul3A_257 : vector<8x128xf32>
    %add3A_259 = arith.addf %add3A_249, %mul3A_258 : vector<8x128xf32>
    %eq3A_260 = arith.constant 26 : i32
    %eq3A_261 = vector.broadcast %eq3A_260 : i32 to vector<8x128xi32>
    %eq3A_262 = arith.cmpi eq, %get3A_1, %eq3A_261 : vector<8x128xi32>
    %convert_element_type3A_263 = arith.extui %eq3A_262 : vector<8x128xi1> to vector<8x128xi32>
    %convert_element_type3A_264 = arith.sitofp %convert_element_type3A_263 : vector<8x128xi32> to vector<8x128xf32>
    %slice3A_265 = vector.extract_strided_slice %get3A_4 {offsets = [0, 26], sizes = [1, 1], strides = [1, 1]} : vector<1x128xf32> to vector<1x1xf32>
    %squeeze3A_266 = vector.extract %slice3A_265[0, 0] : f32 from vector<1x1xf32>
    %mul3A_267 = vector.broadcast %squeeze3A_266 : f32 to vector<8x128xf32>
    %mul3A_268 = arith.mulf %convert_element_type3A_264, %mul3A_267 : vector<8x128xf32>
    %add3A_269 = arith.addf %add3A_259, %mul3A_268 : vector<8x128xf32>
    %eq3A_270 = arith.constant 27 : i32
    %eq3A_271 = vector.broadcast %eq3A_270 : i32 to vector<8x128xi32>
    %eq3A_272 = arith.cmpi eq, %get3A_1, %eq3A_271 : vector<8x128xi32>
    %convert_element_type3A_273 = arith.extui %eq3A_272 : vector<8x128xi1> to vector<8x128xi32>
    %convert_element_type3A_274 = arith.sitofp %convert_element_type3A_273 : vector<8x128xi32> to vector<8x128xf32>
    %slice3A_275 = vector.extract_strided_slice %get3A_4 {offsets = [0, 27], sizes = [1, 1], strides = [1, 1]} : vector<1x128xf32> to vector<1x1xf32>
    %squeeze3A_276 = vector.extract %slice3A_275[0, 0] : f32 from vector<1x1xf32>
    %mul3A_277 = vector.broadcast %squeeze3A_276 : f32 to vector<8x128xf32>
    %mul3A_278 = arith.mulf %convert_element_type3A_274, %mul3A_277 : vector<8x128xf32>
    %add3A_279 = arith.addf %add3A_269, %mul3A_278 : vector<8x128xf32>
    %eq3A_280 = arith.constant 28 : i32
    %eq3A_281 = vector.broadcast %eq3A_280 : i32 to vector<8x128xi32>
    %eq3A_282 = arith.cmpi eq, %get3A_1, %eq3A_281 : vector<8x128xi32>
    %convert_element_type3A_283 = arith.extui %eq3A_282 : vector<8x128xi1> to vector<8x128xi32>
    %convert_element_type3A_284 = arith.sitofp %convert_element_type3A_283 : vector<8x128xi32> to vector<8x128xf32>
    %slice3A_285 = vector.extract_strided_slice %get3A_4 {offsets = [0, 28], sizes = [1, 1], strides = [1, 1]} : vector<1x128xf32> to vector<1x1xf32>
    %squeeze3A_286 = vector.extract %slice3A_285[0, 0] : f32 from vector<1x1xf32>
    %mul3A_287 = vector.broadcast %squeeze3A_286 : f32 to vector<8x128xf32>
    %mul3A_288 = arith.mulf %convert_element_type3A_284, %mul3A_287 : vector<8x128xf32>
    %add3A_289 = arith.addf %add3A_279, %mul3A_288 : vector<8x128xf32>
    %eq3A_290 = arith.constant 29 : i32
    %eq3A_291 = vector.broadcast %eq3A_290 : i32 to vector<8x128xi32>
    %eq3A_292 = arith.cmpi eq, %get3A_1, %eq3A_291 : vector<8x128xi32>
    %convert_element_type3A_293 = arith.extui %eq3A_292 : vector<8x128xi1> to vector<8x128xi32>
    %convert_element_type3A_294 = arith.sitofp %convert_element_type3A_293 : vector<8x128xi32> to vector<8x128xf32>
    %slice3A_295 = vector.extract_strided_slice %get3A_4 {offsets = [0, 29], sizes = [1, 1], strides = [1, 1]} : vector<1x128xf32> to vector<1x1xf32>
    %squeeze3A_296 = vector.extract %slice3A_295[0, 0] : f32 from vector<1x1xf32>
    %mul3A_297 = vector.broadcast %squeeze3A_296 : f32 to vector<8x128xf32>
    %mul3A_298 = arith.mulf %convert_element_type3A_294, %mul3A_297 : vector<8x128xf32>
    %add3A_299 = arith.addf %add3A_289, %mul3A_298 : vector<8x128xf32>
    %eq3A_300 = arith.constant 30 : i32
    %eq3A_301 = vector.broadcast %eq3A_300 : i32 to vector<8x128xi32>
    %eq3A_302 = arith.cmpi eq, %get3A_1, %eq3A_301 : vector<8x128xi32>
    %convert_element_type3A_303 = arith.extui %eq3A_302 : vector<8x128xi1> to vector<8x128xi32>
    %convert_element_type3A_304 = arith.sitofp %convert_element_type3A_303 : vector<8x128xi32> to vector<8x128xf32>
    %slice3A_305 = vector.extract_strided_slice %get3A_4 {offsets = [0, 30], sizes = [1, 1], strides = [1, 1]} : vector<1x128xf32> to vector<1x1xf32>
    %squeeze3A_306 = vector.extract %slice3A_305[0, 0] : f32 from vector<1x1xf32>
    %mul3A_307 = vector.broadcast %squeeze3A_306 : f32 to vector<8x128xf32>
    %mul3A_308 = arith.mulf %convert_element_type3A_304, %mul3A_307 : vector<8x128xf32>
    %add3A_309 = arith.addf %add3A_299, %mul3A_308 : vector<8x128xf32>
    %eq3A_310 = arith.constant 31 : i32
    %eq3A_311 = vector.broadcast %eq3A_310 : i32 to vector<8x128xi32>
    %eq3A_312 = arith.cmpi eq, %get3A_1, %eq3A_311 : vector<8x128xi32>
    %convert_element_type3A_313 = arith.extui %eq3A_312 : vector<8x128xi1> to vector<8x128xi32>
    %convert_element_type3A_314 = arith.sitofp %convert_element_type3A_313 : vector<8x128xi32> to vector<8x128xf32>
    %slice3A_315 = vector.extract_strided_slice %get3A_4 {offsets = [0, 31], sizes = [1, 1], strides = [1, 1]} : vector<1x128xf32> to vector<1x1xf32>
    %squeeze3A_316 = vector.extract %slice3A_315[0, 0] : f32 from vector<1x1xf32>
    %mul3A_317 = vector.broadcast %squeeze3A_316 : f32 to vector<8x128xf32>
    %mul3A_318 = arith.mulf %convert_element_type3A_314, %mul3A_317 : vector<8x128xf32>
    %add3A_319 = arith.addf %add3A_309, %mul3A_318 : vector<8x128xf32>
    %eq3A_320 = arith.constant 32 : i32
    %eq3A_321 = vector.broadcast %eq3A_320 : i32 to vector<8x128xi32>
    %eq3A_322 = arith.cmpi eq, %get3A_1, %eq3A_321 : vector<8x128xi32>
    %convert_element_type3A_323 = arith.extui %eq3A_322 : vector<8x128xi1> to vector<8x128xi32>
    %convert_element_type3A_324 = arith.sitofp %convert_element_type3A_323 : vector<8x128xi32> to vector<8x128xf32>
    %slice3A_325 = vector.extract_strided_slice %get3A_4 {offsets = [0, 32], sizes = [1, 1], strides = [1, 1]} : vector<1x128xf32> to vector<1x1xf32>
    %squeeze3A_326 = vector.extract %slice3A_325[0, 0] : f32 from vector<1x1xf32>
    %mul3A_327 = vector.broadcast %squeeze3A_326 : f32 to vector<8x128xf32>
    %mul3A_328 = arith.mulf %convert_element_type3A_324, %mul3A_327 : vector<8x128xf32>
    %add3A_329 = arith.addf %add3A_319, %mul3A_328 : vector<8x128xf32>
    %eq3A_330 = arith.constant 33 : i32
    %eq3A_331 = vector.broadcast %eq3A_330 : i32 to vector<8x128xi32>
    %eq3A_332 = arith.cmpi eq, %get3A_1, %eq3A_331 : vector<8x128xi32>
    %convert_element_type3A_333 = arith.extui %eq3A_332 : vector<8x128xi1> to vector<8x128xi32>
    %convert_element_type3A_334 = arith.sitofp %convert_element_type3A_333 : vector<8x128xi32> to vector<8x128xf32>
    %slice3A_335 = vector.extract_strided_slice %get3A_4 {offsets = [0, 33], sizes = [1, 1], strides = [1, 1]} : vector<1x128xf32> to vector<1x1xf32>
    %squeeze3A_336 = vector.extract %slice3A_335[0, 0] : f32 from vector<1x1xf32>
    %mul3A_337 = vector.broadcast %squeeze3A_336 : f32 to vector<8x128xf32>
    %mul3A_338 = arith.mulf %convert_element_type3A_334, %mul3A_337 : vector<8x128xf32>
    %add3A_339 = arith.addf %add3A_329, %mul3A_338 : vector<8x128xf32>
    %eq3A_340 = arith.constant 34 : i32
    %eq3A_341 = vector.broadcast %eq3A_340 : i32 to vector<8x128xi32>
    %eq3A_342 = arith.cmpi eq, %get3A_1, %eq3A_341 : vector<8x128xi32>
    %convert_element_type3A_343 = arith.extui %eq3A_342 : vector<8x128xi1> to vector<8x128xi32>
    %convert_element_type3A_344 = arith.sitofp %convert_element_type3A_343 : vector<8x128xi32> to vector<8x128xf32>
    %slice3A_345 = vector.extract_strided_slice %get3A_4 {offsets = [0, 34], sizes = [1, 1], strides = [1, 1]} : vector<1x128xf32> to vector<1x1xf32>
    %squeeze3A_346 = vector.extract %slice3A_345[0, 0] : f32 from vector<1x1xf32>
    %mul3A_347 = vector.broadcast %squeeze3A_346 : f32 to vector<8x128xf32>
    %mul3A_348 = arith.mulf %convert_element_type3A_344, %mul3A_347 : vector<8x128xf32>
    %add3A_349 = arith.addf %add3A_339, %mul3A_348 : vector<8x128xf32>
    %eq3A_350 = arith.constant 35 : i32
    %eq3A_351 = vector.broadcast %eq3A_350 : i32 to vector<8x128xi32>
    %eq3A_352 = arith.cmpi eq, %get3A_1, %eq3A_351 : vector<8x128xi32>
    %convert_element_type3A_353 = arith.extui %eq3A_352 : vector<8x128xi1> to vector<8x128xi32>
    %convert_element_type3A_354 = arith.sitofp %convert_element_type3A_353 : vector<8x128xi32> to vector<8x128xf32>
    %slice3A_355 = vector.extract_strided_slice %get3A_4 {offsets = [0, 35], sizes = [1, 1], strides = [1, 1]} : vector<1x128xf32> to vector<1x1xf32>
    %squeeze3A_356 = vector.extract %slice3A_355[0, 0] : f32 from vector<1x1xf32>
    %mul3A_357 = vector.broadcast %squeeze3A_356 : f32 to vector<8x128xf32>
    %mul3A_358 = arith.mulf %convert_element_type3A_354, %mul3A_357 : vector<8x128xf32>
    %add3A_359 = arith.addf %add3A_349, %mul3A_358 : vector<8x128xf32>
    %eq3A_360 = arith.constant 36 : i32
    %eq3A_361 = vector.broadcast %eq3A_360 : i32 to vector<8x128xi32>
    %eq3A_362 = arith.cmpi eq, %get3A_1, %eq3A_361 : vector<8x128xi32>
    %convert_element_type3A_363 = arith.extui %eq3A_362 : vector<8x128xi1> to vector<8x128xi32>
    %convert_element_type3A_364 = arith.sitofp %convert_element_type3A_363 : vector<8x128xi32> to vector<8x128xf32>
    %slice3A_365 = vector.extract_strided_slice %get3A_4 {offsets = [0, 36], sizes = [1, 1], strides = [1, 1]} : vector<1x128xf32> to vector<1x1xf32>
    %squeeze3A_366 = vector.extract %slice3A_365[0, 0] : f32 from vector<1x1xf32>
    %mul3A_367 = vector.broadcast %squeeze3A_366 : f32 to vector<8x128xf32>
    %mul3A_368 = arith.mulf %convert_element_type3A_364, %mul3A_367 : vector<8x128xf32>
    %add3A_369 = arith.addf %add3A_359, %mul3A_368 : vector<8x128xf32>
    %eq3A_370 = arith.constant 37 : i32
    %eq3A_371 = vector.broadcast %eq3A_370 : i32 to vector<8x128xi32>
    %eq3A_372 = arith.cmpi eq, %get3A_1, %eq3A_371 : vector<8x128xi32>
    %convert_element_type3A_373 = arith.extui %eq3A_372 : vector<8x128xi1> to vector<8x128xi32>
    %convert_element_type3A_374 = arith.sitofp %convert_element_type3A_373 : vector<8x128xi32> to vector<8x128xf32>
    %slice3A_375 = vector.extract_strided_slice %get3A_4 {offsets = [0, 37], sizes = [1, 1], strides = [1, 1]} : vector<1x128xf32> to vector<1x1xf32>
    %squeeze3A_376 = vector.extract %slice3A_375[0, 0] : f32 from vector<1x1xf32>
    %mul3A_377 = vector.broadcast %squeeze3A_376 : f32 to vector<8x128xf32>
    %mul3A_378 = arith.mulf %convert_element_type3A_374, %mul3A_377 : vector<8x128xf32>
    %add3A_379 = arith.addf %add3A_369, %mul3A_378 : vector<8x128xf32>
    %eq3A_380 = arith.constant 38 : i32
    %eq3A_381 = vector.broadcast %eq3A_380 : i32 to vector<8x128xi32>
    %eq3A_382 = arith.cmpi eq, %get3A_1, %eq3A_381 : vector<8x128xi32>
    %convert_element_type3A_383 = arith.extui %eq3A_382 : vector<8x128xi1> to vector<8x128xi32>
    %convert_element_type3A_384 = arith.sitofp %convert_element_type3A_383 : vector<8x128xi32> to vector<8x128xf32>
    %slice3A_385 = vector.extract_strided_slice %get3A_4 {offsets = [0, 38], sizes = [1, 1], strides = [1, 1]} : vector<1x128xf32> to vector<1x1xf32>
    %squeeze3A_386 = vector.extract %slice3A_385[0, 0] : f32 from vector<1x1xf32>
    %mul3A_387 = vector.broadcast %squeeze3A_386 : f32 to vector<8x128xf32>
    %mul3A_388 = arith.mulf %convert_element_type3A_384, %mul3A_387 : vector<8x128xf32>
    %add3A_389 = arith.addf %add3A_379, %mul3A_388 : vector<8x128xf32>
    %eq3A_390 = arith.constant 39 : i32
    %eq3A_391 = vector.broadcast %eq3A_390 : i32 to vector<8x128xi32>
    %eq3A_392 = arith.cmpi eq, %get3A_1, %eq3A_391 : vector<8x128xi32>
    %convert_element_type3A_393 = arith.extui %eq3A_392 : vector<8x128xi1> to vector<8x128xi32>
    %convert_element_type3A_394 = arith.sitofp %convert_element_type3A_393 : vector<8x128xi32> to vector<8x128xf32>
    %slice3A_395 = vector.extract_strided_slice %get3A_4 {offsets = [0, 39], sizes = [1, 1], strides = [1, 1]} : vector<1x128xf32> to vector<1x1xf32>
    %squeeze3A_396 = vector.extract %slice3A_395[0, 0] : f32 from vector<1x1xf32>
    %mul3A_397 = vector.broadcast %squeeze3A_396 : f32 to vector<8x128xf32>
    %mul3A_398 = arith.mulf %convert_element_type3A_394, %mul3A_397 : vector<8x128xf32>
    %add3A_399 = arith.addf %add3A_389, %mul3A_398 : vector<8x128xf32>
    %eq3A_400 = arith.constant 40 : i32
    %eq3A_401 = vector.broadcast %eq3A_400 : i32 to vector<8x128xi32>
    %eq3A_402 = arith.cmpi eq, %get3A_1, %eq3A_401 : vector<8x128xi32>
    %convert_element_type3A_403 = arith.extui %eq3A_402 : vector<8x128xi1> to vector<8x128xi32>
    %convert_element_type3A_404 = arith.sitofp %convert_element_type3A_403 : vector<8x128xi32> to vector<8x128xf32>
    %slice3A_405 = vector.extract_strided_slice %get3A_4 {offsets = [0, 40], sizes = [1, 1], strides = [1, 1]} : vector<1x128xf32> to vector<1x1xf32>
    %squeeze3A_406 = vector.extract %slice3A_405[0, 0] : f32 from vector<1x1xf32>
    %mul3A_407 = vector.broadcast %squeeze3A_406 : f32 to vector<8x128xf32>
    %mul3A_408 = arith.mulf %convert_element_type3A_404, %mul3A_407 : vector<8x128xf32>
    %add3A_409 = arith.addf %add3A_399, %mul3A_408 : vector<8x128xf32>
    %eq3A_410 = arith.constant 41 : i32
    %eq3A_411 = vector.broadcast %eq3A_410 : i32 to vector<8x128xi32>
    %eq3A_412 = arith.cmpi eq, %get3A_1, %eq3A_411 : vector<8x128xi32>
    %convert_element_type3A_413 = arith.extui %eq3A_412 : vector<8x128xi1> to vector<8x128xi32>
    %convert_element_type3A_414 = arith.sitofp %convert_element_type3A_413 : vector<8x128xi32> to vector<8x128xf32>
    %slice3A_415 = vector.extract_strided_slice %get3A_4 {offsets = [0, 41], sizes = [1, 1], strides = [1, 1]} : vector<1x128xf32> to vector<1x1xf32>
    %squeeze3A_416 = vector.extract %slice3A_415[0, 0] : f32 from vector<1x1xf32>
    %mul3A_417 = vector.broadcast %squeeze3A_416 : f32 to vector<8x128xf32>
    %mul3A_418 = arith.mulf %convert_element_type3A_414, %mul3A_417 : vector<8x128xf32>
    %add3A_419 = arith.addf %add3A_409, %mul3A_418 : vector<8x128xf32>
    %eq3A_420 = arith.constant 42 : i32
    %eq3A_421 = vector.broadcast %eq3A_420 : i32 to vector<8x128xi32>
    %eq3A_422 = arith.cmpi eq, %get3A_1, %eq3A_421 : vector<8x128xi32>
    %convert_element_type3A_423 = arith.extui %eq3A_422 : vector<8x128xi1> to vector<8x128xi32>
    %convert_element_type3A_424 = arith.sitofp %convert_element_type3A_423 : vector<8x128xi32> to vector<8x128xf32>
    %slice3A_425 = vector.extract_strided_slice %get3A_4 {offsets = [0, 42], sizes = [1, 1], strides = [1, 1]} : vector<1x128xf32> to vector<1x1xf32>
    %squeeze3A_426 = vector.extract %slice3A_425[0, 0] : f32 from vector<1x1xf32>
    %mul3A_427 = vector.broadcast %squeeze3A_426 : f32 to vector<8x128xf32>
    %mul3A_428 = arith.mulf %convert_element_type3A_424, %mul3A_427 : vector<8x128xf32>
    %add3A_429 = arith.addf %add3A_419, %mul3A_428 : vector<8x128xf32>
    %eq3A_430 = arith.constant 43 : i32
    %eq3A_431 = vector.broadcast %eq3A_430 : i32 to vector<8x128xi32>
    %eq3A_432 = arith.cmpi eq, %get3A_1, %eq3A_431 : vector<8x128xi32>
    %convert_element_type3A_433 = arith.extui %eq3A_432 : vector<8x128xi1> to vector<8x128xi32>
    %convert_element_type3A_434 = arith.sitofp %convert_element_type3A_433 : vector<8x128xi32> to vector<8x128xf32>
    %slice3A_435 = vector.extract_strided_slice %get3A_4 {offsets = [0, 43], sizes = [1, 1], strides = [1, 1]} : vector<1x128xf32> to vector<1x1xf32>
    %squeeze3A_436 = vector.extract %slice3A_435[0, 0] : f32 from vector<1x1xf32>
    %mul3A_437 = vector.broadcast %squeeze3A_436 : f32 to vector<8x128xf32>
    %mul3A_438 = arith.mulf %convert_element_type3A_434, %mul3A_437 : vector<8x128xf32>
    %add3A_439 = arith.addf %add3A_429, %mul3A_438 : vector<8x128xf32>
    %eq3A_440 = arith.constant 44 : i32
    %eq3A_441 = vector.broadcast %eq3A_440 : i32 to vector<8x128xi32>
    %eq3A_442 = arith.cmpi eq, %get3A_1, %eq3A_441 : vector<8x128xi32>
    %convert_element_type3A_443 = arith.extui %eq3A_442 : vector<8x128xi1> to vector<8x128xi32>
    %convert_element_type3A_444 = arith.sitofp %convert_element_type3A_443 : vector<8x128xi32> to vector<8x128xf32>
    %slice3A_445 = vector.extract_strided_slice %get3A_4 {offsets = [0, 44], sizes = [1, 1], strides = [1, 1]} : vector<1x128xf32> to vector<1x1xf32>
    %squeeze3A_446 = vector.extract %slice3A_445[0, 0] : f32 from vector<1x1xf32>
    %mul3A_447 = vector.broadcast %squeeze3A_446 : f32 to vector<8x128xf32>
    %mul3A_448 = arith.mulf %convert_element_type3A_444, %mul3A_447 : vector<8x128xf32>
    %add3A_449 = arith.addf %add3A_439, %mul3A_448 : vector<8x128xf32>
    %eq3A_450 = arith.constant 45 : i32
    %eq3A_451 = vector.broadcast %eq3A_450 : i32 to vector<8x128xi32>
    %eq3A_452 = arith.cmpi eq, %get3A_1, %eq3A_451 : vector<8x128xi32>
    %convert_element_type3A_453 = arith.extui %eq3A_452 : vector<8x128xi1> to vector<8x128xi32>
    %convert_element_type3A_454 = arith.sitofp %convert_element_type3A_453 : vector<8x128xi32> to vector<8x128xf32>
    %slice3A_455 = vector.extract_strided_slice %get3A_4 {offsets = [0, 45], sizes = [1, 1], strides = [1, 1]} : vector<1x128xf32> to vector<1x1xf32>
    %squeeze3A_456 = vector.extract %slice3A_455[0, 0] : f32 from vector<1x1xf32>
    %mul3A_457 = vector.broadcast %squeeze3A_456 : f32 to vector<8x128xf32>
    %mul3A_458 = arith.mulf %convert_element_type3A_454, %mul3A_457 : vector<8x128xf32>
    %add3A_459 = arith.addf %add3A_449, %mul3A_458 : vector<8x128xf32>
    %eq3A_460 = arith.constant 46 : i32
    %eq3A_461 = vector.broadcast %eq3A_460 : i32 to vector<8x128xi32>
    %eq3A_462 = arith.cmpi eq, %get3A_1, %eq3A_461 : vector<8x128xi32>
    %convert_element_type3A_463 = arith.extui %eq3A_462 : vector<8x128xi1> to vector<8x128xi32>
    %convert_element_type3A_464 = arith.sitofp %convert_element_type3A_463 : vector<8x128xi32> to vector<8x128xf32>
    %slice3A_465 = vector.extract_strided_slice %get3A_4 {offsets = [0, 46], sizes = [1, 1], strides = [1, 1]} : vector<1x128xf32> to vector<1x1xf32>
    %squeeze3A_466 = vector.extract %slice3A_465[0, 0] : f32 from vector<1x1xf32>
    %mul3A_467 = vector.broadcast %squeeze3A_466 : f32 to vector<8x128xf32>
    %mul3A_468 = arith.mulf %convert_element_type3A_464, %mul3A_467 : vector<8x128xf32>
    %add3A_469 = arith.addf %add3A_459, %mul3A_468 : vector<8x128xf32>
    %eq3A_470 = arith.constant 47 : i32
    %eq3A_471 = vector.broadcast %eq3A_470 : i32 to vector<8x128xi32>
    %eq3A_472 = arith.cmpi eq, %get3A_1, %eq3A_471 : vector<8x128xi32>
    %convert_element_type3A_473 = arith.extui %eq3A_472 : vector<8x128xi1> to vector<8x128xi32>
    %convert_element_type3A_474 = arith.sitofp %convert_element_type3A_473 : vector<8x128xi32> to vector<8x128xf32>
    %slice3A_475 = vector.extract_strided_slice %get3A_4 {offsets = [0, 47], sizes = [1, 1], strides = [1, 1]} : vector<1x128xf32> to vector<1x1xf32>
    %squeeze3A_476 = vector.extract %slice3A_475[0, 0] : f32 from vector<1x1xf32>
    %mul3A_477 = vector.broadcast %squeeze3A_476 : f32 to vector<8x128xf32>
    %mul3A_478 = arith.mulf %convert_element_type3A_474, %mul3A_477 : vector<8x128xf32>
    %add3A_479 = arith.addf %add3A_469, %mul3A_478 : vector<8x128xf32>
    %eq3A_480 = arith.constant 48 : i32
    %eq3A_481 = vector.broadcast %eq3A_480 : i32 to vector<8x128xi32>
    %eq3A_482 = arith.cmpi eq, %get3A_1, %eq3A_481 : vector<8x128xi32>
    %convert_element_type3A_483 = arith.extui %eq3A_482 : vector<8x128xi1> to vector<8x128xi32>
    %convert_element_type3A_484 = arith.sitofp %convert_element_type3A_483 : vector<8x128xi32> to vector<8x128xf32>
    %slice3A_485 = vector.extract_strided_slice %get3A_4 {offsets = [0, 48], sizes = [1, 1], strides = [1, 1]} : vector<1x128xf32> to vector<1x1xf32>
    %squeeze3A_486 = vector.extract %slice3A_485[0, 0] : f32 from vector<1x1xf32>
    %mul3A_487 = vector.broadcast %squeeze3A_486 : f32 to vector<8x128xf32>
    %mul3A_488 = arith.mulf %convert_element_type3A_484, %mul3A_487 : vector<8x128xf32>
    %add3A_489 = arith.addf %add3A_479, %mul3A_488 : vector<8x128xf32>
    %eq3A_490 = arith.constant 49 : i32
    %eq3A_491 = vector.broadcast %eq3A_490 : i32 to vector<8x128xi32>
    %eq3A_492 = arith.cmpi eq, %get3A_1, %eq3A_491 : vector<8x128xi32>
    %convert_element_type3A_493 = arith.extui %eq3A_492 : vector<8x128xi1> to vector<8x128xi32>
    %convert_element_type3A_494 = arith.sitofp %convert_element_type3A_493 : vector<8x128xi32> to vector<8x128xf32>
    %slice3A_495 = vector.extract_strided_slice %get3A_4 {offsets = [0, 49], sizes = [1, 1], strides = [1, 1]} : vector<1x128xf32> to vector<1x1xf32>
    %squeeze3A_496 = vector.extract %slice3A_495[0, 0] : f32 from vector<1x1xf32>
    %mul3A_497 = vector.broadcast %squeeze3A_496 : f32 to vector<8x128xf32>
    %mul3A_498 = arith.mulf %convert_element_type3A_494, %mul3A_497 : vector<8x128xf32>
    %add3A_499 = arith.addf %add3A_489, %mul3A_498 : vector<8x128xf32>
    %eq3A_500 = arith.constant 50 : i32
    %eq3A_501 = vector.broadcast %eq3A_500 : i32 to vector<8x128xi32>
    %eq3A_502 = arith.cmpi eq, %get3A_1, %eq3A_501 : vector<8x128xi32>
    %convert_element_type3A_503 = arith.extui %eq3A_502 : vector<8x128xi1> to vector<8x128xi32>
    %convert_element_type3A_504 = arith.sitofp %convert_element_type3A_503 : vector<8x128xi32> to vector<8x128xf32>
    %slice3A_505 = vector.extract_strided_slice %get3A_4 {offsets = [0, 50], sizes = [1, 1], strides = [1, 1]} : vector<1x128xf32> to vector<1x1xf32>
    %squeeze3A_506 = vector.extract %slice3A_505[0, 0] : f32 from vector<1x1xf32>
    %mul3A_507 = vector.broadcast %squeeze3A_506 : f32 to vector<8x128xf32>
    %mul3A_508 = arith.mulf %convert_element_type3A_504, %mul3A_507 : vector<8x128xf32>
    %add3A_509 = arith.addf %add3A_499, %mul3A_508 : vector<8x128xf32>
    %eq3A_510 = arith.constant 51 : i32
    %eq3A_511 = vector.broadcast %eq3A_510 : i32 to vector<8x128xi32>
    %eq3A_512 = arith.cmpi eq, %get3A_1, %eq3A_511 : vector<8x128xi32>
    %convert_element_type3A_513 = arith.extui %eq3A_512 : vector<8x128xi1> to vector<8x128xi32>
    %convert_element_type3A_514 = arith.sitofp %convert_element_type3A_513 : vector<8x128xi32> to vector<8x128xf32>
    %slice3A_515 = vector.extract_strided_slice %get3A_4 {offsets = [0, 51], sizes = [1, 1], strides = [1, 1]} : vector<1x128xf32> to vector<1x1xf32>
    %squeeze3A_516 = vector.extract %slice3A_515[0, 0] : f32 from vector<1x1xf32>
    %mul3A_517 = vector.broadcast %squeeze3A_516 : f32 to vector<8x128xf32>
    %mul3A_518 = arith.mulf %convert_element_type3A_514, %mul3A_517 : vector<8x128xf32>
    %add3A_519 = arith.addf %add3A_509, %mul3A_518 : vector<8x128xf32>
    %eq3A_520 = arith.constant 52 : i32
    %eq3A_521 = vector.broadcast %eq3A_520 : i32 to vector<8x128xi32>
    %eq3A_522 = arith.cmpi eq, %get3A_1, %eq3A_521 : vector<8x128xi32>
    %convert_element_type3A_523 = arith.extui %eq3A_522 : vector<8x128xi1> to vector<8x128xi32>
    %convert_element_type3A_524 = arith.sitofp %convert_element_type3A_523 : vector<8x128xi32> to vector<8x128xf32>
    %slice3A_525 = vector.extract_strided_slice %get3A_4 {offsets = [0, 52], sizes = [1, 1], strides = [1, 1]} : vector<1x128xf32> to vector<1x1xf32>
    %squeeze3A_526 = vector.extract %slice3A_525[0, 0] : f32 from vector<1x1xf32>
    %mul3A_527 = vector.broadcast %squeeze3A_526 : f32 to vector<8x128xf32>
    %mul3A_528 = arith.mulf %convert_element_type3A_524, %mul3A_527 : vector<8x128xf32>
    %add3A_529 = arith.addf %add3A_519, %mul3A_528 : vector<8x128xf32>
    %eq3A_530 = arith.constant 53 : i32
    %eq3A_531 = vector.broadcast %eq3A_530 : i32 to vector<8x128xi32>
    %eq3A_532 = arith.cmpi eq, %get3A_1, %eq3A_531 : vector<8x128xi32>
    %convert_element_type3A_533 = arith.extui %eq3A_532 : vector<8x128xi1> to vector<8x128xi32>
    %convert_element_type3A_534 = arith.sitofp %convert_element_type3A_533 : vector<8x128xi32> to vector<8x128xf32>
    %slice3A_535 = vector.extract_strided_slice %get3A_4 {offsets = [0, 53], sizes = [1, 1], strides = [1, 1]} : vector<1x128xf32> to vector<1x1xf32>
    %squeeze3A_536 = vector.extract %slice3A_535[0, 0] : f32 from vector<1x1xf32>
    %mul3A_537 = vector.broadcast %squeeze3A_536 : f32 to vector<8x128xf32>
    %mul3A_538 = arith.mulf %convert_element_type3A_534, %mul3A_537 : vector<8x128xf32>
    %add3A_539 = arith.addf %add3A_529, %mul3A_538 : vector<8x128xf32>
    %eq3A_540 = arith.constant 54 : i32
    %eq3A_541 = vector.broadcast %eq3A_540 : i32 to vector<8x128xi32>
    %eq3A_542 = arith.cmpi eq, %get3A_1, %eq3A_541 : vector<8x128xi32>
    %convert_element_type3A_543 = arith.extui %eq3A_542 : vector<8x128xi1> to vector<8x128xi32>
    %convert_element_type3A_544 = arith.sitofp %convert_element_type3A_543 : vector<8x128xi32> to vector<8x128xf32>
    %slice3A_545 = vector.extract_strided_slice %get3A_4 {offsets = [0, 54], sizes = [1, 1], strides = [1, 1]} : vector<1x128xf32> to vector<1x1xf32>
    %squeeze3A_546 = vector.extract %slice3A_545[0, 0] : f32 from vector<1x1xf32>
    %mul3A_547 = vector.broadcast %squeeze3A_546 : f32 to vector<8x128xf32>
    %mul3A_548 = arith.mulf %convert_element_type3A_544, %mul3A_547 : vector<8x128xf32>
    %add3A_549 = arith.addf %add3A_539, %mul3A_548 : vector<8x128xf32>
    %eq3A_550 = arith.constant 55 : i32
    %eq3A_551 = vector.broadcast %eq3A_550 : i32 to vector<8x128xi32>
    %eq3A_552 = arith.cmpi eq, %get3A_1, %eq3A_551 : vector<8x128xi32>
    %convert_element_type3A_553 = arith.extui %eq3A_552 : vector<8x128xi1> to vector<8x128xi32>
    %convert_element_type3A_554 = arith.sitofp %convert_element_type3A_553 : vector<8x128xi32> to vector<8x128xf32>
    %slice3A_555 = vector.extract_strided_slice %get3A_4 {offsets = [0, 55], sizes = [1, 1], strides = [1, 1]} : vector<1x128xf32> to vector<1x1xf32>
    %squeeze3A_556 = vector.extract %slice3A_555[0, 0] : f32 from vector<1x1xf32>
    %mul3A_557 = vector.broadcast %squeeze3A_556 : f32 to vector<8x128xf32>
    %mul3A_558 = arith.mulf %convert_element_type3A_554, %mul3A_557 : vector<8x128xf32>
    %add3A_559 = arith.addf %add3A_549, %mul3A_558 : vector<8x128xf32>
    %eq3A_560 = arith.constant 56 : i32
    %eq3A_561 = vector.broadcast %eq3A_560 : i32 to vector<8x128xi32>
    %eq3A_562 = arith.cmpi eq, %get3A_1, %eq3A_561 : vector<8x128xi32>
    %convert_element_type3A_563 = arith.extui %eq3A_562 : vector<8x128xi1> to vector<8x128xi32>
    %convert_element_type3A_564 = arith.sitofp %convert_element_type3A_563 : vector<8x128xi32> to vector<8x128xf32>
    %slice3A_565 = vector.extract_strided_slice %get3A_4 {offsets = [0, 56], sizes = [1, 1], strides = [1, 1]} : vector<1x128xf32> to vector<1x1xf32>
    %squeeze3A_566 = vector.extract %slice3A_565[0, 0] : f32 from vector<1x1xf32>
    %mul3A_567 = vector.broadcast %squeeze3A_566 : f32 to vector<8x128xf32>
    %mul3A_568 = arith.mulf %convert_element_type3A_564, %mul3A_567 : vector<8x128xf32>
    %add3A_569 = arith.addf %add3A_559, %mul3A_568 : vector<8x128xf32>
    %eq3A_570 = arith.constant 57 : i32
    %eq3A_571 = vector.broadcast %eq3A_570 : i32 to vector<8x128xi32>
    %eq3A_572 = arith.cmpi eq, %get3A_1, %eq3A_571 : vector<8x128xi32>
    %convert_element_type3A_573 = arith.extui %eq3A_572 : vector<8x128xi1> to vector<8x128xi32>
    %convert_element_type3A_574 = arith.sitofp %convert_element_type3A_573 : vector<8x128xi32> to vector<8x128xf32>
    %slice3A_575 = vector.extract_strided_slice %get3A_4 {offsets = [0, 57], sizes = [1, 1], strides = [1, 1]} : vector<1x128xf32> to vector<1x1xf32>
    %squeeze3A_576 = vector.extract %slice3A_575[0, 0] : f32 from vector<1x1xf32>
    %mul3A_577 = vector.broadcast %squeeze3A_576 : f32 to vector<8x128xf32>
    %mul3A_578 = arith.mulf %convert_element_type3A_574, %mul3A_577 : vector<8x128xf32>
    %add3A_579 = arith.addf %add3A_569, %mul3A_578 : vector<8x128xf32>
    %eq3A_580 = arith.constant 58 : i32
    %eq3A_581 = vector.broadcast %eq3A_580 : i32 to vector<8x128xi32>
    %eq3A_582 = arith.cmpi eq, %get3A_1, %eq3A_581 : vector<8x128xi32>
    %convert_element_type3A_583 = arith.extui %eq3A_582 : vector<8x128xi1> to vector<8x128xi32>
    %convert_element_type3A_584 = arith.sitofp %convert_element_type3A_583 : vector<8x128xi32> to vector<8x128xf32>
    %slice3A_585 = vector.extract_strided_slice %get3A_4 {offsets = [0, 58], sizes = [1, 1], strides = [1, 1]} : vector<1x128xf32> to vector<1x1xf32>
    %squeeze3A_586 = vector.extract %slice3A_585[0, 0] : f32 from vector<1x1xf32>
    %mul3A_587 = vector.broadcast %squeeze3A_586 : f32 to vector<8x128xf32>
    %mul3A_588 = arith.mulf %convert_element_type3A_584, %mul3A_587 : vector<8x128xf32>
    %add3A_589 = arith.addf %add3A_579, %mul3A_588 : vector<8x128xf32>
    %eq3A_590 = arith.constant 59 : i32
    %eq3A_591 = vector.broadcast %eq3A_590 : i32 to vector<8x128xi32>
    %eq3A_592 = arith.cmpi eq, %get3A_1, %eq3A_591 : vector<8x128xi32>
    %convert_element_type3A_593 = arith.extui %eq3A_592 : vector<8x128xi1> to vector<8x128xi32>
    %convert_element_type3A_594 = arith.sitofp %convert_element_type3A_593 : vector<8x128xi32> to vector<8x128xf32>
    %slice3A_595 = vector.extract_strided_slice %get3A_4 {offsets = [0, 59], sizes = [1, 1], strides = [1, 1]} : vector<1x128xf32> to vector<1x1xf32>
    %squeeze3A_596 = vector.extract %slice3A_595[0, 0] : f32 from vector<1x1xf32>
    %mul3A_597 = vector.broadcast %squeeze3A_596 : f32 to vector<8x128xf32>
    %mul3A_598 = arith.mulf %convert_element_type3A_594, %mul3A_597 : vector<8x128xf32>
    %add3A_599 = arith.addf %add3A_589, %mul3A_598 : vector<8x128xf32>
    %eq3A_600 = arith.constant 60 : i32
    %eq3A_601 = vector.broadcast %eq3A_600 : i32 to vector<8x128xi32>
    %eq3A_602 = arith.cmpi eq, %get3A_1, %eq3A_601 : vector<8x128xi32>
    %convert_element_type3A_603 = arith.extui %eq3A_602 : vector<8x128xi1> to vector<8x128xi32>
    %convert_element_type3A_604 = arith.sitofp %convert_element_type3A_603 : vector<8x128xi32> to vector<8x128xf32>
    %slice3A_605 = vector.extract_strided_slice %get3A_4 {offsets = [0, 60], sizes = [1, 1], strides = [1, 1]} : vector<1x128xf32> to vector<1x1xf32>
    %squeeze3A_606 = vector.extract %slice3A_605[0, 0] : f32 from vector<1x1xf32>
    %mul3A_607 = vector.broadcast %squeeze3A_606 : f32 to vector<8x128xf32>
    %mul3A_608 = arith.mulf %convert_element_type3A_604, %mul3A_607 : vector<8x128xf32>
    %add3A_609 = arith.addf %add3A_599, %mul3A_608 : vector<8x128xf32>
    %eq3A_610 = arith.constant 61 : i32
    %eq3A_611 = vector.broadcast %eq3A_610 : i32 to vector<8x128xi32>
    %eq3A_612 = arith.cmpi eq, %get3A_1, %eq3A_611 : vector<8x128xi32>
    %convert_element_type3A_613 = arith.extui %eq3A_612 : vector<8x128xi1> to vector<8x128xi32>
    %convert_element_type3A_614 = arith.sitofp %convert_element_type3A_613 : vector<8x128xi32> to vector<8x128xf32>
    %slice3A_615 = vector.extract_strided_slice %get3A_4 {offsets = [0, 61], sizes = [1, 1], strides = [1, 1]} : vector<1x128xf32> to vector<1x1xf32>
    %squeeze3A_616 = vector.extract %slice3A_615[0, 0] : f32 from vector<1x1xf32>
    %mul3A_617 = vector.broadcast %squeeze3A_616 : f32 to vector<8x128xf32>
    %mul3A_618 = arith.mulf %convert_element_type3A_614, %mul3A_617 : vector<8x128xf32>
    %add3A_619 = arith.addf %add3A_609, %mul3A_618 : vector<8x128xf32>
    %eq3A_620 = arith.constant 62 : i32
    %eq3A_621 = vector.broadcast %eq3A_620 : i32 to vector<8x128xi32>
    %eq3A_622 = arith.cmpi eq, %get3A_1, %eq3A_621 : vector<8x128xi32>
    %convert_element_type3A_623 = arith.extui %eq3A_622 : vector<8x128xi1> to vector<8x128xi32>
    %convert_element_type3A_624 = arith.sitofp %convert_element_type3A_623 : vector<8x128xi32> to vector<8x128xf32>
    %slice3A_625 = vector.extract_strided_slice %get3A_4 {offsets = [0, 62], sizes = [1, 1], strides = [1, 1]} : vector<1x128xf32> to vector<1x1xf32>
    %squeeze3A_626 = vector.extract %slice3A_625[0, 0] : f32 from vector<1x1xf32>
    %mul3A_627 = vector.broadcast %squeeze3A_626 : f32 to vector<8x128xf32>
    %mul3A_628 = arith.mulf %convert_element_type3A_624, %mul3A_627 : vector<8x128xf32>
    %add3A_629 = arith.addf %add3A_619, %mul3A_628 : vector<8x128xf32>
    %eq3A_630 = arith.constant 63 : i32
    %eq3A_631 = vector.broadcast %eq3A_630 : i32 to vector<8x128xi32>
    %eq3A_632 = arith.cmpi eq, %get3A_1, %eq3A_631 : vector<8x128xi32>
    %convert_element_type3A_633 = arith.extui %eq3A_632 : vector<8x128xi1> to vector<8x128xi32>
    %convert_element_type3A_634 = arith.sitofp %convert_element_type3A_633 : vector<8x128xi32> to vector<8x128xf32>
    %slice3A_635 = vector.extract_strided_slice %get3A_4 {offsets = [0, 63], sizes = [1, 1], strides = [1, 1]} : vector<1x128xf32> to vector<1x1xf32>
    %squeeze3A_636 = vector.extract %slice3A_635[0, 0] : f32 from vector<1x1xf32>
    %mul3A_637 = vector.broadcast %squeeze3A_636 : f32 to vector<8x128xf32>
    %mul3A_638 = arith.mulf %convert_element_type3A_634, %mul3A_637 : vector<8x128xf32>
    %add3A_639 = arith.addf %add3A_629, %mul3A_638 : vector<8x128xf32>
    %eq3A_640 = arith.constant 64 : i32
    %eq3A_641 = vector.broadcast %eq3A_640 : i32 to vector<8x128xi32>
    %eq3A_642 = arith.cmpi eq, %get3A_1, %eq3A_641 : vector<8x128xi32>
    %convert_element_type3A_643 = arith.extui %eq3A_642 : vector<8x128xi1> to vector<8x128xi32>
    %convert_element_type3A_644 = arith.sitofp %convert_element_type3A_643 : vector<8x128xi32> to vector<8x128xf32>
    %slice3A_645 = vector.extract_strided_slice %get3A_4 {offsets = [0, 64], sizes = [1, 1], strides = [1, 1]} : vector<1x128xf32> to vector<1x1xf32>
    %squeeze3A_646 = vector.extract %slice3A_645[0, 0] : f32 from vector<1x1xf32>
    %mul3A_647 = vector.broadcast %squeeze3A_646 : f32 to vector<8x128xf32>
    %mul3A_648 = arith.mulf %convert_element_type3A_644, %mul3A_647 : vector<8x128xf32>
    %add3A_649 = arith.addf %add3A_639, %mul3A_648 : vector<8x128xf32>
    %eq3A_650 = arith.constant 65 : i32
    %eq3A_651 = vector.broadcast %eq3A_650 : i32 to vector<8x128xi32>
    %eq3A_652 = arith.cmpi eq, %get3A_1, %eq3A_651 : vector<8x128xi32>
    %convert_element_type3A_653 = arith.extui %eq3A_652 : vector<8x128xi1> to vector<8x128xi32>
    %convert_element_type3A_654 = arith.sitofp %convert_element_type3A_653 : vector<8x128xi32> to vector<8x128xf32>
    %slice3A_655 = vector.extract_strided_slice %get3A_4 {offsets = [0, 65], sizes = [1, 1], strides = [1, 1]} : vector<1x128xf32> to vector<1x1xf32>
    %squeeze3A_656 = vector.extract %slice3A_655[0, 0] : f32 from vector<1x1xf32>
    %mul3A_657 = vector.broadcast %squeeze3A_656 : f32 to vector<8x128xf32>
    %mul3A_658 = arith.mulf %convert_element_type3A_654, %mul3A_657 : vector<8x128xf32>
    %add3A_659 = arith.addf %add3A_649, %mul3A_658 : vector<8x128xf32>
    %eq3A_660 = arith.constant 66 : i32
    %eq3A_661 = vector.broadcast %eq3A_660 : i32 to vector<8x128xi32>
    %eq3A_662 = arith.cmpi eq, %get3A_1, %eq3A_661 : vector<8x128xi32>
    %convert_element_type3A_663 = arith.extui %eq3A_662 : vector<8x128xi1> to vector<8x128xi32>
    %convert_element_type3A_664 = arith.sitofp %convert_element_type3A_663 : vector<8x128xi32> to vector<8x128xf32>
    %slice3A_665 = vector.extract_strided_slice %get3A_4 {offsets = [0, 66], sizes = [1, 1], strides = [1, 1]} : vector<1x128xf32> to vector<1x1xf32>
    %squeeze3A_666 = vector.extract %slice3A_665[0, 0] : f32 from vector<1x1xf32>
    %mul3A_667 = vector.broadcast %squeeze3A_666 : f32 to vector<8x128xf32>
    %mul3A_668 = arith.mulf %convert_element_type3A_664, %mul3A_667 : vector<8x128xf32>
    %add3A_669 = arith.addf %add3A_659, %mul3A_668 : vector<8x128xf32>
    %eq3A_670 = arith.constant 67 : i32
    %eq3A_671 = vector.broadcast %eq3A_670 : i32 to vector<8x128xi32>
    %eq3A_672 = arith.cmpi eq, %get3A_1, %eq3A_671 : vector<8x128xi32>
    %convert_element_type3A_673 = arith.extui %eq3A_672 : vector<8x128xi1> to vector<8x128xi32>
    %convert_element_type3A_674 = arith.sitofp %convert_element_type3A_673 : vector<8x128xi32> to vector<8x128xf32>
    %slice3A_675 = vector.extract_strided_slice %get3A_4 {offsets = [0, 67], sizes = [1, 1], strides = [1, 1]} : vector<1x128xf32> to vector<1x1xf32>
    %squeeze3A_676 = vector.extract %slice3A_675[0, 0] : f32 from vector<1x1xf32>
    %mul3A_677 = vector.broadcast %squeeze3A_676 : f32 to vector<8x128xf32>
    %mul3A_678 = arith.mulf %convert_element_type3A_674, %mul3A_677 : vector<8x128xf32>
    %add3A_679 = arith.addf %add3A_669, %mul3A_678 : vector<8x128xf32>
    %eq3A_680 = arith.constant 68 : i32
    %eq3A_681 = vector.broadcast %eq3A_680 : i32 to vector<8x128xi32>
    %eq3A_682 = arith.cmpi eq, %get3A_1, %eq3A_681 : vector<8x128xi32>
    %convert_element_type3A_683 = arith.extui %eq3A_682 : vector<8x128xi1> to vector<8x128xi32>
    %convert_element_type3A_684 = arith.sitofp %convert_element_type3A_683 : vector<8x128xi32> to vector<8x128xf32>
    %slice3A_685 = vector.extract_strided_slice %get3A_4 {offsets = [0, 68], sizes = [1, 1], strides = [1, 1]} : vector<1x128xf32> to vector<1x1xf32>
    %squeeze3A_686 = vector.extract %slice3A_685[0, 0] : f32 from vector<1x1xf32>
    %mul3A_687 = vector.broadcast %squeeze3A_686 : f32 to vector<8x128xf32>
    %mul3A_688 = arith.mulf %convert_element_type3A_684, %mul3A_687 : vector<8x128xf32>
    %add3A_689 = arith.addf %add3A_679, %mul3A_688 : vector<8x128xf32>
    %eq3A_690 = arith.constant 69 : i32
    %eq3A_691 = vector.broadcast %eq3A_690 : i32 to vector<8x128xi32>
    %eq3A_692 = arith.cmpi eq, %get3A_1, %eq3A_691 : vector<8x128xi32>
    %convert_element_type3A_693 = arith.extui %eq3A_692 : vector<8x128xi1> to vector<8x128xi32>
    %convert_element_type3A_694 = arith.sitofp %convert_element_type3A_693 : vector<8x128xi32> to vector<8x128xf32>
    %slice3A_695 = vector.extract_strided_slice %get3A_4 {offsets = [0, 69], sizes = [1, 1], strides = [1, 1]} : vector<1x128xf32> to vector<1x1xf32>
    %squeeze3A_696 = vector.extract %slice3A_695[0, 0] : f32 from vector<1x1xf32>
    %mul3A_697 = vector.broadcast %squeeze3A_696 : f32 to vector<8x128xf32>
    %mul3A_698 = arith.mulf %convert_element_type3A_694, %mul3A_697 : vector<8x128xf32>
    %add3A_699 = arith.addf %add3A_689, %mul3A_698 : vector<8x128xf32>
    %eq3A_700 = arith.constant 70 : i32
    %eq3A_701 = vector.broadcast %eq3A_700 : i32 to vector<8x128xi32>
    %eq3A_702 = arith.cmpi eq, %get3A_1, %eq3A_701 : vector<8x128xi32>
    %convert_element_type3A_703 = arith.extui %eq3A_702 : vector<8x128xi1> to vector<8x128xi32>
    %convert_element_type3A_704 = arith.sitofp %convert_element_type3A_703 : vector<8x128xi32> to vector<8x128xf32>
    %slice3A_705 = vector.extract_strided_slice %get3A_4 {offsets = [0, 70], sizes = [1, 1], strides = [1, 1]} : vector<1x128xf32> to vector<1x1xf32>
    %squeeze3A_706 = vector.extract %slice3A_705[0, 0] : f32 from vector<1x1xf32>
    %mul3A_707 = vector.broadcast %squeeze3A_706 : f32 to vector<8x128xf32>
    %mul3A_708 = arith.mulf %convert_element_type3A_704, %mul3A_707 : vector<8x128xf32>
    %add3A_709 = arith.addf %add3A_699, %mul3A_708 : vector<8x128xf32>
    %eq3A_710 = arith.constant 71 : i32
    %eq3A_711 = vector.broadcast %eq3A_710 : i32 to vector<8x128xi32>
    %eq3A_712 = arith.cmpi eq, %get3A_1, %eq3A_711 : vector<8x128xi32>
    %convert_element_type3A_713 = arith.extui %eq3A_712 : vector<8x128xi1> to vector<8x128xi32>
    %convert_element_type3A_714 = arith.sitofp %convert_element_type3A_713 : vector<8x128xi32> to vector<8x128xf32>
    %slice3A_715 = vector.extract_strided_slice %get3A_4 {offsets = [0, 71], sizes = [1, 1], strides = [1, 1]} : vector<1x128xf32> to vector<1x1xf32>
    %squeeze3A_716 = vector.extract %slice3A_715[0, 0] : f32 from vector<1x1xf32>
    %mul3A_717 = vector.broadcast %squeeze3A_716 : f32 to vector<8x128xf32>
    %mul3A_718 = arith.mulf %convert_element_type3A_714, %mul3A_717 : vector<8x128xf32>
    %add3A_719 = arith.addf %add3A_709, %mul3A_718 : vector<8x128xf32>
    %eq3A_720 = arith.constant 72 : i32
    %eq3A_721 = vector.broadcast %eq3A_720 : i32 to vector<8x128xi32>
    %eq3A_722 = arith.cmpi eq, %get3A_1, %eq3A_721 : vector<8x128xi32>
    %convert_element_type3A_723 = arith.extui %eq3A_722 : vector<8x128xi1> to vector<8x128xi32>
    %convert_element_type3A_724 = arith.sitofp %convert_element_type3A_723 : vector<8x128xi32> to vector<8x128xf32>
    %slice3A_725 = vector.extract_strided_slice %get3A_4 {offsets = [0, 72], sizes = [1, 1], strides = [1, 1]} : vector<1x128xf32> to vector<1x1xf32>
    %squeeze3A_726 = vector.extract %slice3A_725[0, 0] : f32 from vector<1x1xf32>
    %mul3A_727 = vector.broadcast %squeeze3A_726 : f32 to vector<8x128xf32>
    %mul3A_728 = arith.mulf %convert_element_type3A_724, %mul3A_727 : vector<8x128xf32>
    %add3A_729 = arith.addf %add3A_719, %mul3A_728 : vector<8x128xf32>
    %eq3A_730 = arith.constant 73 : i32
    %eq3A_731 = vector.broadcast %eq3A_730 : i32 to vector<8x128xi32>
    %eq3A_732 = arith.cmpi eq, %get3A_1, %eq3A_731 : vector<8x128xi32>
    %convert_element_type3A_733 = arith.extui %eq3A_732 : vector<8x128xi1> to vector<8x128xi32>
    %convert_element_type3A_734 = arith.sitofp %convert_element_type3A_733 : vector<8x128xi32> to vector<8x128xf32>
    %slice3A_735 = vector.extract_strided_slice %get3A_4 {offsets = [0, 73], sizes = [1, 1], strides = [1, 1]} : vector<1x128xf32> to vector<1x1xf32>
    %squeeze3A_736 = vector.extract %slice3A_735[0, 0] : f32 from vector<1x1xf32>
    %mul3A_737 = vector.broadcast %squeeze3A_736 : f32 to vector<8x128xf32>
    %mul3A_738 = arith.mulf %convert_element_type3A_734, %mul3A_737 : vector<8x128xf32>
    %add3A_739 = arith.addf %add3A_729, %mul3A_738 : vector<8x128xf32>
    %eq3A_740 = arith.constant 74 : i32
    %eq3A_741 = vector.broadcast %eq3A_740 : i32 to vector<8x128xi32>
    %eq3A_742 = arith.cmpi eq, %get3A_1, %eq3A_741 : vector<8x128xi32>
    %convert_element_type3A_743 = arith.extui %eq3A_742 : vector<8x128xi1> to vector<8x128xi32>
    %convert_element_type3A_744 = arith.sitofp %convert_element_type3A_743 : vector<8x128xi32> to vector<8x128xf32>
    %slice3A_745 = vector.extract_strided_slice %get3A_4 {offsets = [0, 74], sizes = [1, 1], strides = [1, 1]} : vector<1x128xf32> to vector<1x1xf32>
    %squeeze3A_746 = vector.extract %slice3A_745[0, 0] : f32 from vector<1x1xf32>
    %mul3A_747 = vector.broadcast %squeeze3A_746 : f32 to vector<8x128xf32>
    %mul3A_748 = arith.mulf %convert_element_type3A_744, %mul3A_747 : vector<8x128xf32>
    %add3A_749 = arith.addf %add3A_739, %mul3A_748 : vector<8x128xf32>
    %eq3A_750 = arith.constant 75 : i32
    %eq3A_751 = vector.broadcast %eq3A_750 : i32 to vector<8x128xi32>
    %eq3A_752 = arith.cmpi eq, %get3A_1, %eq3A_751 : vector<8x128xi32>
    %convert_element_type3A_753 = arith.extui %eq3A_752 : vector<8x128xi1> to vector<8x128xi32>
    %convert_element_type3A_754 = arith.sitofp %convert_element_type3A_753 : vector<8x128xi32> to vector<8x128xf32>
    %slice3A_755 = vector.extract_strided_slice %get3A_4 {offsets = [0, 75], sizes = [1, 1], strides = [1, 1]} : vector<1x128xf32> to vector<1x1xf32>
    %squeeze3A_756 = vector.extract %slice3A_755[0, 0] : f32 from vector<1x1xf32>
    %mul3A_757 = vector.broadcast %squeeze3A_756 : f32 to vector<8x128xf32>
    %mul3A_758 = arith.mulf %convert_element_type3A_754, %mul3A_757 : vector<8x128xf32>
    %add3A_759 = arith.addf %add3A_749, %mul3A_758 : vector<8x128xf32>
    %eq3A_760 = arith.constant 76 : i32
    %eq3A_761 = vector.broadcast %eq3A_760 : i32 to vector<8x128xi32>
    %eq3A_762 = arith.cmpi eq, %get3A_1, %eq3A_761 : vector<8x128xi32>
    %convert_element_type3A_763 = arith.extui %eq3A_762 : vector<8x128xi1> to vector<8x128xi32>
    %convert_element_type3A_764 = arith.sitofp %convert_element_type3A_763 : vector<8x128xi32> to vector<8x128xf32>
    %slice3A_765 = vector.extract_strided_slice %get3A_4 {offsets = [0, 76], sizes = [1, 1], strides = [1, 1]} : vector<1x128xf32> to vector<1x1xf32>
    %squeeze3A_766 = vector.extract %slice3A_765[0, 0] : f32 from vector<1x1xf32>
    %mul3A_767 = vector.broadcast %squeeze3A_766 : f32 to vector<8x128xf32>
    %mul3A_768 = arith.mulf %convert_element_type3A_764, %mul3A_767 : vector<8x128xf32>
    %add3A_769 = arith.addf %add3A_759, %mul3A_768 : vector<8x128xf32>
    %eq3A_770 = arith.constant 77 : i32
    %eq3A_771 = vector.broadcast %eq3A_770 : i32 to vector<8x128xi32>
    %eq3A_772 = arith.cmpi eq, %get3A_1, %eq3A_771 : vector<8x128xi32>
    %convert_element_type3A_773 = arith.extui %eq3A_772 : vector<8x128xi1> to vector<8x128xi32>
    %convert_element_type3A_774 = arith.sitofp %convert_element_type3A_773 : vector<8x128xi32> to vector<8x128xf32>
    %slice3A_775 = vector.extract_strided_slice %get3A_4 {offsets = [0, 77], sizes = [1, 1], strides = [1, 1]} : vector<1x128xf32> to vector<1x1xf32>
    %squeeze3A_776 = vector.extract %slice3A_775[0, 0] : f32 from vector<1x1xf32>
    %mul3A_777 = vector.broadcast %squeeze3A_776 : f32 to vector<8x128xf32>
    %mul3A_778 = arith.mulf %convert_element_type3A_774, %mul3A_777 : vector<8x128xf32>
    %add3A_779 = arith.addf %add3A_769, %mul3A_778 : vector<8x128xf32>
    %eq3A_780 = arith.constant 78 : i32
    %eq3A_781 = vector.broadcast %eq3A_780 : i32 to vector<8x128xi32>
    %eq3A_782 = arith.cmpi eq, %get3A_1, %eq3A_781 : vector<8x128xi32>
    %convert_element_type3A_783 = arith.extui %eq3A_782 : vector<8x128xi1> to vector<8x128xi32>
    %convert_element_type3A_784 = arith.sitofp %convert_element_type3A_783 : vector<8x128xi32> to vector<8x128xf32>
    %slice3A_785 = vector.extract_strided_slice %get3A_4 {offsets = [0, 78], sizes = [1, 1], strides = [1, 1]} : vector<1x128xf32> to vector<1x1xf32>
    %squeeze3A_786 = vector.extract %slice3A_785[0, 0] : f32 from vector<1x1xf32>
    %mul3A_787 = vector.broadcast %squeeze3A_786 : f32 to vector<8x128xf32>
    %mul3A_788 = arith.mulf %convert_element_type3A_784, %mul3A_787 : vector<8x128xf32>
    %add3A_789 = arith.addf %add3A_779, %mul3A_788 : vector<8x128xf32>
    %eq3A_790 = arith.constant 79 : i32
    %eq3A_791 = vector.broadcast %eq3A_790 : i32 to vector<8x128xi32>
    %eq3A_792 = arith.cmpi eq, %get3A_1, %eq3A_791 : vector<8x128xi32>
    %convert_element_type3A_793 = arith.extui %eq3A_792 : vector<8x128xi1> to vector<8x128xi32>
    %convert_element_type3A_794 = arith.sitofp %convert_element_type3A_793 : vector<8x128xi32> to vector<8x128xf32>
    %slice3A_795 = vector.extract_strided_slice %get3A_4 {offsets = [0, 79], sizes = [1, 1], strides = [1, 1]} : vector<1x128xf32> to vector<1x1xf32>
    %squeeze3A_796 = vector.extract %slice3A_795[0, 0] : f32 from vector<1x1xf32>
    %mul3A_797 = vector.broadcast %squeeze3A_796 : f32 to vector<8x128xf32>
    %mul3A_798 = arith.mulf %convert_element_type3A_794, %mul3A_797 : vector<8x128xf32>
    %add3A_799 = arith.addf %add3A_789, %mul3A_798 : vector<8x128xf32>
    %eq3A_800 = arith.constant 80 : i32
    %eq3A_801 = vector.broadcast %eq3A_800 : i32 to vector<8x128xi32>
    %eq3A_802 = arith.cmpi eq, %get3A_1, %eq3A_801 : vector<8x128xi32>
    %convert_element_type3A_803 = arith.extui %eq3A_802 : vector<8x128xi1> to vector<8x128xi32>
    %convert_element_type3A_804 = arith.sitofp %convert_element_type3A_803 : vector<8x128xi32> to vector<8x128xf32>
    %slice3A_805 = vector.extract_strided_slice %get3A_4 {offsets = [0, 80], sizes = [1, 1], strides = [1, 1]} : vector<1x128xf32> to vector<1x1xf32>
    %squeeze3A_806 = vector.extract %slice3A_805[0, 0] : f32 from vector<1x1xf32>
    %mul3A_807 = vector.broadcast %squeeze3A_806 : f32 to vector<8x128xf32>
    %mul3A_808 = arith.mulf %convert_element_type3A_804, %mul3A_807 : vector<8x128xf32>
    %add3A_809 = arith.addf %add3A_799, %mul3A_808 : vector<8x128xf32>
    %eq3A_810 = arith.constant 81 : i32
    %eq3A_811 = vector.broadcast %eq3A_810 : i32 to vector<8x128xi32>
    %eq3A_812 = arith.cmpi eq, %get3A_1, %eq3A_811 : vector<8x128xi32>
    %convert_element_type3A_813 = arith.extui %eq3A_812 : vector<8x128xi1> to vector<8x128xi32>
    %convert_element_type3A_814 = arith.sitofp %convert_element_type3A_813 : vector<8x128xi32> to vector<8x128xf32>
    %slice3A_815 = vector.extract_strided_slice %get3A_4 {offsets = [0, 81], sizes = [1, 1], strides = [1, 1]} : vector<1x128xf32> to vector<1x1xf32>
    %squeeze3A_816 = vector.extract %slice3A_815[0, 0] : f32 from vector<1x1xf32>
    %mul3A_817 = vector.broadcast %squeeze3A_816 : f32 to vector<8x128xf32>
    %mul3A_818 = arith.mulf %convert_element_type3A_814, %mul3A_817 : vector<8x128xf32>
    %add3A_819 = arith.addf %add3A_809, %mul3A_818 : vector<8x128xf32>
    %eq3A_820 = arith.constant 82 : i32
    %eq3A_821 = vector.broadcast %eq3A_820 : i32 to vector<8x128xi32>
    %eq3A_822 = arith.cmpi eq, %get3A_1, %eq3A_821 : vector<8x128xi32>
    %convert_element_type3A_823 = arith.extui %eq3A_822 : vector<8x128xi1> to vector<8x128xi32>
    %convert_element_type3A_824 = arith.sitofp %convert_element_type3A_823 : vector<8x128xi32> to vector<8x128xf32>
    %slice3A_825 = vector.extract_strided_slice %get3A_4 {offsets = [0, 82], sizes = [1, 1], strides = [1, 1]} : vector<1x128xf32> to vector<1x1xf32>
    %squeeze3A_826 = vector.extract %slice3A_825[0, 0] : f32 from vector<1x1xf32>
    %mul3A_827 = vector.broadcast %squeeze3A_826 : f32 to vector<8x128xf32>
    %mul3A_828 = arith.mulf %convert_element_type3A_824, %mul3A_827 : vector<8x128xf32>
    %add3A_829 = arith.addf %add3A_819, %mul3A_828 : vector<8x128xf32>
    %eq3A_830 = arith.constant 83 : i32
    %eq3A_831 = vector.broadcast %eq3A_830 : i32 to vector<8x128xi32>
    %eq3A_832 = arith.cmpi eq, %get3A_1, %eq3A_831 : vector<8x128xi32>
    %convert_element_type3A_833 = arith.extui %eq3A_832 : vector<8x128xi1> to vector<8x128xi32>
    %convert_element_type3A_834 = arith.sitofp %convert_element_type3A_833 : vector<8x128xi32> to vector<8x128xf32>
    %slice3A_835 = vector.extract_strided_slice %get3A_4 {offsets = [0, 83], sizes = [1, 1], strides = [1, 1]} : vector<1x128xf32> to vector<1x1xf32>
    %squeeze3A_836 = vector.extract %slice3A_835[0, 0] : f32 from vector<1x1xf32>
    %mul3A_837 = vector.broadcast %squeeze3A_836 : f32 to vector<8x128xf32>
    %mul3A_838 = arith.mulf %convert_element_type3A_834, %mul3A_837 : vector<8x128xf32>
    %add3A_839 = arith.addf %add3A_829, %mul3A_838 : vector<8x128xf32>
    %eq3A_840 = arith.constant 84 : i32
    %eq3A_841 = vector.broadcast %eq3A_840 : i32 to vector<8x128xi32>
    %eq3A_842 = arith.cmpi eq, %get3A_1, %eq3A_841 : vector<8x128xi32>
    %convert_element_type3A_843 = arith.extui %eq3A_842 : vector<8x128xi1> to vector<8x128xi32>
    %convert_element_type3A_844 = arith.sitofp %convert_element_type3A_843 : vector<8x128xi32> to vector<8x128xf32>
    %slice3A_845 = vector.extract_strided_slice %get3A_4 {offsets = [0, 84], sizes = [1, 1], strides = [1, 1]} : vector<1x128xf32> to vector<1x1xf32>
    %squeeze3A_846 = vector.extract %slice3A_845[0, 0] : f32 from vector<1x1xf32>
    %mul3A_847 = vector.broadcast %squeeze3A_846 : f32 to vector<8x128xf32>
    %mul3A_848 = arith.mulf %convert_element_type3A_844, %mul3A_847 : vector<8x128xf32>
    %add3A_849 = arith.addf %add3A_839, %mul3A_848 : vector<8x128xf32>
    %eq3A_850 = arith.constant 85 : i32
    %eq3A_851 = vector.broadcast %eq3A_850 : i32 to vector<8x128xi32>
    %eq3A_852 = arith.cmpi eq, %get3A_1, %eq3A_851 : vector<8x128xi32>
    %convert_element_type3A_853 = arith.extui %eq3A_852 : vector<8x128xi1> to vector<8x128xi32>
    %convert_element_type3A_854 = arith.sitofp %convert_element_type3A_853 : vector<8x128xi32> to vector<8x128xf32>
    %slice3A_855 = vector.extract_strided_slice %get3A_4 {offsets = [0, 85], sizes = [1, 1], strides = [1, 1]} : vector<1x128xf32> to vector<1x1xf32>
    %squeeze3A_856 = vector.extract %slice3A_855[0, 0] : f32 from vector<1x1xf32>
    %mul3A_857 = vector.broadcast %squeeze3A_856 : f32 to vector<8x128xf32>
    %mul3A_858 = arith.mulf %convert_element_type3A_854, %mul3A_857 : vector<8x128xf32>
    %add3A_859 = arith.addf %add3A_849, %mul3A_858 : vector<8x128xf32>
    %eq3A_860 = arith.constant 86 : i32
    %eq3A_861 = vector.broadcast %eq3A_860 : i32 to vector<8x128xi32>
    %eq3A_862 = arith.cmpi eq, %get3A_1, %eq3A_861 : vector<8x128xi32>
    %convert_element_type3A_863 = arith.extui %eq3A_862 : vector<8x128xi1> to vector<8x128xi32>
    %convert_element_type3A_864 = arith.sitofp %convert_element_type3A_863 : vector<8x128xi32> to vector<8x128xf32>
    %slice3A_865 = vector.extract_strided_slice %get3A_4 {offsets = [0, 86], sizes = [1, 1], strides = [1, 1]} : vector<1x128xf32> to vector<1x1xf32>
    %squeeze3A_866 = vector.extract %slice3A_865[0, 0] : f32 from vector<1x1xf32>
    %mul3A_867 = vector.broadcast %squeeze3A_866 : f32 to vector<8x128xf32>
    %mul3A_868 = arith.mulf %convert_element_type3A_864, %mul3A_867 : vector<8x128xf32>
    %add3A_869 = arith.addf %add3A_859, %mul3A_868 : vector<8x128xf32>
    %eq3A_870 = arith.constant 87 : i32
    %eq3A_871 = vector.broadcast %eq3A_870 : i32 to vector<8x128xi32>
    %eq3A_872 = arith.cmpi eq, %get3A_1, %eq3A_871 : vector<8x128xi32>
    %convert_element_type3A_873 = arith.extui %eq3A_872 : vector<8x128xi1> to vector<8x128xi32>
    %convert_element_type3A_874 = arith.sitofp %convert_element_type3A_873 : vector<8x128xi32> to vector<8x128xf32>
    %slice3A_875 = vector.extract_strided_slice %get3A_4 {offsets = [0, 87], sizes = [1, 1], strides = [1, 1]} : vector<1x128xf32> to vector<1x1xf32>
    %squeeze3A_876 = vector.extract %slice3A_875[0, 0] : f32 from vector<1x1xf32>
    %mul3A_877 = vector.broadcast %squeeze3A_876 : f32 to vector<8x128xf32>
    %mul3A_878 = arith.mulf %convert_element_type3A_874, %mul3A_877 : vector<8x128xf32>
    %add3A_879 = arith.addf %add3A_869, %mul3A_878 : vector<8x128xf32>
    %eq3A_880 = arith.constant 88 : i32
    %eq3A_881 = vector.broadcast %eq3A_880 : i32 to vector<8x128xi32>
    %eq3A_882 = arith.cmpi eq, %get3A_1, %eq3A_881 : vector<8x128xi32>
    %convert_element_type3A_883 = arith.extui %eq3A_882 : vector<8x128xi1> to vector<8x128xi32>
    %convert_element_type3A_884 = arith.sitofp %convert_element_type3A_883 : vector<8x128xi32> to vector<8x128xf32>
    %slice3A_885 = vector.extract_strided_slice %get3A_4 {offsets = [0, 88], sizes = [1, 1], strides = [1, 1]} : vector<1x128xf32> to vector<1x1xf32>
    %squeeze3A_886 = vector.extract %slice3A_885[0, 0] : f32 from vector<1x1xf32>
    %mul3A_887 = vector.broadcast %squeeze3A_886 : f32 to vector<8x128xf32>
    %mul3A_888 = arith.mulf %convert_element_type3A_884, %mul3A_887 : vector<8x128xf32>
    %add3A_889 = arith.addf %add3A_879, %mul3A_888 : vector<8x128xf32>
    %eq3A_890 = arith.constant 89 : i32
    %eq3A_891 = vector.broadcast %eq3A_890 : i32 to vector<8x128xi32>
    %eq3A_892 = arith.cmpi eq, %get3A_1, %eq3A_891 : vector<8x128xi32>
    %convert_element_type3A_893 = arith.extui %eq3A_892 : vector<8x128xi1> to vector<8x128xi32>
    %convert_element_type3A_894 = arith.sitofp %convert_element_type3A_893 : vector<8x128xi32> to vector<8x128xf32>
    %slice3A_895 = vector.extract_strided_slice %get3A_4 {offsets = [0, 89], sizes = [1, 1], strides = [1, 1]} : vector<1x128xf32> to vector<1x1xf32>
    %squeeze3A_896 = vector.extract %slice3A_895[0, 0] : f32 from vector<1x1xf32>
    %mul3A_897 = vector.broadcast %squeeze3A_896 : f32 to vector<8x128xf32>
    %mul3A_898 = arith.mulf %convert_element_type3A_894, %mul3A_897 : vector<8x128xf32>
    %add3A_899 = arith.addf %add3A_889, %mul3A_898 : vector<8x128xf32>
    %eq3A_900 = arith.constant 90 : i32
    %eq3A_901 = vector.broadcast %eq3A_900 : i32 to vector<8x128xi32>
    %eq3A_902 = arith.cmpi eq, %get3A_1, %eq3A_901 : vector<8x128xi32>
    %convert_element_type3A_903 = arith.extui %eq3A_902 : vector<8x128xi1> to vector<8x128xi32>
    %convert_element_type3A_904 = arith.sitofp %convert_element_type3A_903 : vector<8x128xi32> to vector<8x128xf32>
    %slice3A_905 = vector.extract_strided_slice %get3A_4 {offsets = [0, 90], sizes = [1, 1], strides = [1, 1]} : vector<1x128xf32> to vector<1x1xf32>
    %squeeze3A_906 = vector.extract %slice3A_905[0, 0] : f32 from vector<1x1xf32>
    %mul3A_907 = vector.broadcast %squeeze3A_906 : f32 to vector<8x128xf32>
    %mul3A_908 = arith.mulf %convert_element_type3A_904, %mul3A_907 : vector<8x128xf32>
    %add3A_909 = arith.addf %add3A_899, %mul3A_908 : vector<8x128xf32>
    %eq3A_910 = arith.constant 91 : i32
    %eq3A_911 = vector.broadcast %eq3A_910 : i32 to vector<8x128xi32>
    %eq3A_912 = arith.cmpi eq, %get3A_1, %eq3A_911 : vector<8x128xi32>
    %convert_element_type3A_913 = arith.extui %eq3A_912 : vector<8x128xi1> to vector<8x128xi32>
    %convert_element_type3A_914 = arith.sitofp %convert_element_type3A_913 : vector<8x128xi32> to vector<8x128xf32>
    %slice3A_915 = vector.extract_strided_slice %get3A_4 {offsets = [0, 91], sizes = [1, 1], strides = [1, 1]} : vector<1x128xf32> to vector<1x1xf32>
    %squeeze3A_916 = vector.extract %slice3A_915[0, 0] : f32 from vector<1x1xf32>
    %mul3A_917 = vector.broadcast %squeeze3A_916 : f32 to vector<8x128xf32>
    %mul3A_918 = arith.mulf %convert_element_type3A_914, %mul3A_917 : vector<8x128xf32>
    %add3A_919 = arith.addf %add3A_909, %mul3A_918 : vector<8x128xf32>
    %eq3A_920 = arith.constant 92 : i32
    %eq3A_921 = vector.broadcast %eq3A_920 : i32 to vector<8x128xi32>
    %eq3A_922 = arith.cmpi eq, %get3A_1, %eq3A_921 : vector<8x128xi32>
    %convert_element_type3A_923 = arith.extui %eq3A_922 : vector<8x128xi1> to vector<8x128xi32>
    %convert_element_type3A_924 = arith.sitofp %convert_element_type3A_923 : vector<8x128xi32> to vector<8x128xf32>
    %slice3A_925 = vector.extract_strided_slice %get3A_4 {offsets = [0, 92], sizes = [1, 1], strides = [1, 1]} : vector<1x128xf32> to vector<1x1xf32>
    %squeeze3A_926 = vector.extract %slice3A_925[0, 0] : f32 from vector<1x1xf32>
    %mul3A_927 = vector.broadcast %squeeze3A_926 : f32 to vector<8x128xf32>
    %mul3A_928 = arith.mulf %convert_element_type3A_924, %mul3A_927 : vector<8x128xf32>
    %add3A_929 = arith.addf %add3A_919, %mul3A_928 : vector<8x128xf32>
    %eq3A_930 = arith.constant 93 : i32
    %eq3A_931 = vector.broadcast %eq3A_930 : i32 to vector<8x128xi32>
    %eq3A_932 = arith.cmpi eq, %get3A_1, %eq3A_931 : vector<8x128xi32>
    %convert_element_type3A_933 = arith.extui %eq3A_932 : vector<8x128xi1> to vector<8x128xi32>
    %convert_element_type3A_934 = arith.sitofp %convert_element_type3A_933 : vector<8x128xi32> to vector<8x128xf32>
    %slice3A_935 = vector.extract_strided_slice %get3A_4 {offsets = [0, 93], sizes = [1, 1], strides = [1, 1]} : vector<1x128xf32> to vector<1x1xf32>
    %squeeze3A_936 = vector.extract %slice3A_935[0, 0] : f32 from vector<1x1xf32>
    %mul3A_937 = vector.broadcast %squeeze3A_936 : f32 to vector<8x128xf32>
    %mul3A_938 = arith.mulf %convert_element_type3A_934, %mul3A_937 : vector<8x128xf32>
    %add3A_939 = arith.addf %add3A_929, %mul3A_938 : vector<8x128xf32>
    %eq3A_940 = arith.constant 94 : i32
    %eq3A_941 = vector.broadcast %eq3A_940 : i32 to vector<8x128xi32>
    %eq3A_942 = arith.cmpi eq, %get3A_1, %eq3A_941 : vector<8x128xi32>
    %convert_element_type3A_943 = arith.extui %eq3A_942 : vector<8x128xi1> to vector<8x128xi32>
    %convert_element_type3A_944 = arith.sitofp %convert_element_type3A_943 : vector<8x128xi32> to vector<8x128xf32>
    %slice3A_945 = vector.extract_strided_slice %get3A_4 {offsets = [0, 94], sizes = [1, 1], strides = [1, 1]} : vector<1x128xf32> to vector<1x1xf32>
    %squeeze3A_946 = vector.extract %slice3A_945[0, 0] : f32 from vector<1x1xf32>
    %mul3A_947 = vector.broadcast %squeeze3A_946 : f32 to vector<8x128xf32>
    %mul3A_948 = arith.mulf %convert_element_type3A_944, %mul3A_947 : vector<8x128xf32>
    %add3A_949 = arith.addf %add3A_939, %mul3A_948 : vector<8x128xf32>
    %eq3A_950 = arith.constant 95 : i32
    %eq3A_951 = vector.broadcast %eq3A_950 : i32 to vector<8x128xi32>
    %eq3A_952 = arith.cmpi eq, %get3A_1, %eq3A_951 : vector<8x128xi32>
    %convert_element_type3A_953 = arith.extui %eq3A_952 : vector<8x128xi1> to vector<8x128xi32>
    %convert_element_type3A_954 = arith.sitofp %convert_element_type3A_953 : vector<8x128xi32> to vector<8x128xf32>
    %slice3A_955 = vector.extract_strided_slice %get3A_4 {offsets = [0, 95], sizes = [1, 1], strides = [1, 1]} : vector<1x128xf32> to vector<1x1xf32>
    %squeeze3A_956 = vector.extract %slice3A_955[0, 0] : f32 from vector<1x1xf32>
    %mul3A_957 = vector.broadcast %squeeze3A_956 : f32 to vector<8x128xf32>
    %mul3A_958 = arith.mulf %convert_element_type3A_954, %mul3A_957 : vector<8x128xf32>
    %add3A_959 = arith.addf %add3A_949, %mul3A_958 : vector<8x128xf32>
    %eq3A_960 = arith.constant 96 : i32
    %eq3A_961 = vector.broadcast %eq3A_960 : i32 to vector<8x128xi32>
    %eq3A_962 = arith.cmpi eq, %get3A_1, %eq3A_961 : vector<8x128xi32>
    %convert_element_type3A_963 = arith.extui %eq3A_962 : vector<8x128xi1> to vector<8x128xi32>
    %convert_element_type3A_964 = arith.sitofp %convert_element_type3A_963 : vector<8x128xi32> to vector<8x128xf32>
    %slice3A_965 = vector.extract_strided_slice %get3A_4 {offsets = [0, 96], sizes = [1, 1], strides = [1, 1]} : vector<1x128xf32> to vector<1x1xf32>
    %squeeze3A_966 = vector.extract %slice3A_965[0, 0] : f32 from vector<1x1xf32>
    %mul3A_967 = vector.broadcast %squeeze3A_966 : f32 to vector<8x128xf32>
    %mul3A_968 = arith.mulf %convert_element_type3A_964, %mul3A_967 : vector<8x128xf32>
    %add3A_969 = arith.addf %add3A_959, %mul3A_968 : vector<8x128xf32>
    %eq3A_970 = arith.constant 97 : i32
    %eq3A_971 = vector.broadcast %eq3A_970 : i32 to vector<8x128xi32>
    %eq3A_972 = arith.cmpi eq, %get3A_1, %eq3A_971 : vector<8x128xi32>
    %convert_element_type3A_973 = arith.extui %eq3A_972 : vector<8x128xi1> to vector<8x128xi32>
    %convert_element_type3A_974 = arith.sitofp %convert_element_type3A_973 : vector<8x128xi32> to vector<8x128xf32>
    %slice3A_975 = vector.extract_strided_slice %get3A_4 {offsets = [0, 97], sizes = [1, 1], strides = [1, 1]} : vector<1x128xf32> to vector<1x1xf32>
    %squeeze3A_976 = vector.extract %slice3A_975[0, 0] : f32 from vector<1x1xf32>
    %mul3A_977 = vector.broadcast %squeeze3A_976 : f32 to vector<8x128xf32>
    %mul3A_978 = arith.mulf %convert_element_type3A_974, %mul3A_977 : vector<8x128xf32>
    %add3A_979 = arith.addf %add3A_969, %mul3A_978 : vector<8x128xf32>
    %eq3A_980 = arith.constant 98 : i32
    %eq3A_981 = vector.broadcast %eq3A_980 : i32 to vector<8x128xi32>
    %eq3A_982 = arith.cmpi eq, %get3A_1, %eq3A_981 : vector<8x128xi32>
    %convert_element_type3A_983 = arith.extui %eq3A_982 : vector<8x128xi1> to vector<8x128xi32>
    %convert_element_type3A_984 = arith.sitofp %convert_element_type3A_983 : vector<8x128xi32> to vector<8x128xf32>
    %slice3A_985 = vector.extract_strided_slice %get3A_4 {offsets = [0, 98], sizes = [1, 1], strides = [1, 1]} : vector<1x128xf32> to vector<1x1xf32>
    %squeeze3A_986 = vector.extract %slice3A_985[0, 0] : f32 from vector<1x1xf32>
    %mul3A_987 = vector.broadcast %squeeze3A_986 : f32 to vector<8x128xf32>
    %mul3A_988 = arith.mulf %convert_element_type3A_984, %mul3A_987 : vector<8x128xf32>
    %add3A_989 = arith.addf %add3A_979, %mul3A_988 : vector<8x128xf32>
    %eq3A_990 = arith.constant 99 : i32
    %eq3A_991 = vector.broadcast %eq3A_990 : i32 to vector<8x128xi32>
    %eq3A_992 = arith.cmpi eq, %get3A_1, %eq3A_991 : vector<8x128xi32>
    %convert_element_type3A_993 = arith.extui %eq3A_992 : vector<8x128xi1> to vector<8x128xi32>
    %convert_element_type3A_994 = arith.sitofp %convert_element_type3A_993 : vector<8x128xi32> to vector<8x128xf32>
    %slice3A_995 = vector.extract_strided_slice %get3A_4 {offsets = [0, 99], sizes = [1, 1], strides = [1, 1]} : vector<1x128xf32> to vector<1x1xf32>
    %squeeze3A_996 = vector.extract %slice3A_995[0, 0] : f32 from vector<1x1xf32>
    %mul3A_997 = vector.broadcast %squeeze3A_996 : f32 to vector<8x128xf32>
    %mul3A_998 = arith.mulf %convert_element_type3A_994, %mul3A_997 : vector<8x128xf32>
    %add3A_999 = arith.addf %add3A_989, %mul3A_998 : vector<8x128xf32>
    %eq3A_1000 = arith.constant 100 : i32
    %eq3A_1001 = vector.broadcast %eq3A_1000 : i32 to vector<8x128xi32>
    %eq3A_1002 = arith.cmpi eq, %get3A_1, %eq3A_1001 : vector<8x128xi32>
    %convert_element_type3A_1003 = arith.extui %eq3A_1002 : vector<8x128xi1> to vector<8x128xi32>
    %convert_element_type3A_1004 = arith.sitofp %convert_element_type3A_1003 : vector<8x128xi32> to vector<8x128xf32>
    %slice3A_1005 = vector.extract_strided_slice %get3A_4 {offsets = [0, 100], sizes = [1, 1], strides = [1, 1]} : vector<1x128xf32> to vector<1x1xf32>
    %squeeze3A_1006 = vector.extract %slice3A_1005[0, 0] : f32 from vector<1x1xf32>
    %mul3A_1007 = vector.broadcast %squeeze3A_1006 : f32 to vector<8x128xf32>
    %mul3A_1008 = arith.mulf %convert_element_type3A_1004, %mul3A_1007 : vector<8x128xf32>
    %add3A_1009 = arith.addf %add3A_999, %mul3A_1008 : vector<8x128xf32>
    %eq3A_1010 = arith.constant 101 : i32
    %eq3A_1011 = vector.broadcast %eq3A_1010 : i32 to vector<8x128xi32>
    %eq3A_1012 = arith.cmpi eq, %get3A_1, %eq3A_1011 : vector<8x128xi32>
    %convert_element_type3A_1013 = arith.extui %eq3A_1012 : vector<8x128xi1> to vector<8x128xi32>
    %convert_element_type3A_1014 = arith.sitofp %convert_element_type3A_1013 : vector<8x128xi32> to vector<8x128xf32>
    %slice3A_1015 = vector.extract_strided_slice %get3A_4 {offsets = [0, 101], sizes = [1, 1], strides = [1, 1]} : vector<1x128xf32> to vector<1x1xf32>
    %squeeze3A_1016 = vector.extract %slice3A_1015[0, 0] : f32 from vector<1x1xf32>
    %mul3A_1017 = vector.broadcast %squeeze3A_1016 : f32 to vector<8x128xf32>
    %mul3A_1018 = arith.mulf %convert_element_type3A_1014, %mul3A_1017 : vector<8x128xf32>
    %add3A_1019 = arith.addf %add3A_1009, %mul3A_1018 : vector<8x128xf32>
    %eq3A_1020 = arith.constant 102 : i32
    %eq3A_1021 = vector.broadcast %eq3A_1020 : i32 to vector<8x128xi32>
    %eq3A_1022 = arith.cmpi eq, %get3A_1, %eq3A_1021 : vector<8x128xi32>
    %convert_element_type3A_1023 = arith.extui %eq3A_1022 : vector<8x128xi1> to vector<8x128xi32>
    %convert_element_type3A_1024 = arith.sitofp %convert_element_type3A_1023 : vector<8x128xi32> to vector<8x128xf32>
    %slice3A_1025 = vector.extract_strided_slice %get3A_4 {offsets = [0, 102], sizes = [1, 1], strides = [1, 1]} : vector<1x128xf32> to vector<1x1xf32>
    %squeeze3A_1026 = vector.extract %slice3A_1025[0, 0] : f32 from vector<1x1xf32>
    %mul3A_1027 = vector.broadcast %squeeze3A_1026 : f32 to vector<8x128xf32>
    %mul3A_1028 = arith.mulf %convert_element_type3A_1024, %mul3A_1027 : vector<8x128xf32>
    %add3A_1029 = arith.addf %add3A_1019, %mul3A_1028 : vector<8x128xf32>
    %eq3A_1030 = arith.constant 103 : i32
    %eq3A_1031 = vector.broadcast %eq3A_1030 : i32 to vector<8x128xi32>
    %eq3A_1032 = arith.cmpi eq, %get3A_1, %eq3A_1031 : vector<8x128xi32>
    %convert_element_type3A_1033 = arith.extui %eq3A_1032 : vector<8x128xi1> to vector<8x128xi32>
    %convert_element_type3A_1034 = arith.sitofp %convert_element_type3A_1033 : vector<8x128xi32> to vector<8x128xf32>
    %slice3A_1035 = vector.extract_strided_slice %get3A_4 {offsets = [0, 103], sizes = [1, 1], strides = [1, 1]} : vector<1x128xf32> to vector<1x1xf32>
    %squeeze3A_1036 = vector.extract %slice3A_1035[0, 0] : f32 from vector<1x1xf32>
    %mul3A_1037 = vector.broadcast %squeeze3A_1036 : f32 to vector<8x128xf32>
    %mul3A_1038 = arith.mulf %convert_element_type3A_1034, %mul3A_1037 : vector<8x128xf32>
    %add3A_1039 = arith.addf %add3A_1029, %mul3A_1038 : vector<8x128xf32>
    %eq3A_1040 = arith.constant 104 : i32
    %eq3A_1041 = vector.broadcast %eq3A_1040 : i32 to vector<8x128xi32>
    %eq3A_1042 = arith.cmpi eq, %get3A_1, %eq3A_1041 : vector<8x128xi32>
    %convert_element_type3A_1043 = arith.extui %eq3A_1042 : vector<8x128xi1> to vector<8x128xi32>
    %convert_element_type3A_1044 = arith.sitofp %convert_element_type3A_1043 : vector<8x128xi32> to vector<8x128xf32>
    %slice3A_1045 = vector.extract_strided_slice %get3A_4 {offsets = [0, 104], sizes = [1, 1], strides = [1, 1]} : vector<1x128xf32> to vector<1x1xf32>
    %squeeze3A_1046 = vector.extract %slice3A_1045[0, 0] : f32 from vector<1x1xf32>
    %mul3A_1047 = vector.broadcast %squeeze3A_1046 : f32 to vector<8x128xf32>
    %mul3A_1048 = arith.mulf %convert_element_type3A_1044, %mul3A_1047 : vector<8x128xf32>
    %add3A_1049 = arith.addf %add3A_1039, %mul3A_1048 : vector<8x128xf32>
    %eq3A_1050 = arith.constant 105 : i32
    %eq3A_1051 = vector.broadcast %eq3A_1050 : i32 to vector<8x128xi32>
    %eq3A_1052 = arith.cmpi eq, %get3A_1, %eq3A_1051 : vector<8x128xi32>
    %convert_element_type3A_1053 = arith.extui %eq3A_1052 : vector<8x128xi1> to vector<8x128xi32>
    %convert_element_type3A_1054 = arith.sitofp %convert_element_type3A_1053 : vector<8x128xi32> to vector<8x128xf32>
    %slice3A_1055 = vector.extract_strided_slice %get3A_4 {offsets = [0, 105], sizes = [1, 1], strides = [1, 1]} : vector<1x128xf32> to vector<1x1xf32>
    %squeeze3A_1056 = vector.extract %slice3A_1055[0, 0] : f32 from vector<1x1xf32>
    %mul3A_1057 = vector.broadcast %squeeze3A_1056 : f32 to vector<8x128xf32>
    %mul3A_1058 = arith.mulf %convert_element_type3A_1054, %mul3A_1057 : vector<8x128xf32>
    %add3A_1059 = arith.addf %add3A_1049, %mul3A_1058 : vector<8x128xf32>
    %eq3A_1060 = arith.constant 106 : i32
    %eq3A_1061 = vector.broadcast %eq3A_1060 : i32 to vector<8x128xi32>
    %eq3A_1062 = arith.cmpi eq, %get3A_1, %eq3A_1061 : vector<8x128xi32>
    %convert_element_type3A_1063 = arith.extui %eq3A_1062 : vector<8x128xi1> to vector<8x128xi32>
    %convert_element_type3A_1064 = arith.sitofp %convert_element_type3A_1063 : vector<8x128xi32> to vector<8x128xf32>
    %slice3A_1065 = vector.extract_strided_slice %get3A_4 {offsets = [0, 106], sizes = [1, 1], strides = [1, 1]} : vector<1x128xf32> to vector<1x1xf32>
    %squeeze3A_1066 = vector.extract %slice3A_1065[0, 0] : f32 from vector<1x1xf32>
    %mul3A_1067 = vector.broadcast %squeeze3A_1066 : f32 to vector<8x128xf32>
    %mul3A_1068 = arith.mulf %convert_element_type3A_1064, %mul3A_1067 : vector<8x128xf32>
    %add3A_1069 = arith.addf %add3A_1059, %mul3A_1068 : vector<8x128xf32>
    %eq3A_1070 = arith.constant 107 : i32
    %eq3A_1071 = vector.broadcast %eq3A_1070 : i32 to vector<8x128xi32>
    %eq3A_1072 = arith.cmpi eq, %get3A_1, %eq3A_1071 : vector<8x128xi32>
    %convert_element_type3A_1073 = arith.extui %eq3A_1072 : vector<8x128xi1> to vector<8x128xi32>
    %convert_element_type3A_1074 = arith.sitofp %convert_element_type3A_1073 : vector<8x128xi32> to vector<8x128xf32>
    %slice3A_1075 = vector.extract_strided_slice %get3A_4 {offsets = [0, 107], sizes = [1, 1], strides = [1, 1]} : vector<1x128xf32> to vector<1x1xf32>
    %squeeze3A_1076 = vector.extract %slice3A_1075[0, 0] : f32 from vector<1x1xf32>
    %mul3A_1077 = vector.broadcast %squeeze3A_1076 : f32 to vector<8x128xf32>
    %mul3A_1078 = arith.mulf %convert_element_type3A_1074, %mul3A_1077 : vector<8x128xf32>
    %add3A_1079 = arith.addf %add3A_1069, %mul3A_1078 : vector<8x128xf32>
    %eq3A_1080 = arith.constant 108 : i32
    %eq3A_1081 = vector.broadcast %eq3A_1080 : i32 to vector<8x128xi32>
    %eq3A_1082 = arith.cmpi eq, %get3A_1, %eq3A_1081 : vector<8x128xi32>
    %convert_element_type3A_1083 = arith.extui %eq3A_1082 : vector<8x128xi1> to vector<8x128xi32>
    %convert_element_type3A_1084 = arith.sitofp %convert_element_type3A_1083 : vector<8x128xi32> to vector<8x128xf32>
    %slice3A_1085 = vector.extract_strided_slice %get3A_4 {offsets = [0, 108], sizes = [1, 1], strides = [1, 1]} : vector<1x128xf32> to vector<1x1xf32>
    %squeeze3A_1086 = vector.extract %slice3A_1085[0, 0] : f32 from vector<1x1xf32>
    %mul3A_1087 = vector.broadcast %squeeze3A_1086 : f32 to vector<8x128xf32>
    %mul3A_1088 = arith.mulf %convert_element_type3A_1084, %mul3A_1087 : vector<8x128xf32>
    %add3A_1089 = arith.addf %add3A_1079, %mul3A_1088 : vector<8x128xf32>
    %eq3A_1090 = arith.constant 109 : i32
    %eq3A_1091 = vector.broadcast %eq3A_1090 : i32 to vector<8x128xi32>
    %eq3A_1092 = arith.cmpi eq, %get3A_1, %eq3A_1091 : vector<8x128xi32>
    %convert_element_type3A_1093 = arith.extui %eq3A_1092 : vector<8x128xi1> to vector<8x128xi32>
    %convert_element_type3A_1094 = arith.sitofp %convert_element_type3A_1093 : vector<8x128xi32> to vector<8x128xf32>
    %slice3A_1095 = vector.extract_strided_slice %get3A_4 {offsets = [0, 109], sizes = [1, 1], strides = [1, 1]} : vector<1x128xf32> to vector<1x1xf32>
    %squeeze3A_1096 = vector.extract %slice3A_1095[0, 0] : f32 from vector<1x1xf32>
    %mul3A_1097 = vector.broadcast %squeeze3A_1096 : f32 to vector<8x128xf32>
    %mul3A_1098 = arith.mulf %convert_element_type3A_1094, %mul3A_1097 : vector<8x128xf32>
    %add3A_1099 = arith.addf %add3A_1089, %mul3A_1098 : vector<8x128xf32>
    %eq3A_1100 = arith.constant 110 : i32
    %eq3A_1101 = vector.broadcast %eq3A_1100 : i32 to vector<8x128xi32>
    %eq3A_1102 = arith.cmpi eq, %get3A_1, %eq3A_1101 : vector<8x128xi32>
    %convert_element_type3A_1103 = arith.extui %eq3A_1102 : vector<8x128xi1> to vector<8x128xi32>
    %convert_element_type3A_1104 = arith.sitofp %convert_element_type3A_1103 : vector<8x128xi32> to vector<8x128xf32>
    %slice3A_1105 = vector.extract_strided_slice %get3A_4 {offsets = [0, 110], sizes = [1, 1], strides = [1, 1]} : vector<1x128xf32> to vector<1x1xf32>
    %squeeze3A_1106 = vector.extract %slice3A_1105[0, 0] : f32 from vector<1x1xf32>
    %mul3A_1107 = vector.broadcast %squeeze3A_1106 : f32 to vector<8x128xf32>
    %mul3A_1108 = arith.mulf %convert_element_type3A_1104, %mul3A_1107 : vector<8x128xf32>
    %add3A_1109 = arith.addf %add3A_1099, %mul3A_1108 : vector<8x128xf32>
    %eq3A_1110 = arith.constant 111 : i32
    %eq3A_1111 = vector.broadcast %eq3A_1110 : i32 to vector<8x128xi32>
    %eq3A_1112 = arith.cmpi eq, %get3A_1, %eq3A_1111 : vector<8x128xi32>
    %convert_element_type3A_1113 = arith.extui %eq3A_1112 : vector<8x128xi1> to vector<8x128xi32>
    %convert_element_type3A_1114 = arith.sitofp %convert_element_type3A_1113 : vector<8x128xi32> to vector<8x128xf32>
    %slice3A_1115 = vector.extract_strided_slice %get3A_4 {offsets = [0, 111], sizes = [1, 1], strides = [1, 1]} : vector<1x128xf32> to vector<1x1xf32>
    %squeeze3A_1116 = vector.extract %slice3A_1115[0, 0] : f32 from vector<1x1xf32>
    %mul3A_1117 = vector.broadcast %squeeze3A_1116 : f32 to vector<8x128xf32>
    %mul3A_1118 = arith.mulf %convert_element_type3A_1114, %mul3A_1117 : vector<8x128xf32>
    %add3A_1119 = arith.addf %add3A_1109, %mul3A_1118 : vector<8x128xf32>
    %eq3A_1120 = arith.constant 112 : i32
    %eq3A_1121 = vector.broadcast %eq3A_1120 : i32 to vector<8x128xi32>
    %eq3A_1122 = arith.cmpi eq, %get3A_1, %eq3A_1121 : vector<8x128xi32>
    %convert_element_type3A_1123 = arith.extui %eq3A_1122 : vector<8x128xi1> to vector<8x128xi32>
    %convert_element_type3A_1124 = arith.sitofp %convert_element_type3A_1123 : vector<8x128xi32> to vector<8x128xf32>
    %slice3A_1125 = vector.extract_strided_slice %get3A_4 {offsets = [0, 112], sizes = [1, 1], strides = [1, 1]} : vector<1x128xf32> to vector<1x1xf32>
    %squeeze3A_1126 = vector.extract %slice3A_1125[0, 0] : f32 from vector<1x1xf32>
    %mul3A_1127 = vector.broadcast %squeeze3A_1126 : f32 to vector<8x128xf32>
    %mul3A_1128 = arith.mulf %convert_element_type3A_1124, %mul3A_1127 : vector<8x128xf32>
    %add3A_1129 = arith.addf %add3A_1119, %mul3A_1128 : vector<8x128xf32>
    %eq3A_1130 = arith.constant 113 : i32
    %eq3A_1131 = vector.broadcast %eq3A_1130 : i32 to vector<8x128xi32>
    %eq3A_1132 = arith.cmpi eq, %get3A_1, %eq3A_1131 : vector<8x128xi32>
    %convert_element_type3A_1133 = arith.extui %eq3A_1132 : vector<8x128xi1> to vector<8x128xi32>
    %convert_element_type3A_1134 = arith.sitofp %convert_element_type3A_1133 : vector<8x128xi32> to vector<8x128xf32>
    %slice3A_1135 = vector.extract_strided_slice %get3A_4 {offsets = [0, 113], sizes = [1, 1], strides = [1, 1]} : vector<1x128xf32> to vector<1x1xf32>
    %squeeze3A_1136 = vector.extract %slice3A_1135[0, 0] : f32 from vector<1x1xf32>
    %mul3A_1137 = vector.broadcast %squeeze3A_1136 : f32 to vector<8x128xf32>
    %mul3A_1138 = arith.mulf %convert_element_type3A_1134, %mul3A_1137 : vector<8x128xf32>
    %add3A_1139 = arith.addf %add3A_1129, %mul3A_1138 : vector<8x128xf32>
    %eq3A_1140 = arith.constant 114 : i32
    %eq3A_1141 = vector.broadcast %eq3A_1140 : i32 to vector<8x128xi32>
    %eq3A_1142 = arith.cmpi eq, %get3A_1, %eq3A_1141 : vector<8x128xi32>
    %convert_element_type3A_1143 = arith.extui %eq3A_1142 : vector<8x128xi1> to vector<8x128xi32>
    %convert_element_type3A_1144 = arith.sitofp %convert_element_type3A_1143 : vector<8x128xi32> to vector<8x128xf32>
    %slice3A_1145 = vector.extract_strided_slice %get3A_4 {offsets = [0, 114], sizes = [1, 1], strides = [1, 1]} : vector<1x128xf32> to vector<1x1xf32>
    %squeeze3A_1146 = vector.extract %slice3A_1145[0, 0] : f32 from vector<1x1xf32>
    %mul3A_1147 = vector.broadcast %squeeze3A_1146 : f32 to vector<8x128xf32>
    %mul3A_1148 = arith.mulf %convert_element_type3A_1144, %mul3A_1147 : vector<8x128xf32>
    %add3A_1149 = arith.addf %add3A_1139, %mul3A_1148 : vector<8x128xf32>
    %eq3A_1150 = arith.constant 115 : i32
    %eq3A_1151 = vector.broadcast %eq3A_1150 : i32 to vector<8x128xi32>
    %eq3A_1152 = arith.cmpi eq, %get3A_1, %eq3A_1151 : vector<8x128xi32>
    %convert_element_type3A_1153 = arith.extui %eq3A_1152 : vector<8x128xi1> to vector<8x128xi32>
    %convert_element_type3A_1154 = arith.sitofp %convert_element_type3A_1153 : vector<8x128xi32> to vector<8x128xf32>
    %slice3A_1155 = vector.extract_strided_slice %get3A_4 {offsets = [0, 115], sizes = [1, 1], strides = [1, 1]} : vector<1x128xf32> to vector<1x1xf32>
    %squeeze3A_1156 = vector.extract %slice3A_1155[0, 0] : f32 from vector<1x1xf32>
    %mul3A_1157 = vector.broadcast %squeeze3A_1156 : f32 to vector<8x128xf32>
    %mul3A_1158 = arith.mulf %convert_element_type3A_1154, %mul3A_1157 : vector<8x128xf32>
    %add3A_1159 = arith.addf %add3A_1149, %mul3A_1158 : vector<8x128xf32>
    %eq3A_1160 = arith.constant 116 : i32
    %eq3A_1161 = vector.broadcast %eq3A_1160 : i32 to vector<8x128xi32>
    %eq3A_1162 = arith.cmpi eq, %get3A_1, %eq3A_1161 : vector<8x128xi32>
    %convert_element_type3A_1163 = arith.extui %eq3A_1162 : vector<8x128xi1> to vector<8x128xi32>
    %convert_element_type3A_1164 = arith.sitofp %convert_element_type3A_1163 : vector<8x128xi32> to vector<8x128xf32>
    %slice3A_1165 = vector.extract_strided_slice %get3A_4 {offsets = [0, 116], sizes = [1, 1], strides = [1, 1]} : vector<1x128xf32> to vector<1x1xf32>
    %squeeze3A_1166 = vector.extract %slice3A_1165[0, 0] : f32 from vector<1x1xf32>
    %mul3A_1167 = vector.broadcast %squeeze3A_1166 : f32 to vector<8x128xf32>
    %mul3A_1168 = arith.mulf %convert_element_type3A_1164, %mul3A_1167 : vector<8x128xf32>
    %add3A_1169 = arith.addf %add3A_1159, %mul3A_1168 : vector<8x128xf32>
    %eq3A_1170 = arith.constant 117 : i32
    %eq3A_1171 = vector.broadcast %eq3A_1170 : i32 to vector<8x128xi32>
    %eq3A_1172 = arith.cmpi eq, %get3A_1, %eq3A_1171 : vector<8x128xi32>
    %convert_element_type3A_1173 = arith.extui %eq3A_1172 : vector<8x128xi1> to vector<8x128xi32>
    %convert_element_type3A_1174 = arith.sitofp %convert_element_type3A_1173 : vector<8x128xi32> to vector<8x128xf32>
    %slice3A_1175 = vector.extract_strided_slice %get3A_4 {offsets = [0, 117], sizes = [1, 1], strides = [1, 1]} : vector<1x128xf32> to vector<1x1xf32>
    %squeeze3A_1176 = vector.extract %slice3A_1175[0, 0] : f32 from vector<1x1xf32>
    %mul3A_1177 = vector.broadcast %squeeze3A_1176 : f32 to vector<8x128xf32>
    %mul3A_1178 = arith.mulf %convert_element_type3A_1174, %mul3A_1177 : vector<8x128xf32>
    %add3A_1179 = arith.addf %add3A_1169, %mul3A_1178 : vector<8x128xf32>
    %eq3A_1180 = arith.constant 118 : i32
    %eq3A_1181 = vector.broadcast %eq3A_1180 : i32 to vector<8x128xi32>
    %eq3A_1182 = arith.cmpi eq, %get3A_1, %eq3A_1181 : vector<8x128xi32>
    %convert_element_type3A_1183 = arith.extui %eq3A_1182 : vector<8x128xi1> to vector<8x128xi32>
    %convert_element_type3A_1184 = arith.sitofp %convert_element_type3A_1183 : vector<8x128xi32> to vector<8x128xf32>
    %slice3A_1185 = vector.extract_strided_slice %get3A_4 {offsets = [0, 118], sizes = [1, 1], strides = [1, 1]} : vector<1x128xf32> to vector<1x1xf32>
    %squeeze3A_1186 = vector.extract %slice3A_1185[0, 0] : f32 from vector<1x1xf32>
    %mul3A_1187 = vector.broadcast %squeeze3A_1186 : f32 to vector<8x128xf32>
    %mul3A_1188 = arith.mulf %convert_element_type3A_1184, %mul3A_1187 : vector<8x128xf32>
    %add3A_1189 = arith.addf %add3A_1179, %mul3A_1188 : vector<8x128xf32>
    %eq3A_1190 = arith.constant 119 : i32
    %eq3A_1191 = vector.broadcast %eq3A_1190 : i32 to vector<8x128xi32>
    %eq3A_1192 = arith.cmpi eq, %get3A_1, %eq3A_1191 : vector<8x128xi32>
    %convert_element_type3A_1193 = arith.extui %eq3A_1192 : vector<8x128xi1> to vector<8x128xi32>
    %convert_element_type3A_1194 = arith.sitofp %convert_element_type3A_1193 : vector<8x128xi32> to vector<8x128xf32>
    %slice3A_1195 = vector.extract_strided_slice %get3A_4 {offsets = [0, 119], sizes = [1, 1], strides = [1, 1]} : vector<1x128xf32> to vector<1x1xf32>
    %squeeze3A_1196 = vector.extract %slice3A_1195[0, 0] : f32 from vector<1x1xf32>
    %mul3A_1197 = vector.broadcast %squeeze3A_1196 : f32 to vector<8x128xf32>
    %mul3A_1198 = arith.mulf %convert_element_type3A_1194, %mul3A_1197 : vector<8x128xf32>
    %add3A_1199 = arith.addf %add3A_1189, %mul3A_1198 : vector<8x128xf32>
    %eq3A_1200 = arith.constant 120 : i32
    %eq3A_1201 = vector.broadcast %eq3A_1200 : i32 to vector<8x128xi32>
    %eq3A_1202 = arith.cmpi eq, %get3A_1, %eq3A_1201 : vector<8x128xi32>
    %convert_element_type3A_1203 = arith.extui %eq3A_1202 : vector<8x128xi1> to vector<8x128xi32>
    %convert_element_type3A_1204 = arith.sitofp %convert_element_type3A_1203 : vector<8x128xi32> to vector<8x128xf32>
    %slice3A_1205 = vector.extract_strided_slice %get3A_4 {offsets = [0, 120], sizes = [1, 1], strides = [1, 1]} : vector<1x128xf32> to vector<1x1xf32>
    %squeeze3A_1206 = vector.extract %slice3A_1205[0, 0] : f32 from vector<1x1xf32>
    %mul3A_1207 = vector.broadcast %squeeze3A_1206 : f32 to vector<8x128xf32>
    %mul3A_1208 = arith.mulf %convert_element_type3A_1204, %mul3A_1207 : vector<8x128xf32>
    %add3A_1209 = arith.addf %add3A_1199, %mul3A_1208 : vector<8x128xf32>
    %eq3A_1210 = arith.constant 121 : i32
    %eq3A_1211 = vector.broadcast %eq3A_1210 : i32 to vector<8x128xi32>
    %eq3A_1212 = arith.cmpi eq, %get3A_1, %eq3A_1211 : vector<8x128xi32>
    %convert_element_type3A_1213 = arith.extui %eq3A_1212 : vector<8x128xi1> to vector<8x128xi32>
    %convert_element_type3A_1214 = arith.sitofp %convert_element_type3A_1213 : vector<8x128xi32> to vector<8x128xf32>
    %slice3A_1215 = vector.extract_strided_slice %get3A_4 {offsets = [0, 121], sizes = [1, 1], strides = [1, 1]} : vector<1x128xf32> to vector<1x1xf32>
    %squeeze3A_1216 = vector.extract %slice3A_1215[0, 0] : f32 from vector<1x1xf32>
    %mul3A_1217 = vector.broadcast %squeeze3A_1216 : f32 to vector<8x128xf32>
    %mul3A_1218 = arith.mulf %convert_element_type3A_1214, %mul3A_1217 : vector<8x128xf32>
    %add3A_1219 = arith.addf %add3A_1209, %mul3A_1218 : vector<8x128xf32>
    %eq3A_1220 = arith.constant 122 : i32
    %eq3A_1221 = vector.broadcast %eq3A_1220 : i32 to vector<8x128xi32>
    %eq3A_1222 = arith.cmpi eq, %get3A_1, %eq3A_1221 : vector<8x128xi32>
    %convert_element_type3A_1223 = arith.extui %eq3A_1222 : vector<8x128xi1> to vector<8x128xi32>
    %convert_element_type3A_1224 = arith.sitofp %convert_element_type3A_1223 : vector<8x128xi32> to vector<8x128xf32>
    %slice3A_1225 = vector.extract_strided_slice %get3A_4 {offsets = [0, 122], sizes = [1, 1], strides = [1, 1]} : vector<1x128xf32> to vector<1x1xf32>
    %squeeze3A_1226 = vector.extract %slice3A_1225[0, 0] : f32 from vector<1x1xf32>
    %mul3A_1227 = vector.broadcast %squeeze3A_1226 : f32 to vector<8x128xf32>
    %mul3A_1228 = arith.mulf %convert_element_type3A_1224, %mul3A_1227 : vector<8x128xf32>
    %add3A_1229 = arith.addf %add3A_1219, %mul3A_1228 : vector<8x128xf32>
    %eq3A_1230 = arith.constant 123 : i32
    %eq3A_1231 = vector.broadcast %eq3A_1230 : i32 to vector<8x128xi32>
    %eq3A_1232 = arith.cmpi eq, %get3A_1, %eq3A_1231 : vector<8x128xi32>
    %convert_element_type3A_1233 = arith.extui %eq3A_1232 : vector<8x128xi1> to vector<8x128xi32>
    %convert_element_type3A_1234 = arith.sitofp %convert_element_type3A_1233 : vector<8x128xi32> to vector<8x128xf32>
    %slice3A_1235 = vector.extract_strided_slice %get3A_4 {offsets = [0, 123], sizes = [1, 1], strides = [1, 1]} : vector<1x128xf32> to vector<1x1xf32>
    %squeeze3A_1236 = vector.extract %slice3A_1235[0, 0] : f32 from vector<1x1xf32>
    %mul3A_1237 = vector.broadcast %squeeze3A_1236 : f32 to vector<8x128xf32>
    %mul3A_1238 = arith.mulf %convert_element_type3A_1234, %mul3A_1237 : vector<8x128xf32>
    %add3A_1239 = arith.addf %add3A_1229, %mul3A_1238 : vector<8x128xf32>
    %eq3A_1240 = arith.constant 124 : i32
    %eq3A_1241 = vector.broadcast %eq3A_1240 : i32 to vector<8x128xi32>
    %eq3A_1242 = arith.cmpi eq, %get3A_1, %eq3A_1241 : vector<8x128xi32>
    %convert_element_type3A_1243 = arith.extui %eq3A_1242 : vector<8x128xi1> to vector<8x128xi32>
    %convert_element_type3A_1244 = arith.sitofp %convert_element_type3A_1243 : vector<8x128xi32> to vector<8x128xf32>
    %slice3A_1245 = vector.extract_strided_slice %get3A_4 {offsets = [0, 124], sizes = [1, 1], strides = [1, 1]} : vector<1x128xf32> to vector<1x1xf32>
    %squeeze3A_1246 = vector.extract %slice3A_1245[0, 0] : f32 from vector<1x1xf32>
    %mul3A_1247 = vector.broadcast %squeeze3A_1246 : f32 to vector<8x128xf32>
    %mul3A_1248 = arith.mulf %convert_element_type3A_1244, %mul3A_1247 : vector<8x128xf32>
    %add3A_1249 = arith.addf %add3A_1239, %mul3A_1248 : vector<8x128xf32>
    %eq3A_1250 = arith.constant 125 : i32
    %eq3A_1251 = vector.broadcast %eq3A_1250 : i32 to vector<8x128xi32>
    %eq3A_1252 = arith.cmpi eq, %get3A_1, %eq3A_1251 : vector<8x128xi32>
    %convert_element_type3A_1253 = arith.extui %eq3A_1252 : vector<8x128xi1> to vector<8x128xi32>
    %convert_element_type3A_1254 = arith.sitofp %convert_element_type3A_1253 : vector<8x128xi32> to vector<8x128xf32>
    %slice3A_1255 = vector.extract_strided_slice %get3A_4 {offsets = [0, 125], sizes = [1, 1], strides = [1, 1]} : vector<1x128xf32> to vector<1x1xf32>
    %squeeze3A_1256 = vector.extract %slice3A_1255[0, 0] : f32 from vector<1x1xf32>
    %mul3A_1257 = vector.broadcast %squeeze3A_1256 : f32 to vector<8x128xf32>
    %mul3A_1258 = arith.mulf %convert_element_type3A_1254, %mul3A_1257 : vector<8x128xf32>
    %add3A_1259 = arith.addf %add3A_1249, %mul3A_1258 : vector<8x128xf32>
    %eq3A_1260 = arith.constant 126 : i32
    %eq3A_1261 = vector.broadcast %eq3A_1260 : i32 to vector<8x128xi32>
    %eq3A_1262 = arith.cmpi eq, %get3A_1, %eq3A_1261 : vector<8x128xi32>
    %convert_element_type3A_1263 = arith.extui %eq3A_1262 : vector<8x128xi1> to vector<8x128xi32>
    %convert_element_type3A_1264 = arith.sitofp %convert_element_type3A_1263 : vector<8x128xi32> to vector<8x128xf32>
    %slice3A_1265 = vector.extract_strided_slice %get3A_4 {offsets = [0, 126], sizes = [1, 1], strides = [1, 1]} : vector<1x128xf32> to vector<1x1xf32>
    %squeeze3A_1266 = vector.extract %slice3A_1265[0, 0] : f32 from vector<1x1xf32>
    %mul3A_1267 = vector.broadcast %squeeze3A_1266 : f32 to vector<8x128xf32>
    %mul3A_1268 = arith.mulf %convert_element_type3A_1264, %mul3A_1267 : vector<8x128xf32>
    %add3A_1269 = arith.addf %add3A_1259, %mul3A_1268 : vector<8x128xf32>
    %eq3A_1270 = arith.constant 127 : i32
    %eq3A_1271 = vector.broadcast %eq3A_1270 : i32 to vector<8x128xi32>
    %eq3A_1272 = arith.cmpi eq, %get3A_1, %eq3A_1271 : vector<8x128xi32>
    %convert_element_type3A_1273 = arith.extui %eq3A_1272 : vector<8x128xi1> to vector<8x128xi32>
    %convert_element_type3A_1274 = arith.sitofp %convert_element_type3A_1273 : vector<8x128xi32> to vector<8x128xf32>
    %slice3A_1275 = vector.extract_strided_slice %get3A_4 {offsets = [0, 127], sizes = [1, 1], strides = [1, 1]} : vector<1x128xf32> to vector<1x1xf32>
    %squeeze3A_1276 = vector.extract %slice3A_1275[0, 0] : f32 from vector<1x1xf32>
    %mul3A_1277 = vector.broadcast %squeeze3A_1276 : f32 to vector<8x128xf32>
    %mul3A_1278 = arith.mulf %convert_element_type3A_1274, %mul3A_1277 : vector<8x128xf32>
    %add3A_1279 = arith.addf %add3A_1269, %mul3A_1278 : vector<8x128xf32>
    %get3A_1280 = arith.constant 0 : index
    %get3A_1281 = arith.constant 0 : index
    %get3A_1282 = vector.load %arg2[%get3A_1280, %get3A_1281] : memref<8x128xf32, #tpu.memory_space<vmem>>, vector<8x128xf32>
    %mul3A_1283 = arith.constant 0.00999999977 : f32
    %mul3A_1284 = vector.broadcast %mul3A_1283 : f32 to vector<8x128xf32>
    %mul3A_1285 = arith.mulf %mul3A_1284, %get3A_1282 : vector<8x128xf32>
    %add3A_1286 = arith.addf %add3A_1279, %mul3A_1285 : vector<8x128xf32>
    %swap3A = arith.constant 0 : index
    %swap3A_1287 = arith.constant 0 : index
    %swap3A_1288 = vector.load %arg4[%swap3A, %swap3A_1287] : memref<8x128xf32, #tpu.memory_space<vmem>>, vector<8x128xf32>
    tpu.vector_store %arg4[%swap3A, %swap3A_1287], %add3A_1286 {strides = array<i32>} : memref<8x128xf32, #tpu.memory_space<vmem>>, vector<8x128xf32>,
    return
  }
  func.func @transform_0(%arg0: i32) -> (i32, i32) {
    %c0_i32 = arith.constant 0 : i32
    %c0_i32_0 = arith.constant 0 : i32
    return %arg0, %c0_i32 : i32, i32
  }
  func.func @transform_1(%arg0: i32) -> (i32, i32) {
    %c0_i32 = arith.constant 0 : i32
    %c0_i32_0 = arith.constant 0 : i32
    return %arg0, %c0_i32 : i32, i32
  }
  func.func @transform_2(%arg0: i32) -> (i32, i32) {
    %c0_i32 = arith.constant 0 : i32
    %c0_i32_0 = arith.constant 0 : i32
    %c0_i32_1 = arith.constant 0 : i32
    return %c0_i32, %c0_i32_0 : i32, i32
  }
  func.func @transform_3(%arg0: i32) -> (i32, i32) {
    %c0_i32 = arith.constant 0 : i32
    %c0_i32_0 = arith.constant 0 : i32
    return %arg0, %c0_i32 : i32, i32
  }
}

</mosaic_0001>

<sc_bundles>
// kernel: scatter_offload_async_start
scs
__scs_entry_jumppad:
0x0: {  	(pc) =	sbr.rel $0x88, $3  }
0x1: {  	(tag) =	ssettag $0x0;
	lr =	simm.s32 $0x1  }
0x2: {  	[smem:$0x3F97] =	sst lr;
	_ =	strace $0xD0000000  }
0x3: {  	_ = 	snop  }
0x4: {  	_ = 	snop  }
0x5: {  	_ = 	snop  }
0x6: {  	_ = 	snop  }
0x7: {  	_ = 	snop  }
__scs_overlays_trampoline_lowered:
0x8: {  	[smem:$0x3FA6] =	sst s0  }
0x9: {  	[smem:$0x3FA7] =	sst s1  }
0xa: {  	[smem:$0x3FA8] =	sst s2  }
0xb: {  	[smem:$0x3FA9] =	sst s3  }
0xc: {  	[smem:$0x3FAA] =	sst s4  }
0xd: {  	[smem:$0x3FAB] =	sst s5  }
0xe: {  	[smem:$0x3FAC] =	sst s6  }
0xf: {  	[smem:$0x3FAD] =	sst s7  }
0x10: {  	[smem:$0x3FAE] =	sst s8  }
0x11: {  	[smem:$0x3FAF] =	sst s9;
	s0 =	simm.s32 @!p0 $0x0  }
0x12: {  	s1 =	sld [smem:$0x3F95];
	s0 =	simm.s32 @p0 $0x1  }
0x13: {  	[smem:$0x3FB0] =	sst s0;
	s0 =	simm.s32 @!p1 $0x0  }
0x14: {  	s2 =	sld [smem:$0x3F94];
	s0 =	simm.s32 @p1 $0x1  }
0x15: {  	[smem:$0x3FB1] =	sst s0;
	s0 =	simm.s32 @!p2 $0x0  }
0x16: {  	s3 =	sld [smem:$0x3FDB];
	s0 =	simm.s32 @p2 $0x1  }
0x17: {  	s4 =	simm.s32 $0x1BF5;
	[smem:$0x3FB3] =	sst s0  }
0x18: {  	s0 =	sld [smem:$0x3F96];
	_ =	swait.ge [sflag:s4], $0x0  }
0x19: {  	s7 =	sld [smem:$0x3F97]  }
0x1a: {  	s8 =	sadd.s32 $0xFFFFE003, lr  }
0x1b: {  	s9 =	sadd.s32 $0xFFFFFEF7, lr;
	s5 =	simm.s32 $0xFFFFFFFF;
	p2 =	slt.u32 s8, $0xFFFFF086  }
0x1c: {  	p1 =	slt.u32 s9, $0xF7A;
	s5 =	simm.s32 @!p2 $0x0  }
0x1d: {  	s5 =	simm.s32 @p1 $0x1;
	p0 =	seq.s32 s7, s2  }
0x1e: {  	s7 =	smul.u32 @!p0 $0xF7A, s2;
	p2 =	seq.s32 @!p0 s5, $0x0  }
0x1f: {  	s9 =	smul.u32 $0xF7A, s1;
	s8 =	simm.s32 @!p0 $0x1BF5;
	p2 =	por !p2, p0  }
0x20: {  	[sflag:s8] =	ssyncset.s32 @!p0 $0xFFFFF086;
	s6 =	sadd.s32 @!p0 s3, s7;
	s7 =	simm.s32 @!p0 $0x108  }
0x21: {  	s3 =	sadd.s32 s3, s9;
	s6 =	sadd.s32 @!p0 $0x88, s6;
	s7 =	simm.s32 @p2 $0x1082  }
0x22: {  	[simem:s7], [sflag:s8] =	dma.local @!p0 [hbm:s6], $0xF7A  }
0x23: {  	s9 =	sor.u32 $0xD0000000, s2;
	s6 =	simm.s32 $0x108;
	_ =	swait.ge @!p0 [sflag:s8], $0x0  }
0x24: {  	s3 =	sadd.s32 $0x88, s3;
	s6 =	simm.s32 @!p1 $0x1082;
	[sflag:s4] =	ssyncset.s32 $0xFFFFF086  }
0x25: {  	[simem:s6], [sflag:s4] =	dma.local [hbm:s3], $0xF7A  }
0x26: {  	[smem:$0x3F97] =	sst s1;
	(tag) =	ssettag s2;
	_ =	strace s9  }
0x27: {  	s1 =	sld [smem:$0x3FA7]  }
0x28: {  	s2 =	sld [smem:$0x3FA8]  }
0x29: {  	s4 =	sld [smem:$0x3FAA]  }
0x2a: {  	p0 =	seq.s32 s5, $0x0;
	s5 =	sld [smem:$0x3FAB]  }
0x2b: {  	s6 =	sld [smem:$0x3FAC]  }
0x2c: {  	s7 =	sld [smem:$0x3FAD]  }
0x2d: {  	s3 =	simm.s32 $0x108;
	s8 =	sld [smem:$0x3FAE]  }
0x2e: {  	s3 =	simm.s32 @!p0 $0x1082;
	s9 =	sld [smem:$0x3FAF]  }
0x2f: {  	lr =	sadd.s32 s0, s3;
	s0 =	sld [smem:$0x3FA6]  }
0x30: {  	s3 =	sld [smem:$0x3FA9]  }
0x31: {  	[smem:$0x3FB2] =	sst s10  }
0x32: {  	s10 =	sld [smem:$0x3FB0];
	_ =	sdelay $0x3  }
0x33: {  	p0 =	seq.s32 s10, $0x1;
	s10 =	sld [smem:$0x3FB2];
	_ =	sdelay $0x3  }
0x34: {  	[smem:$0x3FB2] =	sst s10  }
0x35: {  	s10 =	sld [smem:$0x3FB1];
	_ =	sdelay $0x3  }
0x36: {  	p1 =	seq.s32 s10, $0x1;
	s10 =	sld [smem:$0x3FB2];
	_ =	sdelay $0x3  }
0x37: {  	[smem:$0x3FB2] =	sst s10  }
0x38: {  	s10 =	sld [smem:$0x3FB3]  }
0x39: {  	_ = 	snop;
	(pc) =	sbr.ind lr, $3  }
0x3a: {  	_ = 	snop  }
0x3b: {  	_ = 	snop  }
0x3c: {  	p2 =	seq.s32 s10, $0x1;
	s10 =	sld [smem:$0x3FB2]  }
0x3d: {  	_ =	shalt  }
0x3e: {  	_ =	shalt  }
0x3f: {  	_ =	shalt  }
0x40: {  	_ =	shalt  }
0x41: {  	_ =	shalt  }
0x42: {  	_ =	shalt  }
0x43: {  	_ =	shalt  }
0x44: {  	_ =	shalt  }
0x45: {  	_ =	shalt  }
0x46: {  	_ =	shalt  }
0x47: {  	_ =	shalt  }
0x48: {  	_ =	shalt  }
0x49: {  	_ =	shalt  }
0x4a: {  	_ =	shalt  }
0x4b: {  	_ =	shalt  }
0x4c: {  	_ =	shalt  }
0x4d: {  	_ =	shalt  }
0x4e: {  	_ =	shalt  }
0x4f: {  	_ =	shalt  }
0x50: {  	_ =	shalt  }
0x51: {  	_ =	shalt  }
0x52: {  	_ =	shalt  }
0x53: {  	_ =	shalt  }
0x54: {  	_ =	shalt  }
0x55: {  	_ =	shalt  }
0x56: {  	_ =	shalt  }
0x57: {  	_ =	shalt  }
0x58: {  	_ =	shalt  }
0x59: {  	_ =	shalt  }
0x5a: {  	_ =	shalt  }
0x5b: {  	_ =	shalt  }
0x5c: {  	_ =	shalt  }
0x5d: {  	_ =	shalt  }
0x5e: {  	_ =	shalt  }
0x5f: {  	_ =	shalt  }
0x60: {  	_ =	shalt  }
0x61: {  	_ =	shalt  }
0x62: {  	_ =	shalt  }
0x63: {  	_ =	shalt  }
0x64: {  	_ =	shalt  }
0x65: {  	_ =	shalt  }
0x66: {  	_ =	shalt  }
0x67: {  	_ =	shalt  }
0x68: {  	_ =	shalt  }
0x69: {  	_ =	shalt  }
0x6a: {  	_ =	shalt  }
0x6b: {  	_ =	shalt  }
0x6c: {  	_ =	shalt  }
0x6d: {  	_ =	shalt  }
0x6e: {  	_ =	shalt  }
0x6f: {  	_ =	shalt  }
0x70: {  	_ =	shalt  }
0x71: {  	_ =	shalt  }
0x72: {  	_ =	shalt  }
0x73: {  	_ =	shalt  }
0x74: {  	_ =	shalt  }
0x75: {  	_ =	shalt  }
0x76: {  	_ =	shalt  }
0x77: {  	_ =	shalt  }
0x78: {  	_ =	shalt  }
0x79: {  	_ =	shalt  }
0x7a: {  	_ =	shalt  }
0x7b: {  	_ =	shalt  }
0x7c: {  	_ =	shalt  }
0x7d: {  	_ =	shalt  }
0x7e: {  	_ =	shalt  }
0x7f: {  	_ =	shalt  }
0x80: {  	_ =	shalt  }
0x81: {  	_ =	shalt  }
0x82: {  	_ =	shalt  }
0x83: {  	_ =	shalt  }
0x84: {  	_ =	shalt  }
0x85: {  	_ =	shalt  }
0x86: {  	_ =	shalt  }
0x87: {  	_ =	shalt  }
.Lfunc_end0:
.L_simem_size_0:
called_computation_lowered:
.L_overlay_start_0:
0x88: {  	s0 =	sld [smem:$0x3FD9]  }
0x89: {  	s1 =	sld [smem:$0x3FFE];
	_ =	sdelay $0x3  }
0x8a: {  	s0 =	sadd.s32 s1, s0  }
0x8b: {  	[smem:$0x3FBE] =	sst s0  }
0x8c: {  	_ = 	snop  }
0x8d: {  	(tm) =	ssettm $0x1  }
0x8e: {  	s15 =	sld [smem:$0x3FFB];
	_ =	sdelay $0x3  }
0x8f: {  	_ =	strace s15  }
0x90: {  	s0 =	sld [smem:$0x3FFC];
	_ =	sdelay $0x3  }
0x91: {  	_ =	strace s0  }
0x92: {  	s0 =	sld [smem:$0x3FFD];
	_ =	sdelay $0x3  }
0x93: {  	_ =	strace s0  }
0x94: {  	_ =	strace $0x8FFFFFFF  }
0x95: {  	s16 =	sld [smem:$0x3FDB];
	_ =	sdelay $0x1  }
0x96: {  	s17 =	simm.s32 $_scs_section_size  }
0x97: {  	s2 =	simm.s32 $_size__tile_overlayer_lowered;
	s3 =	simm.s32 $_tile_overlayer_lowered  }
0x98: {  	s20 =	simm.s32 $0x1BFF;
	s19 =	sshll.u32 s3, $0x1;
	s0 =	sadd.s32 s17, s16  }
0x99: {  	s4 =	simm.s32 $0x0;
	s18 =	sshll.u32 s2, $0x1;
	s2 =	sadd.s32 s19, s0  }
0x9a: {  	[timem:s4], [sflag:s20] =	dma.local [hbm:s2], s18  }
0x9b: {  	_ =	swait.ge [sflag:s20], s18  }
0x9c: {  	s1 =	ssub.s32 $0x0, s18;
	[sflag:s20] =	ssyncset.done $0x0  }
0x9d: {  	[sflag:s20] =	ssyncadd.s32 s1;
	_ =	sdelay $0x1  }
0x9e: {  	s21 =	simm.s32 $0x1B8B  }
0x9f: {  	_ =	swait.ge [sflag:s21], $0x1  }
0xa0: {  	[sflag:s21] =	ssyncset.done $0x0  }
0xa1: {  	s23 =	simm.s32 $0x1B8E;
	s22 =	sld [smem:$0x3FFE];
	[sflag:s21] =	ssyncadd.s32 $0xFFFFFFFF  }
0xa2: {  	s24 =	simm.s32 $execute0_lowered;
	[smem:$0x3FD2] =	sst s23  }
0xa3: {  	s2 =	sshll.u32 s24, $0x1;
	_ =	strace $0x80000046;
	[dreg:$0x1] =	wrdreg $0xFFFFFFFF  }
0xa4: {  	s25 =	simm.s32 $_size_execute0_lowered;
	s0 =	sadd.s32 s0, s2;
	[dreg:$0x0] =	wrdreg $0x0  }
0xa5: {  	s2 =	sshll.u32 s25, $0x1;
	[dreg:$0x2] =	wrdreg s0  }
0xa6: {  	[dreg:$0x3] =	wrdreg s2  }
0xa7: {  	[dreg:$0x4] =	wrdreg $0xC0  }
0xa8: {  	_ =	task [dreg:s4], $0x5FFFF  }
0xa9: {  	[dreg:$0x1] =	wrdreg $0xFFFFFFFF  }
0xaa: {  	[dreg:$0x0] =	wrdreg $0x60  }
0xab: {  	[dreg:$0x2] =	wrdreg s22  }
0xac: {  	[dreg:$0x3] =	wrdreg $0x9  }
0xad: {  	_ =	task.clear_ibuf [dreg:s4], $0x4FFFF;
	_ =	strace $0x90000046  }
0xae: {  	s26 =	simm.s32 $0x9;
	_ =	strace $0x80000048  }
0xaf: {  	_ =	swait.ge [sflag:s26], $0x1  }
0xb0: {  	[sflag:s26] =	ssyncadd.s32 $0xFFFFFFFF  }
0xb1: {  	_ =	strace $0x90000048  }
0xb2: {  	_ =	sfence  }
0xb3: {  	s28 =	sld [smem:$0x0];
	_ =	sdelay $0x1  }
0xb4: {  	s29 =	srdreg.scid  }
0xb5: {  	s30 =	sshll.u32 s29, $0xD;
	s31 =	sshrl.u32 s29, $0x2  }
0xb6: {  	s1 =	sand.u32 $0x1, s29;
	s2 =	sand.u32 $0x4000, s30;
	s0 =	sadd.s32 s31, s28  }
0xb7: {  	s1 =	sor.u32 s2, s1;
	s0 =	sshll.u32 s0, $0x11  }
0xb8: {  	s0 =	sor.u32 s0, s1  }
0xb9: {  	s0 =	sadd.s32 $0x8F2B, s0  }
0xba: {  	[sflag:s0] =	ssyncadd.remote.s32 $0x1  }
0xbb: {  	_ =	sfence.sel $0xFFFF  }
0xbc: {  	[dreg:$0x0] =	wrdreg $0xFFFFFFFF;
	(pc) =	sbr.abs _section_cstart, $3  }
0xbd: {  	[dreg:$0x1] =	wrdreg $0xFFFFFFFF  }
0xbe: {  	_ =	task.clear_ibuf [dreg:s4], $0x2FFFF;
	_ =	strace $0x9FFFFFFF  }
0xbf: {  	(tm) =	ssettm $0x7FFFFFFF  }
tec
execute0_lowered:
.L_overlay_start_1:
0x0: {  	(tag) =	ssettag $0x1  }
0x1: {  	s0 =	rddreg [dreg:$0x0];
	s14 =	stileid.u32  }
0x2: {  	_ =	strace $0x80000047;
	s2 =	simm.s32 $0x1;
	s1 =	smul.u32 $0xC, s14  }
0x3: {  	v1 =	vimm.s32 $0xFFFFFFFF;
	s3 =	smin.u32 s14, $0x8;
	[sflag:s2] =	ssyncpa.u1 $0x0  }
0x4: {  	[tilespmem:$0x10] =	vst v1;
	s1 =	sadd.s32 s3, s1  }
0x5: {  	v0 =	vimm.f32 $0.0e+00;
	p0 =	slt.u32 s14, $0x8;
	[tilespmem:$0x20] =	vst v1;
	s3 =	smul.u32 $0x1F40, s1;
	s1 =	simm.s32 $0x19640  }
0x6: {  	[tilespmem:$0x30] =	vst v0;
	s1 =	simm.s32 @!p0 $0x17700  }
0x7: {  	[tilespmem:$0x40] =	vst v0;
	s1 =	sadd.s32 s1, s3  }
0x8: {  	[tilespmem:$0x50] =	vst v0;
	s4 =	smin.u32 s1, $0x186A00  }
0x9: {  	[tilespmem:$0x60] =	vst v1;
	s9 =	ssub.s32 s4, s3  }
0xa: {  	s7 =	simm.s32 $0x2;
	s8 =	simm.s32 $0x8;
	[tilespmem:$0x70] =	vst v1;
	p0 =	sgt.s32 s9, $0x0  }
0xb: {  	s31 =	simm.s32 $0x9;
	s16 =	simm.s32 $0x0;
	[tilespmem:$0x80] =	vst v1;
	s9 =	simm.s32 @!p0 $0x0  }
0xc: {  	s17 =	simm.s32 $0xF0;
	s18 =	simm.s32 $0xFFFFFFFF;
	v1 =	vimm.s32 $0x0;
	[tilespmem:$0xB0] =	vst v0;
	s5 =	smulhi.u32 $0x10624DD3, s9  }
0xd: {  	s19 =	simm.s32 $0xFFFFC280;
	s20 =	simm.s32 $0xFFFFFFFE;
	s21 =	simm.s32 $0xF;
	[tilespmem:$0x90] =	vst v1  }
0xe: {  	[tilespmem:$0xA0] =	vst v1;
	[sflag:s7] =	ssyncpa.u1 $0x0;
	s7 =	simm.s32 $0x7;
	s10 =	sshrl.u32 s5, $0x9  }
0xf: {  	s25 =	simm.s32 $0x0;
	[sflag:s7] =	ssyncpa.u1 $0x0;
	s11 =	smul.u32 $0x1F40, s10  }
0x10: {  	s24 =	simm.s32 $0x0;
	s6 =	sadd.s32 $0x31E00, s0;
	[sflag:s8] =	ssyncpa.u1 $0x0  }
.Ltmp0:
0x11: {  	[sflag:s31] =	ssyncpa.u1 $0x0;
	p0 =	sne.s32 s9, s11;
	(pc) =	sbr.rel .LBB2_1-.Ltmp0, $4  }
0x12: {  	s23 =	smov.u32 s3;
	s1 =	sadd.s32 $0x63400, s0;
	s2 =	simm.s32 @!p0 $0x0  }
0x13: {  	s5 =	sadd.s32 $0x1000, s0;
	p0 =	por $0x0, $0x0;
	s9 =	sadd.s32 s2, s10  }
0x14: {  	vm0 =	vmmov $0xffff;
	v2 =	vlaneseq.u32;
	s10 =	sshll.u32 s14, $0x1;
	s14 =	sshllo.u32 s14, $0x1;
	s11 =	sadd.s32 $0x1, s9  }
0x15: {  	vm1 =	vmxor vm1, vm1;
	vm2 =	vmmov $0x1;
	vm3 =	vcmask $0x3F3C;
	s12 =	sadd.s32 $0x2, s9;
	s13 =	sor.u32 $0x81, s10;
	s15 =	sor.u32 $0x80, s10  }
.LBB2_9:
0x16: {  	p1 =	slt.u32 s24, $0x3  }
0x17: {  	s0 =	simm.s32 @!p1 $0x2  }
0x18: {  	_ =	swait.ge @!p1 [sflag:s0], $0x1F40  }
0x19: {  	[sflag:s0] =	ssyncset.done @!p1 $0x0  }
0x1a: {  	[sflag:s0] =	ssyncadd.s32 @!p1 $0xFFFFE0C0;
	s0 =	simm.s32 @!p1 $0x9  }
0x1b: {  	_ =	swait.ge @!p1 [sflag:s0], $0x10  }
0x1c: {  	[sflag:s0] =	ssyncset.done @!p1 $0x0  }
0x1d: {  	[sflag:s0] =	ssyncadd.s32 @!p1 $0xFFFFFFF0;
	p1 =	sne.s32 s24, s12  }
.Ltmp1:
0x1e: {  	s2 =	sadd.s32 $0x1F40, s23;
	(pc) =	sbr.rel @!p1 .LBB2_10-.Ltmp1, $4  }
0x1f: {  	s22 =	smov.u32 s3;
	s31 =	sadd.s32 $0x1, s24;
	s17 =	sadd.s32 $0x1F40, s17  }
0x20: {  	s18 =	sadd.s32 $0x1, s18;
	s25 =	smov.u32 s23;
	p2 =	slt.s32 s2, s4  }
0x21: {  	p0 =	por !p0, !p0;
	s19 =	sadd.s32 $0x1F40, s19;
	s22 =	smov.u32 @p2 s2  }
0x22: {  	s20 =	sadd.s32 $0x1, s20;
	s23 =	smov.u32 s22;
	s24 =	smov.u32 s31  }
.LBB2_1:
0x23: {  	p1 =	sge.u32 s24, s9  }
0x24: {  	s0 =	smulhi.u32 @!p1 $0xAAAAAAAB, s24;
	_ =	sdelay $0x1  }
0x25: {  	s0 =	sshrl.u32 @!p1 s0, $0x1  }
0x26: {  	s0 =	smul.u32 @!p1 $0x3, s0;
	_ =	sdelay $0x1  }
0x27: {  	s0 =	ssub.s32 @!p1 s24, s0  }
0x28: {  	s0 =	smul.u32 @!p1 $0x7D00, s0;
	_ =	sdelay $0x1  }
0x29: {  	s2 =	sshrl.u32 @!p1 s23, $0x3;
	s0 =	sshrl.u32 @!p1 s0, $0x2  }
0x2a: {  	s22 =	sand.u32 @!p1 $0x7, s23;
	s2 =	sadd.s32 @!p1 s5, s2;
	s0 =	sadd.s32 @!p1 $0x100, s0  }
0x2b: {  	[tilespmem:s0], [sflag:$0x7] =	stream.linear.gather @!p1 [hbm4b:s2+s22], $0x1F40, $0x38;
	[tilespmem:$0x11A60] =	vst v63  }
0x2c: {  	s0 =	sadd.s32 $0xFFFFFFFF, s24  }
0x2d: {  	p1 =	sge.u32 s0, s9  }
.Ltmp2:
0x2e: {  	_ = 	snop;
	(pc) =	sbr.rel @p1 .LBB2_5-.Ltmp2, $1  }
0x2f: {  	_ =	sdelay $0x3  }
0x30: {  	s2 =	smulhi.u32 $0xAAAAAAAB, s0;
	_ =	sdelay $0x1  }
0x31: {  	s2 =	sshrl.u32 s2, $0x1  }
0x32: {  	s2 =	smul.u32 $0x3, s2;
	_ =	sdelay $0x1  }
0x33: {  	s2 =	ssub.s32 s0, s2  }
0x34: {  	s2 =	smul.u32 $0x7D00, s2  }
0x35: {  	_ =	swait.ge [sflag:s7], $0x1F40  }
0x36: {  	[sflag:s7] =	ssyncset.done $0x0;
	s2 =	sshrl.u32 s2, $0x2  }
0x37: {  	[sflag:s7] =	ssyncadd.s32 $0xFFFFE0C0;
	(ifvalue) =	ssetifvalue $0xFFFFFFFF;
	v3 =	vld.msk [tilespmem:s2+$0x100 ss:$0x1], $0xffff;
	_ =	sdelay $0x2  }
0x38: {  	s30 =	smulhi.u32 $0xAAAAAAAB, s18;
	p1 =	sne.s32 s24, $0x1  }
0x39: {  	v4 =	vimm.s32 @!p1 $0x0  }
0x3a: {  	s2 =	sshrl.u32 s30, $0x1;
	v4 =	vperm.xlane @!p1 v3, v4  }
0x3b: {  	s22 =	sshll.u32 s24, $0x4;
	s2 =	smul.u32 $0xFFFE8900, s2;
	vm4 =	vlt.u32 v3, $0x18800  }
0x3c: {  	s22 =	sand.u32 $0x10, s22;
	v3 =	vnsel vm4, $0xFFFFFFFE, v3;
	vm4 =	vlt.u32 @!p1 v4, $0x18800  }
0x3d: {  	s2 =	sshra.s32 s2, $0x2;
	[tilespmem:s22+$0x60] =	vst v3;
	v3 =	vnsel @!p1 vm4, $0xFFFFFFFE, v4  }
0x3e: {  	s28 =	sadd.s32 s2, s17;
	[tilespmem:$0x80] =	vst @!p1 v3  }
0x3f: {  	v3 =	vld.msk [tilespmem:s28+$0x0 ss:$0x1], $0xffff;
	_ =	sdelay $0x4  }
0x40: {  	(xrf1) =	vunique.msk.u32 $0xffff, v3;
	_ =	sdelay $0xd  }
0x41: {  	v4 =	vimm.s32 $0xFFFFFFFF;
	v5, _, _ =	vpop (xrf1)  }
0x42: {  	vm5 =	vne.s32 v3, v4;
	vm4 =	veq.s32 v5, v2  }
0x43: {  	vm6 =	vlt.u32 v3, $0x18800;
	vm4 =	vmand vm5, vm4  }
0x44: {  	vm4 =	vmand vm6, vm4  }
0x45: {  	v4 =	vnsel vm4, $0xFFFFFFFF, v3  }
0x46: {  	s31 =	sand.u32 $0x1, s0  }
0x47: {  	s0 =	simm.s32 $0x1F40;
	p1 =	seq.s32 s31, $0x1  }
0x48: {  	s0 =	simm.s32 @!p1 $0x0  }
0x49: {  	s26 =	sadd.s32 $0x7DF0, s0;
	(ifvalue) =	ssetifvalue $0xFFFFFFFF  }
0x4a: {  	v3 =	vperm.xlane v3, v1;
	[tilespmem:s26], [sflag:$0x8] =	stream.indirect_vreg.gather [hbm4b:s1+s16], $0x1, v4, vm0, $0x4038;
	v4 =	vnsel vm6, $0xFFFFFFFE, v4;
	[tilespmem:$0x11A60] =	vst v63  }
0x4b: {  	s2 =	simm.s32 $0x0;
	s22 =	sadd.s32 $0xFFFFFFF0, s28;
	[tilespmem:s28+$0x0] =	vst v4  }
.LBB2_3:
0x4c: {  	v4 =	vld.msk [tilespmem:s22+$0x0 ss:$0x1], $0xffff;
	s2 =	sadd.s32 $0x10, s2;
	v5 =	vmov v3;
	s28 =	smov.u32 s22  }
0x4d: {  	p1 =	slt.u32 s2, $0x1F30;
	_ =	sdelay $0x4  }
0x4e: {  	v3 =	vperm.xlane v4, v1;
	(xrf1) =	vunique.msk.u32 $0xffff, v4;
	_ =	sdelay $0xd  }
0x4f: {  	v6, _, _ =	vpop (xrf1)  }
0x50: {  	vm5 =	vne.s32 v4, v5;
	vm4 =	veq.s32 v6, v2  }
0x51: {  	vm6 =	vlt.u32 v4, $0x18800;
	vm4 =	vmand vm5, vm4  }
0x52: {  	vm4 =	vmand vm6, vm4  }
0x53: {  	v4 =	vnsel vm4, $0xFFFFFFFF, v4  }
.Ltmp3:
0x54: {  	v5 =	vnsel vm6, $0xFFFFFFFE, v4;
	(pc) =	sbr.rel @p1 .LBB2_3-.Ltmp3, $3  }
0x55: {  	_ =	sdelay $0x1  }
0x56: {  	s22 =	sadd.s32 $0xFFFFFFF0, s22;
	s26 =	sadd.s32 $0xFFFFFFF0, s26;
	(ifvalue) =	ssetifvalue $0xFFFFFFFF  }
0x57: {  	[tilespmem:s26], [sflag:$0x8] =	stream.indirect_vreg.gather [hbm4b:s1+s16], $0x1, v4, vm0, $0x4038;
	[tilespmem:s28+$0x0] =	vst v5  }
0x58: {  	s2 =	sshrl.u32 s25, $0x3  }
0x59: {  	s0 =	sadd.s32 $0x9D40, s0;
	s2 =	sadd.s32 s6, s2  }
0x5a: {  	[tilespmem:s0], [sflag:$0x8] =	stream.linear.gather [hbm:s2], $0x1F40, $0x38;
	[tilespmem:$0x11A60] =	vst v63  }
.LBB2_5:
0x5b: {  	p1 =	slt.u32 s24, $0x2  }
0x5c: {  	p2 =	sge.u32 @!p1 s24, s12  }
0x5d: {  	p1 =	por p1, p2  }
.Ltmp4:
0x5e: {  	_ = 	snop;
	(pc) =	sbr.rel @p1 .LBB2_9-.Ltmp4, $1  }
0x5f: {  	_ =	sdelay $0x3  }
0x60: {  	s0 =	sadd.s32 $0xFFFFFFFE, s24  }
0x61: {  	s2 =	smulhi.u32 $0xAAAAAAAB, s0;
	_ =	sdelay $0x1  }
0x62: {  	s2 =	sshrl.u32 s2, $0x1  }
0x63: {  	s2 =	smul.u32 $0x3, s2;
	_ =	sdelay $0x1  }
0x64: {  	s0 =	ssub.s32 s0, s2  }
0x65: {  	_ =	swait.ge [sflag:s8], $0x3E80;
	s0 =	smul.u32 $0x1F40, s0  }
0x66: {  	p1 =	sne.s32 s24, s11;
	[sflag:s8] =	ssyncset.done $0x0  }
0x67: {  	[sflag:s8] =	ssyncadd.s32 $0xFFFFC180;
	s2 =	sadd.s32 @!p1 $0x203F, s0  }
0x68: {  	[spmem:s13] =	stream.linear.scatter @!p1 [tilespmem:s2], [sflag:$0x1], $0x1, $0x38;
	[tilespmem:$0x11A60] =	vst v63  }
0x69: {  	s2 =	simm.s32 @!p1 $0x1  }
0x6a: {  	_ =	swait.ge @!p1 [sflag:s2], $0x1  }
0x6b: {  	s22 =	sshll.u32 s24, $0x4;
	[sflag:s2] =	ssyncset.done @!p1 $0x0  }
0x6c: {  	s25 =	sand.u32 $0x10, s22;
	[sflag:s2] =	ssyncadd.s32 @!p1 $0xFFFFFFFF  }
0x6d: {  	s2 =	sxor.u32 $0x10, s25;
	v4 =	vld [tilespmem:s25+$0x10]  }
0x6e: {  	v5 =	vld [tilespmem:s2+$0x60]  }
0x6f: {  	v3 =	vld [tilespmem:$0x80];
	_ =	sdelay $0x2  }
0x70: {  	(v2sf) =	vpush v4, $0x0  }
0x71: {  	(v2sf) =	vpush v5, $0x0  }
0x72: {  	(v2sf) =	vpush v3, $0x0;
	_ =	sdelay $0xc  }
0x73: {  	s22 =	spop (v2sf)  }
0x74: {  	s26 =	spop (v2sf)  }
0x75: {  	s28 =	spop (v2sf)  }
0x76: {  	p2 =	seq.s32 s22, s26;
	p3 =	seq.s32 s28, s22  }
0x77: {  	p3 =	por p2, p3  }
0x78: {  	s26 =	sand.u32 $0x1, s24;
	v4 =	vpsel p3, $0xFFFFFFFF, v4  }
0x79: {  	s29 =	smul.u32 $0x1F40, s26;
	[tilespmem:s25+$0x10] =	vst.msk $0x1, v4  }
0x7a: {  	v4 =	vld [tilespmem:$0x30]  }
0x7b: {  	v5 =	vld [tilespmem:s29+$0x9D40]  }
0x7c: {  	v6 =	vld [tilespmem:s25+$0x40];
	_ =	sdelay $0x3  }
0x7d: {  	vm4 =	vmmov vm1;
	v5 =	vadd.f32 v5, v4  }
0x7e: {  	vm5 =	vmmov vm2;
	vm4 =	vmmov @p2 vm2;
	s22 =	sshll.u32 s26, $0x4;
	v4 =	vadd.f32 v6, v4  }
0x7f: {  	s26 =	sor.u32 $0x11A40, s22;
	vm5 =	vmmov @p3 vm1;
	[tilespmem:s29+$0x9D40] =	vst.msk vm4, v5  }
0x80: {  	[tilespmem:s26+$0x0] =	vst.msk vm5, v4  }
0x81: {  	v4 =	vld [tilespmem:s29+$0x7DF0];
	_ =	sdelay $0x3  }
0x82: {  	v5 =	vimm.f32 $0.0e+00  }
0x83: {  	v4 =	vshift.insert v4, v5, s21  }
0x84: {  	s22 =	sor.u32 $0x40, s2  }
0x85: {  	[tilespmem:s22+$0x0] =	vst.msk $0x1, v4  }
0x86: {  	[tilespmem:s29+$0x7DFF] =	vst.msk $0x1, v5  }
0x87: {  	v4 =	vld [tilespmem:s0+$0x2030];
	_ =	sdelay $0x1  }
0x88: {  	s22 =	smulhi.u32 $0xAAAAAAAB, s20;
	s0 =	simm.s32 $0x1  }
0x89: {  	s0 =	simm.s32 @!p0 $0x0  }
0x8a: {  	s22 =	sshrl.u32 s22, $0x1;
	s0 =	smul.u32 $0x7D00, s0  }
0x8b: {  	s22 =	smul.u32 $0xFFFE8900, s22;
	v4 =	vshift.insert v4, v1, s21  }
0x8c: {  	s0 =	sshrl.u32 s0, $0x2  }
0x8d: {  	s22 =	sshra.s32 s22, $0x2;
	s30 =	sadd.s32 $0x9D40, s0;
	[tilespmem:s2+$0x10] =	vst.msk $0x1, v4  }
0x8e: {  	s22 =	sadd.s32 s22, s19;
	v6 =	vld [tilespmem:s30+$0x0]  }
0x8f: {  	v7 =	vld [tilespmem:s22+$0x0];
	_ =	sdelay $0x3  }
0x90: {  	v5 =	vadd.f32 v6, v5  }
0x91: {  	vm4 =	vne.s32 v7, $0xFFFFFFFF  }
0x92: {  	(xrf2) =	vadd.seg.scan.f32 vm4, v5;
	_ =	sdelay $0x3  }
0x93: {  	s31 =	sadd.s32 $0x5EC0, s0;
	v5 =	vperm.xlane v4, v1  }
0x94: {  	v6 =	vld [tilespmem:s31+$0x0]  }
0x95: {  	vm5 =	veq.s32 v7, v3;
	vm6 =	veq.s32 v7, v5  }
0x96: {  	vm7 =	vgt.u32 v7, $0xFFFFFFFD;
	vm6 =	vmor vm6, vm5  }
0x97: {  	vm6 =	vmor vm6, vm7  }
0x98: {  	v9 =	vld [tilespmem:$0xA0];
	v7 =	vsel vm6, $0xFFFFFFFF, v7  }
0x99: {  	v10 =	vld [tilespmem:$0x90];
	v6 =	vsel vm5, $0x0, v6;
	v8, _, _ =	vpop (xrf2)  }
0x9a: {  	v6 =	vadd.f32 v8, v6  }
0x9b: {  	s0 =	sadd.s32 $0xDBC0, s0  }
0x9c: {  	vm4 =	vmand vm4, vm3;
	[tilespmem:s0+$0x0] =	vst v6;
	(ifvalue) =	ssetifvalue $0xFFFFFFFF  }
0x9d: {  	vm6 =	veq.s32 v9, $0x1;
	[hbm4b:s1+s16] =	stream.indirect_vreg.scatter [tilespmem:s0], [sflag:$0x2], $0x1, v7, vm0, $0x4038;
	v7 =	vsel vm4, $0x0, v8;
	[tilespmem:$0x11A60] =	vst v63  }
0x9e: {  	s2 =	simm.s32 $0x0;
	s22 =	sadd.s32 $0x10, s22;
	vm4 =	vmor vm6, vm5;
	v6 =	vsel vm5, v8, v10;
	v7 =	vshift.insert v7, v0, s21  }
.LBB2_7:
0x9f: {  	v8 =	vld [tilespmem:s22+$0x0];
	s30 =	sadd.s32 $0x10, s30  }
0xa0: {  	s31 =	sadd.s32 $0x10, s31;
	v9 =	vld [tilespmem:s30+$0x0]  }
0xa1: {  	s2 =	sadd.s32 $0x10, s2;
	v10 =	vld [tilespmem:s31+$0x0]  }
0xa2: {  	p2 =	slt.u32 s2, $0x1F30;
	_ =	sdelay $0x2  }
0xa3: {  	v7 =	vadd.f32 v9, v7  }
0xa4: {  	vm5 =	vne.s32 v8, $0xFFFFFFFF  }
0xa5: {  	vm6 =	vmand vm5, vm3;
	(xrf2) =	vadd.seg.scan.f32 vm5, v7;
	_ =	sdelay $0x5  }
0xa6: {  	vm7 =	veq.s32 v8, v5;
	vm5 =	veq.s32 v8, v3  }
0xa7: {  	vm8 =	vgt.u32 v8, $0xFFFFFFFD;
	vm4 =	vmor vm4, vm5;
	vm7 =	vmor vm7, vm5  }
0xa8: {  	vm7 =	vmor vm7, vm8  }
0xa9: {  	v8 =	vsel vm7, $0xFFFFFFFF, v8  }
.Ltmp5:
0xaa: {  	v7 =	vsel vm5, $0x0, v10;
	v9, _, _ =	vpop (xrf2);
	(pc) =	sbr.rel @p2 .LBB2_7-.Ltmp5, $4  }
0xab: {  	v6 =	vsel vm5, v9, v6;
	v10 =	vadd.f32 v9, v7;
	v7 =	vsel vm6, $0x0, v9  }
0xac: {  	s0 =	sadd.s32 $0x10, s0;
	v7 =	vshift.insert v7, v0, s21  }
0xad: {  	s22 =	sadd.s32 $0x10, s22;
	[tilespmem:s0+$0x0] =	vst v10;
	(ifvalue) =	ssetifvalue $0xFFFFFFFF  }
0xae: {  	[hbm4b:s1+s16] =	stream.indirect_vreg.scatter [tilespmem:s0], [sflag:$0x2], $0x1, v8, vm0, $0x4038;
	[tilespmem:$0x11A60] =	vst v63  }
0xaf: {  	v3 =	vld [tilespmem:s29+$0xFAF0];
	_ =	sdelay $0x4  }
0xb0: {  	v3 =	vshift.insert v3, v0, s21  }
0xb1: {  	s0 =	simm.s32 $0x30  }
0xb2: {  	[tilespmem:s0+$0x0] =	vst.msk $0x1, v3  }
0xb3: {  	v3 =	vsel vm4, $0x1, v1;
	[tilespmem:$0x90] =	vst v6  }
0xb4: {  	s0 =	sadd.s32 @!p1 $0xFAFF, s29;
	[tilespmem:$0xA0] =	vst v3  }
0xb5: {  	[spmem:s14] =	stream.linear.scatter @!p1 [tilespmem:s0], [sflag:$0x1], $0x1, $0x38;
	[tilespmem:$0x11A60] =	vst v63  }
0xb6: {  	s0 =	simm.s32 @!p1 $0x1  }
0xb7: {  	v3 =	vmctz.xlane @!p1 vm4;
	_ =	swait.ge @!p1 [sflag:s0], $0x1  }
0xb8: {  	(v2sf) =	vpush @!p1 v4, $0x0  }
0xb9: {  	(v2sf) =	vpush @!p1 v3, $0x0;
	_ =	sdelay $0xd  }
0xba: {  	s2 =	spop @!p1 (v2sf)  }
0xbb: {  	s22 =	spop @!p1 (v2sf)  }
0xbc: {  	p2 =	sne.s32 @!p1 s28, s2;
	p3 =	slt.s32 @!p1 s22, $0xF  }
0xbd: {  	[sflag:s0] =	ssyncset.done @!p1 $0x0;
	p2 =	por p2, p1;
	p3 =	por !p3, p1  }
0xbe: {  	[sflag:s0] =	ssyncadd.s32 @!p1 $0xFFFFFFFF;
	v3 =	vimm.s32 @!p2 $0xFFFFFFFF;
	s22 =	simm.s32 @p3 $0xF  }
0xbf: {  	[tilespmem:$0x80] =	vst @!p2 v3;
	s2 =	sadd.s32 @!p1 $0x90, s22  }
0xc0: {  	[spmem:s10] =	stream.linear.scatter @!p1 [tilespmem:s2], [sflag:$0x1], $0x1, $0x38;
	[tilespmem:$0x11A60] =	vst v63  }
0xc1: {  	_ =	swait.ge @!p1 [sflag:s0], $0x1  }
0xc2: {  	[sflag:s0] =	ssyncset.done @!p1 $0x0  }
0xc3: {  	s2 =	simm.s32 @!p1 $0x80;
	[sflag:s0] =	ssyncadd.s32 @!p1 $0xFFFFFFFF  }
0xc4: {  	[spmem:s15] =	stream.linear.scatter @!p1 [tilespmem:s2], [sflag:$0x1], $0x1, $0x38;
	[tilespmem:$0x11A60] =	vst v63  }
0xc5: {  	_ =	swait.ge @!p1 [sflag:s0], $0x1  }
0xc6: {  	[sflag:s0] =	ssyncset.done @!p1 $0x0  }
0xc7: {  	[sflag:s0] =	ssyncadd.s32 @!p1 $0xFFFFFFFF;
	(ifvalue) =	ssetifvalue $0xFFFFFFFF;
	v3 =	vld [tilespmem:s25+$0x10];
	_ =	sdelay $0x3  }
.Ltmp6:
0xc8: {  	_ = 	snop;
	(pc) =	sbr.rel .LBB2_9-.Ltmp6, $3  }
0xc9: {  	_ =	sdelay $0x1  }
0xca: {  	(ifvalue) =	ssetifvalue $0xFFFFFFFF  }
0xcb: {  	[hbm4b:s1+s16] =	stream.indirect_vreg.scatter [tilespmem:s26], [sflag:$0x9], $0x1, v3, vm0, $0x4038;
	[tilespmem:$0x11A60] =	vst v63  }
.LBB2_10:
0xcc: {  	_ =	sfence.sel $0x180000  }
0xcd: {  	s0 =	simm.s32 $0x7;
	[bflag:$0x0] =	sbarrier.arrive $0xFFFF  }
0xce: {  	s26 =	simm.s32 $0x8;
	[sflag:s0] =	ssyncpa.u1 $0x1  }
0xcf: {  	s28 =	simm.s32 $0x9;
	[sflag:s26] =	ssyncpa.u1 $0x1  }
0xd0: {  	[sflag:s28] =	ssyncpa.u1 $0x1  }
0xd1: {  	_ =	sfence.stream.spmem  }
0xd2: {  	s29 =	simm.s32 $0x3;
	[bflag:$0x0] =	sbarrier.arrive $0xFFFF  }
0xd3: {  	s30 =	simm.s32 $0x4;
	[sflag:s29] =	ssyncpa.u1 $0x1  }
0xd4: {  	s31 =	simm.s32 $0x3C;
	s2 =	stileid.u32;
	[sflag:s30] =	ssyncpa.u1 $0x1  }
0xd5: {  	p0 =	sne.s32 s2, $0x0;
	[sflag:s31] =	ssyncpa.u1 $0x1  }
0xd6: {  	s0 =	simm.s32 @p0 $0x1;
	_ =	sfence @p0  }
0xd7: {  	[sflag:s0] =	ssyncpa.u1 @p0 $0x1;
	s0 =	simm.s32 @p0 $0x2  }
0xd8: {  	[sflag:s0] =	ssyncpa.u1 @p0 $0x1  }
0xd9: {  	_ =	strace @p0 $0x90000047  }
0xda: {  	[bflag:$0x2] =	sbarrier.arrive @p0 $0xFFFF  }
0xdb: {  	_ =	shalt @p0  }
.LBB2_11:
0xdc: {  	_ =	sfence.stream.spmem;
	s0 =	simm.s32 $0x5  }
0xdd: {  	s2 =	simm.s32 $0x80;
	s3 =	simm.s32 $0xC0;
	[sflag:s0] =	ssyncpa.u1 $0x0  }
0xde: {  	[tilespmem:s3], [sflag:$0x5] =	stream.linear.gather [spmem:s2], $0x20, $0x38;
	[tilespmem:$0x11A60] =	vst v63  }
0xdf: {  	s2 =	simm.s32 $0x0;
	s3 =	simm.s32 $0xE0  }
0xe0: {  	[tilespmem:s3], [sflag:$0x5] =	stream.linear.gather [spmem:s2], $0x20, $0x38;
	[tilespmem:$0x11A60] =	vst v63  }
.Ltmp7:
0xe1: {  	_ = 	snop;
	(pc) =	sbr.rel .LBB2_12-.Ltmp7, $4  }
0xe2: {  	_ =	swait.ge [sflag:s0], $0x40  }
0xe3: {  	[sflag:s0] =	ssyncset.done $0x0  }
0xe4: {  	s31 =	simm.s32 $0x6;
	[sflag:s0] =	ssyncadd.s32 $0xFFFFFFC0  }
0xe5: {  	s4 =	simm.s32 $0x0;
	[sflag:s31] =	ssyncpa.u1 $0x0  }
.LBB2_17:
0xe6: {  	p0 =	sgt.u32 s5, $0x187FF  }
0xe7: {  	s0 =	sshrl.u32 @!p0 s5, $0x3  }
0xe8: {  	s5 =	sand.u32 @!p0 $0x7, s5;
	s6 =	simm.s32 @!p0 $0xB0;
	s0 =	sadd.s32 @!p0 s1, s0  }
0xe9: {  	[tilespmem:s6], [sflag:$0x6] =	stream.linear.gather @!p0 [hbm4b:s0+s5], $0x1, $0x38;
	[tilespmem:$0x11A60] =	vst v63  }
0xea: {  	s0 =	simm.s32 @!p0 $0x6  }
0xeb: {  	_ =	swait.ge @!p0 [sflag:s0], $0x1  }
0xec: {  	[sflag:s0] =	ssyncset.done @!p0 $0x0  }
0xed: {  	[sflag:s0] =	ssyncadd.s32 @!p0 $0xFFFFFFFF  }
0xee: {  	v2 =	vmov @!p0 s4;
	v1 =	vld.msk @!p0 [tilespmem:$0xB0], $0x1;
	_ =	sdelay $0x3  }
0xef: {  	s0 =	simm.s32 @!p0 $0xE0  }
0xf0: {  	[tilespmem:v2+s0+$0x0], v1 =	vst.idx.ret.add.f32.msk @!p0 $0x1, v1  }
0xf1: {  	[tilespmem:s2+$0xC0] =	vst.msk $0x1, v0  }
0xf2: {  	v0 =	vld.msk [tilespmem:s4+$0xE0], $0x1;
	_ =	sdelay $0x4  }
0xf3: {  	[tilespmem:s2+$0xE0] =	vst.msk $0x1, v0;
	s2 =	sadd.s32 $0x1, s2  }
.LBB2_19:
0xf4: {  	s4 =	sadd.s32 $0x1, s4  }
0xf5: {  	p0 =	sne.s32 s4, $0x20  }
.Ltmp8:
0xf6: {  	_ = 	snop;
	(pc) =	sbr.rel @!p0 .LBB2_20-.Ltmp8, $1  }
0xf7: {  	_ =	sdelay $0x3  }
.LBB2_12:
0xf8: {  	v0 =	vld.msk [tilespmem:s4+$0xC0], $0x1;
	_ =	sdelay $0x4  }
0xf9: {  	(v2sf) =	vpush v0, $0x0;
	_ =	sdelay $0xe  }
0xfa: {  	s5 =	spop (v2sf)  }
0xfb: {  	p0 =	seq.s32 s5, $0xFFFFFFFF  }
.Ltmp9:
0xfc: {  	_ = 	snop;
	(pc) =	sbr.rel @p0 .LBB2_19-.Ltmp9, $1  }
0xfd: {  	_ =	sdelay $0x3  }
0xfe: {  	p0 =	slt.s32 s2, $0x1  }
.Ltmp10:
0xff: {  	_ = 	snop;
	(pc) =	sbr.rel @p0 .LBB2_17-.Ltmp10, $1  }
0x100: {  	_ =	sdelay $0x3  }
0x101: {  	s0 =	simm.s32 $0xC0;
	p0 =	por $0x0, $0x0  }
0x102: {  	v1 =	vld.msk @!p0 [tilespmem:s0+$0x0], $0x1;
	_ =	sdelay $0x4  }
0x103: {  	(v2sf) =	vpush @!p0 v1, $0x0;
	_ =	sdelay $0xd  }
0x104: {  	p2 =	sne.s32 s2, $0x1  }
.Ltmp11:
0x105: {  	s6 =	spop @!p0 (v2sf);
	(pc) =	sbr.rel @!p2 .LBB2_16-.Ltmp11, $4  }
0x106: {  	p1 =	seq.s32 @!p0 s5, s6  }
0x107: {  	s6 =	simm.s32 $0x0;
	p1 =	por !p1, p0  }
0x108: {  	s8 =	simm.s32 $0xFFFFFFFF;
	s6 =	simm.s32 @p1 $0xFFFFFFFF  }
0x109: {  	s7 =	simm.s32 $0x1;
	s6 =	smov.u32 @p0 s8  }
.LBB2_15:
0x10a: {  	s8 =	smov.u32 s6;
	p0 =	sne.s32 s6, $0xFFFFFFFF  }
0x10b: {  	s0 =	sadd.s32 $0x1, s0;
	s6 =	smov.u32 s7;
	s7 =	sadd.s32 $0x1, s7  }
0x10c: {  	p1 =	sne.s32 s2, s7;
	v1 =	vld.msk @!p0 [tilespmem:s0+$0x0], $0x1;
	_ =	sdelay $0x4  }
0x10d: {  	(v2sf) =	vpush @!p0 v1, $0x0;
	_ =	sdelay $0xe  }
.Ltmp12:
0x10e: {  	s9 =	spop @!p0 (v2sf);
	(pc) =	sbr.rel @p1 .LBB2_15-.Ltmp12, $4  }
0x10f: {  	p2 =	seq.s32 @!p0 s5, s9  }
0x110: {  	p2 =	por !p2, p0  }
0x111: {  	s6 =	simm.s32 @p2 $0xFFFFFFFF  }
0x112: {  	s6 =	smov.u32 @p0 s8  }
.LBB2_16:
0x113: {  	p0 =	sne.s32 s6, $0xFFFFFFFF  }
.Ltmp13:
0x114: {  	_ = 	snop;
	(pc) =	sbr.rel @!p0 .LBB2_17-.Ltmp13, $1  }
0x115: {  	_ =	sdelay $0x3  }
0x116: {  	v0 =	vld.msk [tilespmem:s4+$0xE0], $0x1;
	v1 =	vmov s6  }
.Ltmp14:
0x117: {  	_ = 	snop;
	(pc) =	sbr.rel .LBB2_19-.Ltmp14, $2  }
0x118: {  	_ =	sdelay $0x2  }
0x119: {  	[tilespmem:v1+s3+$0x0], v0 =	vst.idx.ret.add.f32.msk $0x1, v0  }
.LBB2_20:
0x11a: {  	p0 =	slt.s32 s2, $0x1  }
.Ltmp15:
0x11b: {  	_ = 	snop;
	(pc) =	sbr.rel @p0 .LBB2_24-.Ltmp15, $3  }
0x11c: {  	_ =	sdelay $0x1  }
0x11d: {  	s0 =	simm.s32 $0x6  }
0x11e: {  	s3 =	simm.s32 $0x0;
	[sflag:s0] =	ssyncpa.u1 $0x1  }
0x11f: {  	s0 =	simm.s32 $0xC0  }
0x120: {  	v0 =	vld.msk [tilespmem:s0+$0x0], $0x1;
	_ =	sdelay $0x4  }
0x121: {  	(v2sf) =	vpush v0, $0x0;
	_ =	sdelay $0xe  }
0x122: {  	s2 =	sadd.s32 $0xFFFFFFFF, s2;
	s4 =	spop (v2sf)  }
0x123: {  	p1 =	sne.s32 s2, $0x0;
	p0 =	sgt.u32 s4, $0x187FF  }
.Ltmp16:
0x124: {  	s5 =	sshrl.u32 @!p0 s4, $0x3;
	(pc) =	sbr.rel @!p1 .LBB2_23-.Ltmp16, $4  }
0x125: {  	s0 =	simm.s32 $0xE0;
	s4 =	sand.u32 @!p0 $0x7, s4;
	s5 =	sadd.s32 @!p0 s1, s5  }
0x126: {  	[hbm4b:s5+s4] =	stream.linear.scatter @!p0 [tilespmem:s0], [sflag:$0x5], $0x1, $0x38;
	[tilespmem:$0x11A60] =	vst v63  }
0x127: {  	s5 =	simm.s32 $0x0  }
0x128: {  	s4 =	simm.s32 $0xC1;
	s5 =	simm.s32 @!p0 $0x4  }
.LBB2_22:
0x129: {  	v0 =	vld.msk [tilespmem:s4+$0x0], $0x1;
	s2 =	sadd.s32 $0xFFFFFFFF, s2;
	s3 =	sadd.s32 s3, s5  }
0x12a: {  	p0 =	sne.s32 s2, $0x0;
	_ =	sdelay $0x3  }
0x12b: {  	(v2sf) =	vpush v0, $0x0;
	_ =	sdelay $0xe  }
.Ltmp17:
0x12c: {  	s6 =	spop (v2sf);
	(pc) =	sbr.rel @p0 .LBB2_22-.Ltmp17, $4  }
0x12d: {  	s5 =	simm.s32 $0x0;
	p1 =	sgt.u32 s6, $0x187FF  }
0x12e: {  	s0 =	sadd.s32 $0x1, s0;
	s5 =	simm.s32 @!p1 $0x4;
	s7 =	sshrl.u32 @!p1 s6, $0x3  }
0x12f: {  	s4 =	sadd.s32 $0x1, s4;
	s6 =	sand.u32 @!p1 $0x7, s6;
	s7 =	sadd.s32 @!p1 s1, s7  }
0x130: {  	[hbm4b:s7+s6] =	stream.linear.scatter @!p1 [tilespmem:s0], [sflag:$0x5], $0x1, $0x38;
	[tilespmem:$0x11A60] =	vst v63  }
.LBB2_23:
0x131: {  	s0 =	sadd.s32 s3, s5  }
0x132: {  	s3 =	sshrl.u32 s0, $0x2  }
.LBB2_24:
0x133: {  	s0 =	simm.s32 $0x5  }
0x134: {  	_ =	swait.ge [sflag:s0], s3  }
0x135: {  	s1 =	ssub.s32 $0x0, s3;
	[sflag:s0] =	ssyncset.done $0x0  }
0x136: {  	[sflag:s0] =	ssyncadd.s32 s1  }
0x137: {  	[sflag:s0] =	ssyncpa.u1 $0x1  }
0x138: {  	s29 =	simm.s32 $0x1;
	_ =	sfence  }
0x139: {  	s30 =	simm.s32 $0x2;
	[sflag:s29] =	ssyncpa.u1 $0x1  }
0x13a: {  	[sflag:s30] =	ssyncpa.u1 $0x1  }
0x13b: {  	_ =	strace $0x90000047  }
0x13c: {  	[bflag:$0x2] =	sbarrier.arrive $0xFFFF  }
0x13d: {  	s31 =	rddreg [dreg:$0x1]  }
0x13e: {  	s0 =	sadd.s32 $0x100000, s31  }
0x13f: {  	[sflag:s0] =	ssyncadd.tile.s32 $0x1;
	_ =	shalt  }
.Lfunc_end2:
_tile_overlayer_lowered:
.L_overlay_start_2:
0x140: {  	(tag) =	ssettag $0x2  }
0x141: {  	s0 =	rddreg [dreg:$0x0];
	s2 =	stileid.u32  }
0x142: {  	s1 =	rddreg [dreg:$0x1];
	p0 =	sne.s32 s2, $0x0  }
0x143: {  	s3 =	rddreg [dreg:$0x2];
	[bflag:$0x3] =	sbarrier.arrive $0xFFFF;
	s2 =	simm.s32 @!p0 $0x1C01  }
0x144: {  	[timem:s3], [sflag:s2] =	dma.local @!p0 [hbm:s0], s1  }
0x145: {  	s0 =	simm.s32 @!p0 $0x1  }
0x146: {  	_ =	swait.ge @!p0 [sflag:s0], s1  }
0x147: {  	s1 =	ssub.s32 @!p0 $0x0, s1;
	[sflag:s0] =	ssyncset.done @!p0 $0x0  }
0x148: {  	[sflag:s0] =	ssyncadd.s32 @!p0 s1  }
0x149: {  	[bflag:$0x3] =	sbarrier.arrive $0xFFFF  }
0x14a: {  	_ =	shalt  }

</sc_bundles>
